<compile_context>
chip_gen: v7x
topology: tpu7x:2x2x1
jax: 0.10.2.dev20260603
libtpu: 0.0.44.dev20260713+nightly
codegen_flags: <defaults>
</compile_context>

<pallas_src>
import functools

import jax
import jax.numpy as jnp
from jax import lax
from jax.experimental import pallas as pl
from jax.experimental.pallas import tpu as pltpu
from jax.experimental.pallas import tpu_sc as plsc

_INFO = plsc.get_sparse_core_info()
_NC, _NS = _INFO.num_cores, _INFO.num_subcores
_NW = _NC * _NS

_CHUNK = 1600
_PAD_D = 128
_TCOLS = 4
_TPW = 62


@functools.lru_cache(maxsize=None)
def _make_transpose(V, D):
    n_tj = D // 8
    n_ti = (V + 127) // 128
    lanes = _TCOLS * 128
    bwords = lanes * D
    last_start = n_ti - _TCOLS
    mesh = plsc.VectorSubcoreMesh(core_axis_name="c", subcore_axis_name="s")

    @functools.partial(
        pl.kernel,
        mesh=mesh,
        out_type=jax.ShapeDtypeStruct((n_ti * 128 * D,), jnp.float32),
        scratch_types=[
            pltpu.VMEM((D, lanes), jnp.float32),
            pltpu.VMEM((D, lanes), jnp.float32),
            pltpu.VMEM((bwords,), jnp.float32),
            pltpu.VMEM((bwords,), jnp.float32),
            pltpu.SemaphoreType.DMA,
            pltpu.SemaphoreType.DMA,
            pltpu.SemaphoreType.DMA,
            pltpu.SemaphoreType.DMA,
        ],
        compiler_params=pltpu.CompilerParams(needs_layout_passes=False),
    )
    def transpose_kernel(tab_t, rows1d, tiles0, tiles1, blk0, blk1,
                         gsem0, gsem1, ssem0, ssem1):
        wid = lax.axis_index("s") * _NC + lax.axis_index("c")
        tiles = (tiles0, tiles1)
        blk = (blk0, blk1)
        gsem = (gsem0, gsem1)
        ssem = (ssem0, ssem1)

        i16d = lax.iota(jnp.int32, 16) * D

        def start_col(g):
            return jnp.minimum((wid * _TPW + g) * _TCOLS, last_start)

        def start_in(g, b):
            lane0 = start_col(g) * 128
            for tj in range(n_tj):
                pltpu.async_copy(
                    tab_t.at[pl.ds(8 * tj, 8), pl.ds(lane0, lanes)],
                    tiles[b].at[pl.ds(8 * tj, 8), :], gsem[b])

        def wait_in(b):
            for tj in range(n_tj):
                pltpu.make_async_copy(
                    tab_t.at[pl.ds(0, 8), pl.ds(0, lanes)],
                    tiles[b].at[pl.ds(0, 8), :], gsem[b]).wait()

        def start_out(g, b):
            off = start_col(g) * 128 * D
            pltpu.async_copy(blk[b], rows1d.at[pl.ds(off, bwords)],
                             ssem[b])

        def wait_out(b):
            pltpu.make_async_copy(rows1d.at[pl.ds(0, bwords)], blk[b],
                                  ssem[b]).wait()

        start_in(0, 0)

        def group(gg, carry):
            for b in (0, 1):
                g = 2 * gg + b
                wait_in(b)
                nb = 1 - b

                @pl.when(g + 1 < _TPW)
                def _():
                    start_in(g + 1, nb)

                @pl.when(g >= 2)
                def _():
                    wait_out(b)

                @plsc.parallel_loop(0, lanes // 16, unroll=2)
                def _(c):
                    l0 = c * 16
                    ibase = i16d + l0 * D
                    for j in range(D):
                        v = tiles[b][j, pl.ds(l0, 16)]
                        plsc.store_scatter(blk[b], [ibase + j], v)

                start_out(g, b)
            return carry

        lax.fori_loop(0, _TPW // 2, group, 0)
        wait_out(0)
        wait_out(1)

    return transpose_kernel


@functools.lru_cache(maxsize=None)
def _make_gather(V, D, B):
    assert B % _NW == 0
    b_per_w = B // _NW
    assert b_per_w % (2 * _CHUNK) == 0
    n_steps = b_per_w // _CHUNK
    mesh = plsc.VectorSubcoreMesh(core_axis_name="c", subcore_axis_name="s")

    @functools.partial(
        pl.kernel,
        mesh=mesh,
        out_type=jax.ShapeDtypeStruct((B, _PAD_D), jnp.float32),
        scratch_types=[
            pltpu.VMEM((b_per_w,), jnp.int32),
            pltpu.VMEM((_CHUNK, D), jnp.float32),
            pltpu.VMEM((_CHUNK, D), jnp.float32),
            pltpu.SemaphoreType.DMA,
            pltpu.SemaphoreType.DMA,
            pltpu.SemaphoreType.DMA,
            pltpu.SemaphoreType.DMA,
        ],
        compiler_params=pltpu.CompilerParams(use_tc_tiling_on_sc=False),
    )
    def gather_kernel(table_hbm, idx_hbm, out_hbm, idx_v, rows0, rows1,
                      gsem0, gsem1, ssem0, ssem1):
        wid = lax.axis_index("s") * _NC + lax.axis_index("c")
        base = wid * b_per_w
        rows = (rows0, rows1)
        gsem = (gsem0, gsem1)
        ssem = (ssem0, ssem1)

        pltpu.sync_copy(idx_hbm.at[pl.ds(base, b_per_w)], idx_v)

        def start_gather(i, b):
            pltpu.async_copy(
                table_hbm.at[idx_v.at[pl.ds(i * _CHUNK, _CHUNK)]],
                rows[b], gsem[b])

        def wait_gather(b):
            pltpu.make_async_copy(
                table_hbm.at[pl.ds(0, _CHUNK)], rows[b], gsem[b]).wait()

        def start_store(i, b):
            off = base + i * _CHUNK
            pltpu.async_copy(
                rows[b], out_hbm.at[pl.ds(off, _CHUNK), pl.ds(0, D)],
                ssem[b])

        def wait_store(b):
            pltpu.make_async_copy(
                out_hbm.at[pl.ds(0, _CHUNK), pl.ds(0, D)], rows[b],
                ssem[b]).wait()

        start_gather(0, 0)

        def group(g, carry):
            for b in (0, 1):
                i = 2 * g + b
                wait_gather(b)
                nb = 1 - b

                @pl.when(jnp.logical_and(i >= 1, i + 1 < n_steps))
                def _():
                    wait_store(nb)

                @pl.when(i + 1 < n_steps)
                def _():
                    start_gather(i + 1, nb)

                start_store(i, b)
            return carry

        lax.fori_loop(0, n_steps // 2, group, 0)
        wait_store(0)
        wait_store(1)

    return gather_kernel


def kernel(x, table):
    B = x.shape[0] * x.shape[1]
    V, D = table.shape
    flat = jnp.reshape(x, (B,)).astype(jnp.int32)
    rows1d = _make_transpose(V, D)(jnp.transpose(table))
    v_pad = rows1d.shape[0] // D
    rows_rm = jnp.reshape(rows1d, (v_pad, D))
    out_pad = _make_gather(v_pad, D, B)(rows_rm, flat)
    return out_pad[:, :D]

# --- scband reference (transcript-rebuilt; emitter-appended) ---
"""Pipeline reference for scband-node-encoder-43061342109879 (READ-ONLY COPY).

The authoritative reference and input builder live on the scoring server;
editing this copy changes nothing except your own understanding.
"""

import jax, jax.numpy as jnp
import numpy as np

VOCAB = 1000000 + 1
EMBED = 32

def setup_inputs(seed: int = 0) -> dict:
    key = jax.random.key(seed)
    k1, k2 = jax.random.split(key)
    x = jax.random.randint(k1, (16384, 50), 0, VOCAB, dtype=jnp.int64) if jax.config.jax_enable_x64 else jax.random.randint(k1, (16384, 50), 0, VOCAB, dtype=jnp.int32)
    table = jax.random.normal(k2, (VOCAB, EMBED), dtype=jnp.float32)
    return {"x": x, "table": table}

def reference(x, table):
    flat = jnp.reshape(x, (-1,))
    out = jnp.take(table, flat, axis=0)
    return out

if __name__ == "__main__":
    import jax
    _d = setup_inputs()
    print(jax.jit(kernel)(*tuple(_d.values())))

</pallas_src>

<mosaic_0001>
#map = affine_map<(d0, d1) -> (0, 0)>
#map1 = affine_map<(d0, d1) -> (0)>
module attributes {stable_mosaic.version = 14 : i64} {
  func.func @transpose_kernel(%arg0: i32, %arg1: i32, %arg2: memref<32x1000001xf32, #tpu.memory_space<hbm>>, %arg3: memref<32002048xf32, #tpu.memory_space<hbm>>, %arg4: memref<32x512xf32, #tpu.memory_space<vmem>>, %arg5: memref<32x512xf32, #tpu.memory_space<vmem>>, %arg6: memref<16384xf32, #tpu.memory_space<vmem>>, %arg7: memref<16384xf32, #tpu.memory_space<vmem>>, %arg8: memref<!tpu.dma_semaphore, #tpu.memory_space<semaphore_mem>>, %arg9: memref<!tpu.dma_semaphore, #tpu.memory_space<semaphore_mem>>, %arg10: memref<!tpu.dma_semaphore, #tpu.memory_space<semaphore_mem>>, %arg11: memref<!tpu.dma_semaphore, #tpu.memory_space<semaphore_mem>>) attributes {dimension_semantics = [#tpu.dimension_semantics<core_parallel>, #tpu.dimension_semantics<subcore_parallel>], iteration_bounds = array<i64: 2, 16>, scalar_prefetch = 0 : i64, scratch_operands = 8 : i64, tpu.core_type = #tpu.core_type<sc_vector_subcore>, window_params = [{transform_indices = #map}, {transform_indices = #map1}]} {
    %mul3A = arith.constant 2 : i32
    %mul3A_0 = arith.muli %arg1, %mul3A : i32
    %add3A = arith.addi %mul3A_0, %arg0 : i32
    %iota3A = tpu.iota {dimensions = array<i32: 0>} : vector<16xi32>
    %mul3A_1 = arith.constant 32 : i32
    %mul3A_2 = vector.broadcast %mul3A_1 : i32 to vector<16xi32>
    %mul3A_3 = arith.muli %iota3A, %mul3A_2 : vector<16xi32>
    %mul3A_4 = arith.constant 62 : i32
    %mul3A_5 = arith.muli %add3A, %mul3A_4 : i32
    %add3A_6 = arith.constant 0 : i32
    %add3A_7 = arith.addi %mul3A_5, %add3A_6 : i32
    %mul3A_8 = arith.constant 4 : i32
    %mul3A_9 = arith.muli %add3A_7, %mul3A_8 : i32
    %min3A = arith.constant 7809 : i32
    %min3A_10 = arith.minsi %mul3A_9, %min3A : i32
    %mul3A_11 = arith.constant 128 : i32
    %mul3A_12 = arith.muli %min3A_10, %mul3A_11 : i32
    %dma_start3A = arith.constant 0 : i32
    %dma_start3A_13 = arith.constant 0 : i32
    %dma_start3A_14 = tpu.memref_slice %arg4[%dma_start3A, %dma_start3A_13] : memref<32x512xf32, #tpu.memory_space<vmem>> -> memref<8x512xf32, #tpu.memory_space<vmem>>
    %dma_start3A_15 = arith.constant 0 : i32
    %dma_start3A_16 = tpu.memref_slice %arg2[%dma_start3A_15, %mul3A_12] : memref<32x1000001xf32, #tpu.memory_space<hbm>> -> memref<8x512xf32, #tpu.memory_space<hbm>>
    %dma_start3A_17 = arith.constant 0 : i32
    %dma_start3A_18 = arith.constant 0 : i32
    %dma_start3A_19 = tpu.memref_slice %arg4[%dma_start3A_17, %dma_start3A_18] : memref<32x512xf32, #tpu.memory_space<vmem>> -> memref<8x512xf32, #tpu.memory_space<vmem>>
    %dma_start3A_20 = arith.constant 0 : i32
    %dma_start3A_21 = tpu.memref_slice %arg2[%dma_start3A_20, %mul3A_12] : memref<32x1000001xf32, #tpu.memory_space<hbm>> -> memref<8x512xf32, #tpu.memory_space<hbm>>
    tpu.enqueue_dma source(%dma_start3A_21 : memref<8x512xf32, #tpu.memory_space<hbm>>) target(%dma_start3A_19 : memref<8x512xf32, #tpu.memory_space<vmem>>) target_semaphore(%arg8 : memref<!tpu.dma_semaphore, #tpu.memory_space<semaphore_mem>>)
    %dma_start3A_22 = arith.constant 8 : i32
    %dma_start3A_23 = arith.constant 0 : i32
    %dma_start3A_24 = tpu.memref_slice %arg4[%dma_start3A_22, %dma_start3A_23] : memref<32x512xf32, #tpu.memory_space<vmem>> -> memref<8x512xf32, #tpu.memory_space<vmem>>
    %dma_start3A_25 = arith.constant 8 : i32
    %dma_start3A_26 = tpu.memref_slice %arg2[%dma_start3A_25, %mul3A_12] : memref<32x1000001xf32, #tpu.memory_space<hbm>> -> memref<8x512xf32, #tpu.memory_space<hbm>>
    %dma_start3A_27 = arith.constant 8 : i32
    %dma_start3A_28 = arith.constant 0 : i32
    %dma_start3A_29 = tpu.memref_slice %arg4[%dma_start3A_27, %dma_start3A_28] : memref<32x512xf32, #tpu.memory_space<vmem>> -> memref<8x512xf32, #tpu.memory_space<vmem>>
    %dma_start3A_30 = arith.constant 8 : i32
    %dma_start3A_31 = tpu.memref_slice %arg2[%dma_start3A_30, %mul3A_12] : memref<32x1000001xf32, #tpu.memory_space<hbm>> -> memref<8x512xf32, #tpu.memory_space<hbm>>
    tpu.enqueue_dma source(%dma_start3A_31 : memref<8x512xf32, #tpu.memory_space<hbm>>) target(%dma_start3A_29 : memref<8x512xf32, #tpu.memory_space<vmem>>) target_semaphore(%arg8 : memref<!tpu.dma_semaphore, #tpu.memory_space<semaphore_mem>>)
    %dma_start3A_32 = arith.constant 16 : i32
    %dma_start3A_33 = arith.constant 0 : i32
    %dma_start3A_34 = tpu.memref_slice %arg4[%dma_start3A_32, %dma_start3A_33] : memref<32x512xf32, #tpu.memory_space<vmem>> -> memref<8x512xf32, #tpu.memory_space<vmem>>
    %dma_start3A_35 = arith.constant 16 : i32
    %dma_start3A_36 = tpu.memref_slice %arg2[%dma_start3A_35, %mul3A_12] : memref<32x1000001xf32, #tpu.memory_space<hbm>> -> memref<8x512xf32, #tpu.memory_space<hbm>>
    %dma_start3A_37 = arith.constant 16 : i32
    %dma_start3A_38 = arith.constant 0 : i32
    %dma_start3A_39 = tpu.memref_slice %arg4[%dma_start3A_37, %dma_start3A_38] : memref<32x512xf32, #tpu.memory_space<vmem>> -> memref<8x512xf32, #tpu.memory_space<vmem>>
    %dma_start3A_40 = arith.constant 16 : i32
    %dma_start3A_41 = tpu.memref_slice %arg2[%dma_start3A_40, %mul3A_12] : memref<32x1000001xf32, #tpu.memory_space<hbm>> -> memref<8x512xf32, #tpu.memory_space<hbm>>
    tpu.enqueue_dma source(%dma_start3A_41 : memref<8x512xf32, #tpu.memory_space<hbm>>) target(%dma_start3A_39 : memref<8x512xf32, #tpu.memory_space<vmem>>) target_semaphore(%arg8 : memref<!tpu.dma_semaphore, #tpu.memory_space<semaphore_mem>>)
    %dma_start3A_42 = arith.constant 24 : i32
    %dma_start3A_43 = arith.constant 0 : i32
    %dma_start3A_44 = tpu.memref_slice %arg4[%dma_start3A_42, %dma_start3A_43] : memref<32x512xf32, #tpu.memory_space<vmem>> -> memref<8x512xf32, #tpu.memory_space<vmem>>
    %dma_start3A_45 = arith.constant 24 : i32
    %dma_start3A_46 = tpu.memref_slice %arg2[%dma_start3A_45, %mul3A_12] : memref<32x1000001xf32, #tpu.memory_space<hbm>> -> memref<8x512xf32, #tpu.memory_space<hbm>>
    %dma_start3A_47 = arith.constant 24 : i32
    %dma_start3A_48 = arith.constant 0 : i32
    %dma_start3A_49 = tpu.memref_slice %arg4[%dma_start3A_47, %dma_start3A_48] : memref<32x512xf32, #tpu.memory_space<vmem>> -> memref<8x512xf32, #tpu.memory_space<vmem>>
    %dma_start3A_50 = arith.constant 24 : i32
    %dma_start3A_51 = tpu.memref_slice %arg2[%dma_start3A_50, %mul3A_12] : memref<32x1000001xf32, #tpu.memory_space<hbm>> -> memref<8x512xf32, #tpu.memory_space<hbm>>
    tpu.enqueue_dma source(%dma_start3A_51 : memref<8x512xf32, #tpu.memory_space<hbm>>) target(%dma_start3A_49 : memref<8x512xf32, #tpu.memory_space<vmem>>) target_semaphore(%arg8 : memref<!tpu.dma_semaphore, #tpu.memory_space<semaphore_mem>>)
    %scan3A = arith.constant 0 : i32
    %scan3A_52 = arith.constant 0 : i32
    %scan3A_53 = arith.constant 31 : i32
    %scan3A_54 = arith.addi %scan3A_52, %scan3A_53 : i32
    %scan3A_55 = arith.constant 1 : i32
    scf.for %scan3A_64 = %scan3A_52 to %scan3A_54 step %scan3A_55  : i32 {
      %mul3A_65 = arith.constant 2 : i32
      %mul3A_66 = arith.muli %mul3A_65, %scan3A_64 : i32
      %add3A_67 = arith.constant 0 : i32
      %add3A_68 = arith.addi %mul3A_66, %add3A_67 : i32
      %dma_wait3A_69 = arith.constant 0 : i32
      %dma_wait3A_70 = arith.constant 0 : i32
      %dma_wait3A_71 = tpu.memref_slice %arg4[%dma_wait3A_69, %dma_wait3A_70] : memref<32x512xf32, #tpu.memory_space<vmem>> -> memref<8x512xf32, #tpu.memory_space<vmem>>
      %dma_wait3A_72 = arith.constant 0 : i32
      %dma_wait3A_73 = arith.constant 0 : i32
      %dma_wait3A_74 = tpu.memref_slice %arg2[%dma_wait3A_72, %dma_wait3A_73] : memref<32x1000001xf32, #tpu.memory_space<hbm>> -> memref<8x512xf32, #tpu.memory_space<hbm>>
      %dma_wait3A_75 = arith.constant 0 : i32
      %dma_wait3A_76 = arith.constant 0 : i32
      %dma_wait3A_77 = tpu.memref_slice %arg4[%dma_wait3A_75, %dma_wait3A_76] : memref<32x512xf32, #tpu.memory_space<vmem>> -> memref<8x512xf32, #tpu.memory_space<vmem>>
      %dma_wait3A_78 = arith.constant 0 : i32
      %dma_wait3A_79 = arith.constant 0 : i32
      %dma_wait3A_80 = tpu.memref_slice %arg2[%dma_wait3A_78, %dma_wait3A_79] : memref<32x1000001xf32, #tpu.memory_space<hbm>> -> memref<8x512xf32, #tpu.memory_space<hbm>>
      tpu.wait_dma2 semaphore(%arg8 : memref<!tpu.dma_semaphore, #tpu.memory_space<semaphore_mem>>) src(%dma_wait3A_80 : memref<8x512xf32, #tpu.memory_space<hbm>>) dst(%dma_wait3A_77 : memref<8x512xf32, #tpu.memory_space<vmem>>)
      %dma_wait3A_81 = arith.constant 0 : i32
      %dma_wait3A_82 = arith.constant 0 : i32
      %dma_wait3A_83 = tpu.memref_slice %arg4[%dma_wait3A_81, %dma_wait3A_82] : memref<32x512xf32, #tpu.memory_space<vmem>> -> memref<8x512xf32, #tpu.memory_space<vmem>>
      %dma_wait3A_84 = arith.constant 0 : i32
      %dma_wait3A_85 = arith.constant 0 : i32
      %dma_wait3A_86 = tpu.memref_slice %arg2[%dma_wait3A_84, %dma_wait3A_85] : memref<32x1000001xf32, #tpu.memory_space<hbm>> -> memref<8x512xf32, #tpu.memory_space<hbm>>
      %dma_wait3A_87 = arith.constant 0 : i32
      %dma_wait3A_88 = arith.constant 0 : i32
      %dma_wait3A_89 = tpu.memref_slice %arg4[%dma_wait3A_87, %dma_wait3A_88] : memref<32x512xf32, #tpu.memory_space<vmem>> -> memref<8x512xf32, #tpu.memory_space<vmem>>
      %dma_wait3A_90 = arith.constant 0 : i32
      %dma_wait3A_91 = arith.constant 0 : i32
      %dma_wait3A_92 = tpu.memref_slice %arg2[%dma_wait3A_90, %dma_wait3A_91] : memref<32x1000001xf32, #tpu.memory_space<hbm>> -> memref<8x512xf32, #tpu.memory_space<hbm>>
      tpu.wait_dma2 semaphore(%arg8 : memref<!tpu.dma_semaphore, #tpu.memory_space<semaphore_mem>>) src(%dma_wait3A_92 : memref<8x512xf32, #tpu.memory_space<hbm>>) dst(%dma_wait3A_89 : memref<8x512xf32, #tpu.memory_space<vmem>>)
      %dma_wait3A_93 = arith.constant 0 : i32
      %dma_wait3A_94 = arith.constant 0 : i32
      %dma_wait3A_95 = tpu.memref_slice %arg4[%dma_wait3A_93, %dma_wait3A_94] : memref<32x512xf32, #tpu.memory_space<vmem>> -> memref<8x512xf32, #tpu.memory_space<vmem>>
      %dma_wait3A_96 = arith.constant 0 : i32
      %dma_wait3A_97 = arith.constant 0 : i32
      %dma_wait3A_98 = tpu.memref_slice %arg2[%dma_wait3A_96, %dma_wait3A_97] : memref<32x1000001xf32, #tpu.memory_space<hbm>> -> memref<8x512xf32, #tpu.memory_space<hbm>>
      %dma_wait3A_99 = arith.constant 0 : i32
      %dma_wait3A_100 = arith.constant 0 : i32
      %dma_wait3A_101 = tpu.memref_slice %arg4[%dma_wait3A_99, %dma_wait3A_100] : memref<32x512xf32, #tpu.memory_space<vmem>> -> memref<8x512xf32, #tpu.memory_space<vmem>>
      %dma_wait3A_102 = arith.constant 0 : i32
      %dma_wait3A_103 = arith.constant 0 : i32
      %dma_wait3A_104 = tpu.memref_slice %arg2[%dma_wait3A_102, %dma_wait3A_103] : memref<32x1000001xf32, #tpu.memory_space<hbm>> -> memref<8x512xf32, #tpu.memory_space<hbm>>
      tpu.wait_dma2 semaphore(%arg8 : memref<!tpu.dma_semaphore, #tpu.memory_space<semaphore_mem>>) src(%dma_wait3A_104 : memref<8x512xf32, #tpu.memory_space<hbm>>) dst(%dma_wait3A_101 : memref<8x512xf32, #tpu.memory_space<vmem>>)
      %dma_wait3A_105 = arith.constant 0 : i32
      %dma_wait3A_106 = arith.constant 0 : i32
      %dma_wait3A_107 = tpu.memref_slice %arg4[%dma_wait3A_105, %dma_wait3A_106] : memref<32x512xf32, #tpu.memory_space<vmem>> -> memref<8x512xf32, #tpu.memory_space<vmem>>
      %dma_wait3A_108 = arith.constant 0 : i32
      %dma_wait3A_109 = arith.constant 0 : i32
      %dma_wait3A_110 = tpu.memref_slice %arg2[%dma_wait3A_108, %dma_wait3A_109] : memref<32x1000001xf32, #tpu.memory_space<hbm>> -> memref<8x512xf32, #tpu.memory_space<hbm>>
      %dma_wait3A_111 = arith.constant 0 : i32
      %dma_wait3A_112 = arith.constant 0 : i32
      %dma_wait3A_113 = tpu.memref_slice %arg4[%dma_wait3A_111, %dma_wait3A_112] : memref<32x512xf32, #tpu.memory_space<vmem>> -> memref<8x512xf32, #tpu.memory_space<vmem>>
      %dma_wait3A_114 = arith.constant 0 : i32
      %dma_wait3A_115 = arith.constant 0 : i32
      %dma_wait3A_116 = tpu.memref_slice %arg2[%dma_wait3A_114, %dma_wait3A_115] : memref<32x1000001xf32, #tpu.memory_space<hbm>> -> memref<8x512xf32, #tpu.memory_space<hbm>>
      tpu.wait_dma2 semaphore(%arg8 : memref<!tpu.dma_semaphore, #tpu.memory_space<semaphore_mem>>) src(%dma_wait3A_116 : memref<8x512xf32, #tpu.memory_space<hbm>>) dst(%dma_wait3A_113 : memref<8x512xf32, #tpu.memory_space<vmem>>)
      %add3A_117 = arith.constant 1 : i32
      %add3A_118 = arith.addi %add3A_68, %add3A_117 : i32
      %lt3A = arith.constant 62 : i32
      %lt3A_119 = arith.cmpi slt, %add3A_118, %lt3A : i32
      %convert_element_type3A = arith.extui %lt3A_119 : i1 to i32
      %cond3A = arith.constant 0 : i32
      %cond3A_120 = arith.cmpi ne, %convert_element_type3A, %cond3A : i32
      scf.if %cond3A_120 {
        %add3A_220 = arith.constant 1 : i32
        %add3A_221 = arith.addi %add3A_68, %add3A_220 : i32
        %mul3A_222 = arith.constant 62 : i32
        %mul3A_223 = arith.muli %add3A, %mul3A_222 : i32
        %add3A_224 = arith.addi %mul3A_223, %add3A_221 : i32
        %mul3A_225 = arith.constant 4 : i32
        %mul3A_226 = arith.muli %add3A_224, %mul3A_225 : i32
        %min3A_227 = arith.constant 7809 : i32
        %min3A_228 = arith.minsi %mul3A_226, %min3A_227 : i32
        %mul3A_229 = arith.constant 128 : i32
        %mul3A_230 = arith.muli %min3A_228, %mul3A_229 : i32
        %dma_start3A_231 = arith.constant 0 : i32
        %dma_start3A_232 = arith.constant 0 : i32
        %dma_start3A_233 = tpu.memref_slice %arg5[%dma_start3A_231, %dma_start3A_232] : memref<32x512xf32, #tpu.memory_space<vmem>> -> memref<8x512xf32, #tpu.memory_space<vmem>>
        %dma_start3A_234 = arith.constant 0 : i32
        %dma_start3A_235 = tpu.memref_slice %arg2[%dma_start3A_234, %mul3A_230] : memref<32x1000001xf32, #tpu.memory_space<hbm>> -> memref<8x512xf32, #tpu.memory_space<hbm>>
        %dma_start3A_236 = arith.constant 0 : i32
        %dma_start3A_237 = arith.constant 0 : i32
        %dma_start3A_238 = tpu.memref_slice %arg5[%dma_start3A_236, %dma_start3A_237] : memref<32x512xf32, #tpu.memory_space<vmem>> -> memref<8x512xf32, #tpu.memory_space<vmem>>
        %dma_start3A_239 = arith.constant 0 : i32
        %dma_start3A_240 = tpu.memref_slice %arg2[%dma_start3A_239, %mul3A_230] : memref<32x1000001xf32, #tpu.memory_space<hbm>> -> memref<8x512xf32, #tpu.memory_space<hbm>>
        tpu.enqueue_dma source(%dma_start3A_240 : memref<8x512xf32, #tpu.memory_space<hbm>>) target(%dma_start3A_238 : memref<8x512xf32, #tpu.memory_space<vmem>>) target_semaphore(%arg9 : memref<!tpu.dma_semaphore, #tpu.memory_space<semaphore_mem>>)
        %dma_start3A_241 = arith.constant 8 : i32
        %dma_start3A_242 = arith.constant 0 : i32
        %dma_start3A_243 = tpu.memref_slice %arg5[%dma_start3A_241, %dma_start3A_242] : memref<32x512xf32, #tpu.memory_space<vmem>> -> memref<8x512xf32, #tpu.memory_space<vmem>>
        %dma_start3A_244 = arith.constant 8 : i32
        %dma_start3A_245 = tpu.memref_slice %arg2[%dma_start3A_244, %mul3A_230] : memref<32x1000001xf32, #tpu.memory_space<hbm>> -> memref<8x512xf32, #tpu.memory_space<hbm>>
        %dma_start3A_246 = arith.constant 8 : i32
        %dma_start3A_247 = arith.constant 0 : i32
        %dma_start3A_248 = tpu.memref_slice %arg5[%dma_start3A_246, %dma_start3A_247] : memref<32x512xf32, #tpu.memory_space<vmem>> -> memref<8x512xf32, #tpu.memory_space<vmem>>
        %dma_start3A_249 = arith.constant 8 : i32
        %dma_start3A_250 = tpu.memref_slice %arg2[%dma_start3A_249, %mul3A_230] : memref<32x1000001xf32, #tpu.memory_space<hbm>> -> memref<8x512xf32, #tpu.memory_space<hbm>>
        tpu.enqueue_dma source(%dma_start3A_250 : memref<8x512xf32, #tpu.memory_space<hbm>>) target(%dma_start3A_248 : memref<8x512xf32, #tpu.memory_space<vmem>>) target_semaphore(%arg9 : memref<!tpu.dma_semaphore, #tpu.memory_space<semaphore_mem>>)
        %dma_start3A_251 = arith.constant 16 : i32
        %dma_start3A_252 = arith.constant 0 : i32
        %dma_start3A_253 = tpu.memref_slice %arg5[%dma_start3A_251, %dma_start3A_252] : memref<32x512xf32, #tpu.memory_space<vmem>> -> memref<8x512xf32, #tpu.memory_space<vmem>>
        %dma_start3A_254 = arith.constant 16 : i32
        %dma_start3A_255 = tpu.memref_slice %arg2[%dma_start3A_254, %mul3A_230] : memref<32x1000001xf32, #tpu.memory_space<hbm>> -> memref<8x512xf32, #tpu.memory_space<hbm>>
        %dma_start3A_256 = arith.constant 16 : i32
        %dma_start3A_257 = arith.constant 0 : i32
        %dma_start3A_258 = tpu.memref_slice %arg5[%dma_start3A_256, %dma_start3A_257] : memref<32x512xf32, #tpu.memory_space<vmem>> -> memref<8x512xf32, #tpu.memory_space<vmem>>
        %dma_start3A_259 = arith.constant 16 : i32
        %dma_start3A_260 = tpu.memref_slice %arg2[%dma_start3A_259, %mul3A_230] : memref<32x1000001xf32, #tpu.memory_space<hbm>> -> memref<8x512xf32, #tpu.memory_space<hbm>>
        tpu.enqueue_dma source(%dma_start3A_260 : memref<8x512xf32, #tpu.memory_space<hbm>>) target(%dma_start3A_258 : memref<8x512xf32, #tpu.memory_space<vmem>>) target_semaphore(%arg9 : memref<!tpu.dma_semaphore, #tpu.memory_space<semaphore_mem>>)
        %dma_start3A_261 = arith.constant 24 : i32
        %dma_start3A_262 = arith.constant 0 : i32
        %dma_start3A_263 = tpu.memref_slice %arg5[%dma_start3A_261, %dma_start3A_262] : memref<32x512xf32, #tpu.memory_space<vmem>> -> memref<8x512xf32, #tpu.memory_space<vmem>>
        %dma_start3A_264 = arith.constant 24 : i32
        %dma_start3A_265 = tpu.memref_slice %arg2[%dma_start3A_264, %mul3A_230] : memref<32x1000001xf32, #tpu.memory_space<hbm>> -> memref<8x512xf32, #tpu.memory_space<hbm>>
        %dma_start3A_266 = arith.constant 24 : i32
        %dma_start3A_267 = arith.constant 0 : i32
        %dma_start3A_268 = tpu.memref_slice %arg5[%dma_start3A_266, %dma_start3A_267] : memref<32x512xf32, #tpu.memory_space<vmem>> -> memref<8x512xf32, #tpu.memory_space<vmem>>
        %dma_start3A_269 = arith.constant 24 : i32
        %dma_start3A_270 = tpu.memref_slice %arg2[%dma_start3A_269, %mul3A_230] : memref<32x1000001xf32, #tpu.memory_space<hbm>> -> memref<8x512xf32, #tpu.memory_space<hbm>>
        tpu.enqueue_dma source(%dma_start3A_270 : memref<8x512xf32, #tpu.memory_space<hbm>>) target(%dma_start3A_268 : memref<8x512xf32, #tpu.memory_space<vmem>>) target_semaphore(%arg9 : memref<!tpu.dma_semaphore, #tpu.memory_space<semaphore_mem>>)
      } else {
      }
      %ge3A = arith.constant 2 : i32
      %ge3A_121 = arith.cmpi sge, %add3A_68, %ge3A : i32
      %convert_element_type3A_122 = arith.extui %ge3A_121 : i1 to i32
      %cond3A_123 = arith.constant 0 : i32
      %cond3A_124 = arith.cmpi ne, %convert_element_type3A_122, %cond3A_123 : i32
      scf.if %cond3A_124 {
        %dma_wait3A_220 = arith.constant 0 : i32
        %dma_wait3A_221 = tpu.memref_slice %arg3[%dma_wait3A_220] : memref<32002048xf32, #tpu.memory_space<hbm>> -> memref<16384xf32, #tpu.memory_space<hbm>>
        %dma_wait3A_222 = arith.constant 0 : i32
        %dma_wait3A_223 = tpu.memref_slice %arg3[%dma_wait3A_222] : memref<32002048xf32, #tpu.memory_space<hbm>> -> memref<16384xf32, #tpu.memory_space<hbm>>
        tpu.wait_dma2 semaphore(%arg10 : memref<!tpu.dma_semaphore, #tpu.memory_space<semaphore_mem>>) src(%dma_wait3A_223 : memref<16384xf32, #tpu.memory_space<hbm>>) dst(%arg6 : memref<16384xf32, #tpu.memory_space<vmem>>)
      } else {
      }
      %parallel_loop3A = arith.constant 0 : i32
      %parallel_loop3A_125 = arith.constant 32 : i32
      %parallel_loop3A_126 = arith.constant 1 : i32
      scf.for %parallel_loop3A_220 = %parallel_loop3A to %parallel_loop3A_125 step %parallel_loop3A_126  : i32 {
        %parallel_loop3A_221 = arith.constant 16 : i32
        %parallel_loop3A_222 = arith.muli %parallel_loop3A_220, %parallel_loop3A_221 : i32
        %parallel_loop3A_223 = arith.constant 32 : i32
        %parallel_loop3A_224 = arith.muli %parallel_loop3A_222, %parallel_loop3A_223 : i32
        %parallel_loop3A_225 = vector.broadcast %parallel_loop3A_224 : i32 to vector<16xi32>
        %parallel_loop3A_226 = arith.addi %mul3A_3, %parallel_loop3A_225 : vector<16xi32>
        %parallel_loop3A_227 = arith.constant 0 : i32
        %parallel_loop3A_228 = arith.index_cast %parallel_loop3A_227 : i32 to index
        %parallel_loop3A_229 = arith.index_cast %parallel_loop3A_222 : i32 to index
        %parallel_loop3A_230 = tpu.vector_load %arg4[%parallel_loop3A_228, %parallel_loop3A_229] {strides = array<i32>} : memref<32x512xf32, #tpu.memory_space<vmem>>, vector<16xf32>,
        %parallel_loop3A_231 = arith.constant 0 : i32
        %parallel_loop3A_232 = vector.broadcast %parallel_loop3A_231 : i32 to vector<16xi32>
        %parallel_loop3A_233 = arith.addi %parallel_loop3A_226, %parallel_loop3A_232 : vector<16xi32>
        tpu.vector_store_idx %arg6[%parallel_loop3A_233], %parallel_loop3A_230 : memref<16384xf32, #tpu.memory_space<vmem>>[vector<16xi32>], vector<16xf32>,
        %parallel_loop3A_234 = arith.constant 1 : i32
        %parallel_loop3A_235 = arith.index_cast %parallel_loop3A_234 : i32 to index
        %parallel_loop3A_236 = arith.index_cast %parallel_loop3A_222 : i32 to index
        %parallel_loop3A_237 = tpu.vector_load %arg4[%parallel_loop3A_235, %parallel_loop3A_236] {strides = array<i32>} : memref<32x512xf32, #tpu.memory_space<vmem>>, vector<16xf32>,
        %parallel_loop3A_238 = arith.constant 1 : i32
        %parallel_loop3A_239 = vector.broadcast %parallel_loop3A_238 : i32 to vector<16xi32>
        %parallel_loop3A_240 = arith.addi %parallel_loop3A_226, %parallel_loop3A_239 : vector<16xi32>
        tpu.vector_store_idx %arg6[%parallel_loop3A_240], %parallel_loop3A_237 : memref<16384xf32, #tpu.memory_space<vmem>>[vector<16xi32>], vector<16xf32>,
        %parallel_loop3A_241 = arith.constant 2 : i32
        %parallel_loop3A_242 = arith.index_cast %parallel_loop3A_241 : i32 to index
        %parallel_loop3A_243 = arith.index_cast %parallel_loop3A_222 : i32 to index
        %parallel_loop3A_244 = tpu.vector_load %arg4[%parallel_loop3A_242, %parallel_loop3A_243] {strides = array<i32>} : memref<32x512xf32, #tpu.memory_space<vmem>>, vector<16xf32>,
        %parallel_loop3A_245 = arith.constant 2 : i32
        %parallel_loop3A_246 = vector.broadcast %parallel_loop3A_245 : i32 to vector<16xi32>
        %parallel_loop3A_247 = arith.addi %parallel_loop3A_226, %parallel_loop3A_246 : vector<16xi32>
        tpu.vector_store_idx %arg6[%parallel_loop3A_247], %parallel_loop3A_244 : memref<16384xf32, #tpu.memory_space<vmem>>[vector<16xi32>], vector<16xf32>,
        %parallel_loop3A_248 = arith.constant 3 : i32
        %parallel_loop3A_249 = arith.index_cast %parallel_loop3A_248 : i32 to index
        %parallel_loop3A_250 = arith.index_cast %parallel_loop3A_222 : i32 to index
        %parallel_loop3A_251 = tpu.vector_load %arg4[%parallel_loop3A_249, %parallel_loop3A_250] {strides = array<i32>} : memref<32x512xf32, #tpu.memory_space<vmem>>, vector<16xf32>,
        %parallel_loop3A_252 = arith.constant 3 : i32
        %parallel_loop3A_253 = vector.broadcast %parallel_loop3A_252 : i32 to vector<16xi32>
        %parallel_loop3A_254 = arith.addi %parallel_loop3A_226, %parallel_loop3A_253 : vector<16xi32>
        tpu.vector_store_idx %arg6[%parallel_loop3A_254], %parallel_loop3A_251 : memref<16384xf32, #tpu.memory_space<vmem>>[vector<16xi32>], vector<16xf32>,
        %parallel_loop3A_255 = arith.constant 4 : i32
        %parallel_loop3A_256 = arith.index_cast %parallel_loop3A_255 : i32 to index
        %parallel_loop3A_257 = arith.index_cast %parallel_loop3A_222 : i32 to index
        %parallel_loop3A_258 = tpu.vector_load %arg4[%parallel_loop3A_256, %parallel_loop3A_257] {strides = array<i32>} : memref<32x512xf32, #tpu.memory_space<vmem>>, vector<16xf32>,
        %parallel_loop3A_259 = arith.constant 4 : i32
        %parallel_loop3A_260 = vector.broadcast %parallel_loop3A_259 : i32 to vector<16xi32>
        %parallel_loop3A_261 = arith.addi %parallel_loop3A_226, %parallel_loop3A_260 : vector<16xi32>
        tpu.vector_store_idx %arg6[%parallel_loop3A_261], %parallel_loop3A_258 : memref<16384xf32, #tpu.memory_space<vmem>>[vector<16xi32>], vector<16xf32>,
        %parallel_loop3A_262 = arith.constant 5 : i32
        %parallel_loop3A_263 = arith.index_cast %parallel_loop3A_262 : i32 to index
        %parallel_loop3A_264 = arith.index_cast %parallel_loop3A_222 : i32 to index
        %parallel_loop3A_265 = tpu.vector_load %arg4[%parallel_loop3A_263, %parallel_loop3A_264] {strides = array<i32>} : memref<32x512xf32, #tpu.memory_space<vmem>>, vector<16xf32>,
        %parallel_loop3A_266 = arith.constant 5 : i32
        %parallel_loop3A_267 = vector.broadcast %parallel_loop3A_266 : i32 to vector<16xi32>
        %parallel_loop3A_268 = arith.addi %parallel_loop3A_226, %parallel_loop3A_267 : vector<16xi32>
        tpu.vector_store_idx %arg6[%parallel_loop3A_268], %parallel_loop3A_265 : memref<16384xf32, #tpu.memory_space<vmem>>[vector<16xi32>], vector<16xf32>,
        %parallel_loop3A_269 = arith.constant 6 : i32
        %parallel_loop3A_270 = arith.index_cast %parallel_loop3A_269 : i32 to index
        %parallel_loop3A_271 = arith.index_cast %parallel_loop3A_222 : i32 to index
        %parallel_loop3A_272 = tpu.vector_load %arg4[%parallel_loop3A_270, %parallel_loop3A_271] {strides = array<i32>} : memref<32x512xf32, #tpu.memory_space<vmem>>, vector<16xf32>,
        %parallel_loop3A_273 = arith.constant 6 : i32
        %parallel_loop3A_274 = vector.broadcast %parallel_loop3A_273 : i32 to vector<16xi32>
        %parallel_loop3A_275 = arith.addi %parallel_loop3A_226, %parallel_loop3A_274 : vector<16xi32>
        tpu.vector_store_idx %arg6[%parallel_loop3A_275], %parallel_loop3A_272 : memref<16384xf32, #tpu.memory_space<vmem>>[vector<16xi32>], vector<16xf32>,
        %parallel_loop3A_276 = arith.constant 7 : i32
        %parallel_loop3A_277 = arith.index_cast %parallel_loop3A_276 : i32 to index
        %parallel_loop3A_278 = arith.index_cast %parallel_loop3A_222 : i32 to index
        %parallel_loop3A_279 = tpu.vector_load %arg4[%parallel_loop3A_277, %parallel_loop3A_278] {strides = array<i32>} : memref<32x512xf32, #tpu.memory_space<vmem>>, vector<16xf32>,
        %parallel_loop3A_280 = arith.constant 7 : i32
        %parallel_loop3A_281 = vector.broadcast %parallel_loop3A_280 : i32 to vector<16xi32>
        %parallel_loop3A_282 = arith.addi %parallel_loop3A_226, %parallel_loop3A_281 : vector<16xi32>
        tpu.vector_store_idx %arg6[%parallel_loop3A_282], %parallel_loop3A_279 : memref<16384xf32, #tpu.memory_space<vmem>>[vector<16xi32>], vector<16xf32>,
        %parallel_loop3A_283 = arith.constant 8 : i32
        %parallel_loop3A_284 = arith.index_cast %parallel_loop3A_283 : i32 to index
        %parallel_loop3A_285 = arith.index_cast %parallel_loop3A_222 : i32 to index
        %parallel_loop3A_286 = tpu.vector_load %arg4[%parallel_loop3A_284, %parallel_loop3A_285] {strides = array<i32>} : memref<32x512xf32, #tpu.memory_space<vmem>>, vector<16xf32>,
        %parallel_loop3A_287 = arith.constant 8 : i32
        %parallel_loop3A_288 = vector.broadcast %parallel_loop3A_287 : i32 to vector<16xi32>
        %parallel_loop3A_289 = arith.addi %parallel_loop3A_226, %parallel_loop3A_288 : vector<16xi32>
        tpu.vector_store_idx %arg6[%parallel_loop3A_289], %parallel_loop3A_286 : memref<16384xf32, #tpu.memory_space<vmem>>[vector<16xi32>], vector<16xf32>,
        %parallel_loop3A_290 = arith.constant 9 : i32
        %parallel_loop3A_291 = arith.index_cast %parallel_loop3A_290 : i32 to index
        %parallel_loop3A_292 = arith.index_cast %parallel_loop3A_222 : i32 to index
        %parallel_loop3A_293 = tpu.vector_load %arg4[%parallel_loop3A_291, %parallel_loop3A_292] {strides = array<i32>} : memref<32x512xf32, #tpu.memory_space<vmem>>, vector<16xf32>,
        %parallel_loop3A_294 = arith.constant 9 : i32
        %parallel_loop3A_295 = vector.broadcast %parallel_loop3A_294 : i32 to vector<16xi32>
        %parallel_loop3A_296 = arith.addi %parallel_loop3A_226, %parallel_loop3A_295 : vector<16xi32>
        tpu.vector_store_idx %arg6[%parallel_loop3A_296], %parallel_loop3A_293 : memref<16384xf32, #tpu.memory_space<vmem>>[vector<16xi32>], vector<16xf32>,
        %parallel_loop3A_297 = arith.constant 10 : i32
        %parallel_loop3A_298 = arith.index_cast %parallel_loop3A_297 : i32 to index
        %parallel_loop3A_299 = arith.index_cast %parallel_loop3A_222 : i32 to index
        %parallel_loop3A_300 = tpu.vector_load %arg4[%parallel_loop3A_298, %parallel_loop3A_299] {strides = array<i32>} : memref<32x512xf32, #tpu.memory_space<vmem>>, vector<16xf32>,
        %parallel_loop3A_301 = arith.constant 10 : i32
        %parallel_loop3A_302 = vector.broadcast %parallel_loop3A_301 : i32 to vector<16xi32>
        %parallel_loop3A_303 = arith.addi %parallel_loop3A_226, %parallel_loop3A_302 : vector<16xi32>
        tpu.vector_store_idx %arg6[%parallel_loop3A_303], %parallel_loop3A_300 : memref<16384xf32, #tpu.memory_space<vmem>>[vector<16xi32>], vector<16xf32>,
        %parallel_loop3A_304 = arith.constant 11 : i32
        %parallel_loop3A_305 = arith.index_cast %parallel_loop3A_304 : i32 to index
        %parallel_loop3A_306 = arith.index_cast %parallel_loop3A_222 : i32 to index
        %parallel_loop3A_307 = tpu.vector_load %arg4[%parallel_loop3A_305, %parallel_loop3A_306] {strides = array<i32>} : memref<32x512xf32, #tpu.memory_space<vmem>>, vector<16xf32>,
        %parallel_loop3A_308 = arith.constant 11 : i32
        %parallel_loop3A_309 = vector.broadcast %parallel_loop3A_308 : i32 to vector<16xi32>
        %parallel_loop3A_310 = arith.addi %parallel_loop3A_226, %parallel_loop3A_309 : vector<16xi32>
        tpu.vector_store_idx %arg6[%parallel_loop3A_310], %parallel_loop3A_307 : memref<16384xf32, #tpu.memory_space<vmem>>[vector<16xi32>], vector<16xf32>,
        %parallel_loop3A_311 = arith.constant 12 : i32
        %parallel_loop3A_312 = arith.index_cast %parallel_loop3A_311 : i32 to index
        %parallel_loop3A_313 = arith.index_cast %parallel_loop3A_222 : i32 to index
        %parallel_loop3A_314 = tpu.vector_load %arg4[%parallel_loop3A_312, %parallel_loop3A_313] {strides = array<i32>} : memref<32x512xf32, #tpu.memory_space<vmem>>, vector<16xf32>,
        %parallel_loop3A_315 = arith.constant 12 : i32
        %parallel_loop3A_316 = vector.broadcast %parallel_loop3A_315 : i32 to vector<16xi32>
        %parallel_loop3A_317 = arith.addi %parallel_loop3A_226, %parallel_loop3A_316 : vector<16xi32>
        tpu.vector_store_idx %arg6[%parallel_loop3A_317], %parallel_loop3A_314 : memref<16384xf32, #tpu.memory_space<vmem>>[vector<16xi32>], vector<16xf32>,
        %parallel_loop3A_318 = arith.constant 13 : i32
        %parallel_loop3A_319 = arith.index_cast %parallel_loop3A_318 : i32 to index
        %parallel_loop3A_320 = arith.index_cast %parallel_loop3A_222 : i32 to index
        %parallel_loop3A_321 = tpu.vector_load %arg4[%parallel_loop3A_319, %parallel_loop3A_320] {strides = array<i32>} : memref<32x512xf32, #tpu.memory_space<vmem>>, vector<16xf32>,
        %parallel_loop3A_322 = arith.constant 13 : i32
        %parallel_loop3A_323 = vector.broadcast %parallel_loop3A_322 : i32 to vector<16xi32>
        %parallel_loop3A_324 = arith.addi %parallel_loop3A_226, %parallel_loop3A_323 : vector<16xi32>
        tpu.vector_store_idx %arg6[%parallel_loop3A_324], %parallel_loop3A_321 : memref<16384xf32, #tpu.memory_space<vmem>>[vector<16xi32>], vector<16xf32>,
        %parallel_loop3A_325 = arith.constant 14 : i32
        %parallel_loop3A_326 = arith.index_cast %parallel_loop3A_325 : i32 to index
        %parallel_loop3A_327 = arith.index_cast %parallel_loop3A_222 : i32 to index
        %parallel_loop3A_328 = tpu.vector_load %arg4[%parallel_loop3A_326, %parallel_loop3A_327] {strides = array<i32>} : memref<32x512xf32, #tpu.memory_space<vmem>>, vector<16xf32>,
        %parallel_loop3A_329 = arith.constant 14 : i32
        %parallel_loop3A_330 = vector.broadcast %parallel_loop3A_329 : i32 to vector<16xi32>
        %parallel_loop3A_331 = arith.addi %parallel_loop3A_226, %parallel_loop3A_330 : vector<16xi32>
        tpu.vector_store_idx %arg6[%parallel_loop3A_331], %parallel_loop3A_328 : memref<16384xf32, #tpu.memory_space<vmem>>[vector<16xi32>], vector<16xf32>,
        %parallel_loop3A_332 = arith.constant 15 : i32
        %parallel_loop3A_333 = arith.index_cast %parallel_loop3A_332 : i32 to index
        %parallel_loop3A_334 = arith.index_cast %parallel_loop3A_222 : i32 to index
        %parallel_loop3A_335 = tpu.vector_load %arg4[%parallel_loop3A_333, %parallel_loop3A_334] {strides = array<i32>} : memref<32x512xf32, #tpu.memory_space<vmem>>, vector<16xf32>,
        %parallel_loop3A_336 = arith.constant 15 : i32
        %parallel_loop3A_337 = vector.broadcast %parallel_loop3A_336 : i32 to vector<16xi32>
        %parallel_loop3A_338 = arith.addi %parallel_loop3A_226, %parallel_loop3A_337 : vector<16xi32>
        tpu.vector_store_idx %arg6[%parallel_loop3A_338], %parallel_loop3A_335 : memref<16384xf32, #tpu.memory_space<vmem>>[vector<16xi32>], vector<16xf32>,
        %parallel_loop3A_339 = arith.constant 16 : i32
        %parallel_loop3A_340 = arith.index_cast %parallel_loop3A_339 : i32 to index
        %parallel_loop3A_341 = arith.index_cast %parallel_loop3A_222 : i32 to index
        %parallel_loop3A_342 = tpu.vector_load %arg4[%parallel_loop3A_340, %parallel_loop3A_341] {strides = array<i32>} : memref<32x512xf32, #tpu.memory_space<vmem>>, vector<16xf32>,
        %parallel_loop3A_343 = arith.constant 16 : i32
        %parallel_loop3A_344 = vector.broadcast %parallel_loop3A_343 : i32 to vector<16xi32>
        %parallel_loop3A_345 = arith.addi %parallel_loop3A_226, %parallel_loop3A_344 : vector<16xi32>
        tpu.vector_store_idx %arg6[%parallel_loop3A_345], %parallel_loop3A_342 : memref<16384xf32, #tpu.memory_space<vmem>>[vector<16xi32>], vector<16xf32>,
        %parallel_loop3A_346 = arith.constant 17 : i32
        %parallel_loop3A_347 = arith.index_cast %parallel_loop3A_346 : i32 to index
        %parallel_loop3A_348 = arith.index_cast %parallel_loop3A_222 : i32 to index
        %parallel_loop3A_349 = tpu.vector_load %arg4[%parallel_loop3A_347, %parallel_loop3A_348] {strides = array<i32>} : memref<32x512xf32, #tpu.memory_space<vmem>>, vector<16xf32>,
        %parallel_loop3A_350 = arith.constant 17 : i32
        %parallel_loop3A_351 = vector.broadcast %parallel_loop3A_350 : i32 to vector<16xi32>
        %parallel_loop3A_352 = arith.addi %parallel_loop3A_226, %parallel_loop3A_351 : vector<16xi32>
        tpu.vector_store_idx %arg6[%parallel_loop3A_352], %parallel_loop3A_349 : memref<16384xf32, #tpu.memory_space<vmem>>[vector<16xi32>], vector<16xf32>,
        %parallel_loop3A_353 = arith.constant 18 : i32
        %parallel_loop3A_354 = arith.index_cast %parallel_loop3A_353 : i32 to index
        %parallel_loop3A_355 = arith.index_cast %parallel_loop3A_222 : i32 to index
        %parallel_loop3A_356 = tpu.vector_load %arg4[%parallel_loop3A_354, %parallel_loop3A_355] {strides = array<i32>} : memref<32x512xf32, #tpu.memory_space<vmem>>, vector<16xf32>,
        %parallel_loop3A_357 = arith.constant 18 : i32
        %parallel_loop3A_358 = vector.broadcast %parallel_loop3A_357 : i32 to vector<16xi32>
        %parallel_loop3A_359 = arith.addi %parallel_loop3A_226, %parallel_loop3A_358 : vector<16xi32>
        tpu.vector_store_idx %arg6[%parallel_loop3A_359], %parallel_loop3A_356 : memref<16384xf32, #tpu.memory_space<vmem>>[vector<16xi32>], vector<16xf32>,
        %parallel_loop3A_360 = arith.constant 19 : i32
        %parallel_loop3A_361 = arith.index_cast %parallel_loop3A_360 : i32 to index
        %parallel_loop3A_362 = arith.index_cast %parallel_loop3A_222 : i32 to index
        %parallel_loop3A_363 = tpu.vector_load %arg4[%parallel_loop3A_361, %parallel_loop3A_362] {strides = array<i32>} : memref<32x512xf32, #tpu.memory_space<vmem>>, vector<16xf32>,
        %parallel_loop3A_364 = arith.constant 19 : i32
        %parallel_loop3A_365 = vector.broadcast %parallel_loop3A_364 : i32 to vector<16xi32>
        %parallel_loop3A_366 = arith.addi %parallel_loop3A_226, %parallel_loop3A_365 : vector<16xi32>
        tpu.vector_store_idx %arg6[%parallel_loop3A_366], %parallel_loop3A_363 : memref<16384xf32, #tpu.memory_space<vmem>>[vector<16xi32>], vector<16xf32>,
        %parallel_loop3A_367 = arith.constant 20 : i32
        %parallel_loop3A_368 = arith.index_cast %parallel_loop3A_367 : i32 to index
        %parallel_loop3A_369 = arith.index_cast %parallel_loop3A_222 : i32 to index
        %parallel_loop3A_370 = tpu.vector_load %arg4[%parallel_loop3A_368, %parallel_loop3A_369] {strides = array<i32>} : memref<32x512xf32, #tpu.memory_space<vmem>>, vector<16xf32>,
        %parallel_loop3A_371 = arith.constant 20 : i32
        %parallel_loop3A_372 = vector.broadcast %parallel_loop3A_371 : i32 to vector<16xi32>
        %parallel_loop3A_373 = arith.addi %parallel_loop3A_226, %parallel_loop3A_372 : vector<16xi32>
        tpu.vector_store_idx %arg6[%parallel_loop3A_373], %parallel_loop3A_370 : memref<16384xf32, #tpu.memory_space<vmem>>[vector<16xi32>], vector<16xf32>,
        %parallel_loop3A_374 = arith.constant 21 : i32
        %parallel_loop3A_375 = arith.index_cast %parallel_loop3A_374 : i32 to index
        %parallel_loop3A_376 = arith.index_cast %parallel_loop3A_222 : i32 to index
        %parallel_loop3A_377 = tpu.vector_load %arg4[%parallel_loop3A_375, %parallel_loop3A_376] {strides = array<i32>} : memref<32x512xf32, #tpu.memory_space<vmem>>, vector<16xf32>,
        %parallel_loop3A_378 = arith.constant 21 : i32
        %parallel_loop3A_379 = vector.broadcast %parallel_loop3A_378 : i32 to vector<16xi32>
        %parallel_loop3A_380 = arith.addi %parallel_loop3A_226, %parallel_loop3A_379 : vector<16xi32>
        tpu.vector_store_idx %arg6[%parallel_loop3A_380], %parallel_loop3A_377 : memref<16384xf32, #tpu.memory_space<vmem>>[vector<16xi32>], vector<16xf32>,
        %parallel_loop3A_381 = arith.constant 22 : i32
        %parallel_loop3A_382 = arith.index_cast %parallel_loop3A_381 : i32 to index
        %parallel_loop3A_383 = arith.index_cast %parallel_loop3A_222 : i32 to index
        %parallel_loop3A_384 = tpu.vector_load %arg4[%parallel_loop3A_382, %parallel_loop3A_383] {strides = array<i32>} : memref<32x512xf32, #tpu.memory_space<vmem>>, vector<16xf32>,
        %parallel_loop3A_385 = arith.constant 22 : i32
        %parallel_loop3A_386 = vector.broadcast %parallel_loop3A_385 : i32 to vector<16xi32>
        %parallel_loop3A_387 = arith.addi %parallel_loop3A_226, %parallel_loop3A_386 : vector<16xi32>
        tpu.vector_store_idx %arg6[%parallel_loop3A_387], %parallel_loop3A_384 : memref<16384xf32, #tpu.memory_space<vmem>>[vector<16xi32>], vector<16xf32>,
        %parallel_loop3A_388 = arith.constant 23 : i32
        %parallel_loop3A_389 = arith.index_cast %parallel_loop3A_388 : i32 to index
        %parallel_loop3A_390 = arith.index_cast %parallel_loop3A_222 : i32 to index
        %parallel_loop3A_391 = tpu.vector_load %arg4[%parallel_loop3A_389, %parallel_loop3A_390] {strides = array<i32>} : memref<32x512xf32, #tpu.memory_space<vmem>>, vector<16xf32>,
        %parallel_loop3A_392 = arith.constant 23 : i32
        %parallel_loop3A_393 = vector.broadcast %parallel_loop3A_392 : i32 to vector<16xi32>
        %parallel_loop3A_394 = arith.addi %parallel_loop3A_226, %parallel_loop3A_393 : vector<16xi32>
        tpu.vector_store_idx %arg6[%parallel_loop3A_394], %parallel_loop3A_391 : memref<16384xf32, #tpu.memory_space<vmem>>[vector<16xi32>], vector<16xf32>,
        %parallel_loop3A_395 = arith.constant 24 : i32
        %parallel_loop3A_396 = arith.index_cast %parallel_loop3A_395 : i32 to index
        %parallel_loop3A_397 = arith.index_cast %parallel_loop3A_222 : i32 to index
        %parallel_loop3A_398 = tpu.vector_load %arg4[%parallel_loop3A_396, %parallel_loop3A_397] {strides = array<i32>} : memref<32x512xf32, #tpu.memory_space<vmem>>, vector<16xf32>,
        %parallel_loop3A_399 = arith.constant 24 : i32
        %parallel_loop3A_400 = vector.broadcast %parallel_loop3A_399 : i32 to vector<16xi32>
        %parallel_loop3A_401 = arith.addi %parallel_loop3A_226, %parallel_loop3A_400 : vector<16xi32>
        tpu.vector_store_idx %arg6[%parallel_loop3A_401], %parallel_loop3A_398 : memref<16384xf32, #tpu.memory_space<vmem>>[vector<16xi32>], vector<16xf32>,
        %parallel_loop3A_402 = arith.constant 25 : i32
        %parallel_loop3A_403 = arith.index_cast %parallel_loop3A_402 : i32 to index
        %parallel_loop3A_404 = arith.index_cast %parallel_loop3A_222 : i32 to index
        %parallel_loop3A_405 = tpu.vector_load %arg4[%parallel_loop3A_403, %parallel_loop3A_404] {strides = array<i32>} : memref<32x512xf32, #tpu.memory_space<vmem>>, vector<16xf32>,
        %parallel_loop3A_406 = arith.constant 25 : i32
        %parallel_loop3A_407 = vector.broadcast %parallel_loop3A_406 : i32 to vector<16xi32>
        %parallel_loop3A_408 = arith.addi %parallel_loop3A_226, %parallel_loop3A_407 : vector<16xi32>
        tpu.vector_store_idx %arg6[%parallel_loop3A_408], %parallel_loop3A_405 : memref<16384xf32, #tpu.memory_space<vmem>>[vector<16xi32>], vector<16xf32>,
        %parallel_loop3A_409 = arith.constant 26 : i32
        %parallel_loop3A_410 = arith.index_cast %parallel_loop3A_409 : i32 to index
        %parallel_loop3A_411 = arith.index_cast %parallel_loop3A_222 : i32 to index
        %parallel_loop3A_412 = tpu.vector_load %arg4[%parallel_loop3A_410, %parallel_loop3A_411] {strides = array<i32>} : memref<32x512xf32, #tpu.memory_space<vmem>>, vector<16xf32>,
        %parallel_loop3A_413 = arith.constant 26 : i32
        %parallel_loop3A_414 = vector.broadcast %parallel_loop3A_413 : i32 to vector<16xi32>
        %parallel_loop3A_415 = arith.addi %parallel_loop3A_226, %parallel_loop3A_414 : vector<16xi32>
        tpu.vector_store_idx %arg6[%parallel_loop3A_415], %parallel_loop3A_412 : memref<16384xf32, #tpu.memory_space<vmem>>[vector<16xi32>], vector<16xf32>,
        %parallel_loop3A_416 = arith.constant 27 : i32
        %parallel_loop3A_417 = arith.index_cast %parallel_loop3A_416 : i32 to index
        %parallel_loop3A_418 = arith.index_cast %parallel_loop3A_222 : i32 to index
        %parallel_loop3A_419 = tpu.vector_load %arg4[%parallel_loop3A_417, %parallel_loop3A_418] {strides = array<i32>} : memref<32x512xf32, #tpu.memory_space<vmem>>, vector<16xf32>,
        %parallel_loop3A_420 = arith.constant 27 : i32
        %parallel_loop3A_421 = vector.broadcast %parallel_loop3A_420 : i32 to vector<16xi32>
        %parallel_loop3A_422 = arith.addi %parallel_loop3A_226, %parallel_loop3A_421 : vector<16xi32>
        tpu.vector_store_idx %arg6[%parallel_loop3A_422], %parallel_loop3A_419 : memref<16384xf32, #tpu.memory_space<vmem>>[vector<16xi32>], vector<16xf32>,
        %parallel_loop3A_423 = arith.constant 28 : i32
        %parallel_loop3A_424 = arith.index_cast %parallel_loop3A_423 : i32 to index
        %parallel_loop3A_425 = arith.index_cast %parallel_loop3A_222 : i32 to index
        %parallel_loop3A_426 = tpu.vector_load %arg4[%parallel_loop3A_424, %parallel_loop3A_425] {strides = array<i32>} : memref<32x512xf32, #tpu.memory_space<vmem>>, vector<16xf32>,
        %parallel_loop3A_427 = arith.constant 28 : i32
        %parallel_loop3A_428 = vector.broadcast %parallel_loop3A_427 : i32 to vector<16xi32>
        %parallel_loop3A_429 = arith.addi %parallel_loop3A_226, %parallel_loop3A_428 : vector<16xi32>
        tpu.vector_store_idx %arg6[%parallel_loop3A_429], %parallel_loop3A_426 : memref<16384xf32, #tpu.memory_space<vmem>>[vector<16xi32>], vector<16xf32>,
        %parallel_loop3A_430 = arith.constant 29 : i32
        %parallel_loop3A_431 = arith.index_cast %parallel_loop3A_430 : i32 to index
        %parallel_loop3A_432 = arith.index_cast %parallel_loop3A_222 : i32 to index
        %parallel_loop3A_433 = tpu.vector_load %arg4[%parallel_loop3A_431, %parallel_loop3A_432] {strides = array<i32>} : memref<32x512xf32, #tpu.memory_space<vmem>>, vector<16xf32>,
        %parallel_loop3A_434 = arith.constant 29 : i32
        %parallel_loop3A_435 = vector.broadcast %parallel_loop3A_434 : i32 to vector<16xi32>
        %parallel_loop3A_436 = arith.addi %parallel_loop3A_226, %parallel_loop3A_435 : vector<16xi32>
        tpu.vector_store_idx %arg6[%parallel_loop3A_436], %parallel_loop3A_433 : memref<16384xf32, #tpu.memory_space<vmem>>[vector<16xi32>], vector<16xf32>,
        %parallel_loop3A_437 = arith.constant 30 : i32
        %parallel_loop3A_438 = arith.index_cast %parallel_loop3A_437 : i32 to index
        %parallel_loop3A_439 = arith.index_cast %parallel_loop3A_222 : i32 to index
        %parallel_loop3A_440 = tpu.vector_load %arg4[%parallel_loop3A_438, %parallel_loop3A_439] {strides = array<i32>} : memref<32x512xf32, #tpu.memory_space<vmem>>, vector<16xf32>,
        %parallel_loop3A_441 = arith.constant 30 : i32
        %parallel_loop3A_442 = vector.broadcast %parallel_loop3A_441 : i32 to vector<16xi32>
        %parallel_loop3A_443 = arith.addi %parallel_loop3A_226, %parallel_loop3A_442 : vector<16xi32>
        tpu.vector_store_idx %arg6[%parallel_loop3A_443], %parallel_loop3A_440 : memref<16384xf32, #tpu.memory_space<vmem>>[vector<16xi32>], vector<16xf32>,
        %parallel_loop3A_444 = arith.constant 31 : i32
        %parallel_loop3A_445 = arith.index_cast %parallel_loop3A_444 : i32 to index
        %parallel_loop3A_446 = arith.index_cast %parallel_loop3A_222 : i32 to index
        %parallel_loop3A_447 = tpu.vector_load %arg4[%parallel_loop3A_445, %parallel_loop3A_446] {strides = array<i32>} : memref<32x512xf32, #tpu.memory_space<vmem>>, vector<16xf32>,
        %parallel_loop3A_448 = arith.constant 31 : i32
        %parallel_loop3A_449 = vector.broadcast %parallel_loop3A_448 : i32 to vector<16xi32>
        %parallel_loop3A_450 = arith.addi %parallel_loop3A_226, %parallel_loop3A_449 : vector<16xi32>
        tpu.vector_store_idx %arg6[%parallel_loop3A_450], %parallel_loop3A_447 : memref<16384xf32, #tpu.memory_space<vmem>>[vector<16xi32>], vector<16xf32>,
      } {sc.loop_unroll_factor = 2 : i64, sc.parallel_access}
      %mul3A_127 = arith.constant 62 : i32
      %mul3A_128 = arith.muli %add3A, %mul3A_127 : i32
      %add3A_129 = arith.addi %mul3A_128, %add3A_68 : i32
      %mul3A_130 = arith.constant 4 : i32
      %mul3A_131 = arith.muli %add3A_129, %mul3A_130 : i32
      %min3A_132 = arith.constant 7809 : i32
      %min3A_133 = arith.minsi %mul3A_131, %min3A_132 : i32
      %mul3A_134 = arith.constant 128 : i32
      %mul3A_135 = arith.muli %min3A_133, %mul3A_134 : i32
      %mul3A_136 = arith.constant 32 : i32
      %mul3A_137 = arith.muli %mul3A_135, %mul3A_136 : i32
      %dma_start3A_138 = tpu.memref_slice %arg3[%mul3A_137] : memref<32002048xf32, #tpu.memory_space<hbm>> -> memref<16384xf32, #tpu.memory_space<hbm>>
      %dma_start3A_139 = tpu.memref_slice %arg3[%mul3A_137] : memref<32002048xf32, #tpu.memory_space<hbm>> -> memref<16384xf32, #tpu.memory_space<hbm>>
      tpu.enqueue_dma source(%arg6 : memref<16384xf32, #tpu.memory_space<vmem>>) target(%dma_start3A_139 : memref<16384xf32, #tpu.memory_space<hbm>>) target_semaphore(%arg10 : memref<!tpu.dma_semaphore, #tpu.memory_space<semaphore_mem>>)
      %mul3A_140 = arith.constant 2 : i32
      %mul3A_141 = arith.muli %mul3A_140, %scan3A_64 : i32
      %add3A_142 = arith.constant 1 : i32
      %add3A_143 = arith.addi %mul3A_141, %add3A_142 : i32
      %dma_wait3A_144 = arith.constant 0 : i32
      %dma_wait3A_145 = arith.constant 0 : i32
      %dma_wait3A_146 = tpu.memref_slice %arg5[%dma_wait3A_144, %dma_wait3A_145] : memref<32x512xf32, #tpu.memory_space<vmem>> -> memref<8x512xf32, #tpu.memory_space<vmem>>
      %dma_wait3A_147 = arith.constant 0 : i32
      %dma_wait3A_148 = arith.constant 0 : i32
      %dma_wait3A_149 = tpu.memref_slice %arg2[%dma_wait3A_147, %dma_wait3A_148] : memref<32x1000001xf32, #tpu.memory_space<hbm>> -> memref<8x512xf32, #tpu.memory_space<hbm>>
      %dma_wait3A_150 = arith.constant 0 : i32
      %dma_wait3A_151 = arith.constant 0 : i32
      %dma_wait3A_152 = tpu.memref_slice %arg5[%dma_wait3A_150, %dma_wait3A_151] : memref<32x512xf32, #tpu.memory_space<vmem>> -> memref<8x512xf32, #tpu.memory_space<vmem>>
      %dma_wait3A_153 = arith.constant 0 : i32
      %dma_wait3A_154 = arith.constant 0 : i32
      %dma_wait3A_155 = tpu.memref_slice %arg2[%dma_wait3A_153, %dma_wait3A_154] : memref<32x1000001xf32, #tpu.memory_space<hbm>> -> memref<8x512xf32, #tpu.memory_space<hbm>>
      tpu.wait_dma2 semaphore(%arg9 : memref<!tpu.dma_semaphore, #tpu.memory_space<semaphore_mem>>) src(%dma_wait3A_155 : memref<8x512xf32, #tpu.memory_space<hbm>>) dst(%dma_wait3A_152 : memref<8x512xf32, #tpu.memory_space<vmem>>)
      %dma_wait3A_156 = arith.constant 0 : i32
      %dma_wait3A_157 = arith.constant 0 : i32
      %dma_wait3A_158 = tpu.memref_slice %arg5[%dma_wait3A_156, %dma_wait3A_157] : memref<32x512xf32, #tpu.memory_space<vmem>> -> memref<8x512xf32, #tpu.memory_space<vmem>>
      %dma_wait3A_159 = arith.constant 0 : i32
      %dma_wait3A_160 = arith.constant 0 : i32
      %dma_wait3A_161 = tpu.memref_slice %arg2[%dma_wait3A_159, %dma_wait3A_160] : memref<32x1000001xf32, #tpu.memory_space<hbm>> -> memref<8x512xf32, #tpu.memory_space<hbm>>
      %dma_wait3A_162 = arith.constant 0 : i32
      %dma_wait3A_163 = arith.constant 0 : i32
      %dma_wait3A_164 = tpu.memref_slice %arg5[%dma_wait3A_162, %dma_wait3A_163] : memref<32x512xf32, #tpu.memory_space<vmem>> -> memref<8x512xf32, #tpu.memory_space<vmem>>
      %dma_wait3A_165 = arith.constant 0 : i32
      %dma_wait3A_166 = arith.constant 0 : i32
      %dma_wait3A_167 = tpu.memref_slice %arg2[%dma_wait3A_165, %dma_wait3A_166] : memref<32x1000001xf32, #tpu.memory_space<hbm>> -> memref<8x512xf32, #tpu.memory_space<hbm>>
      tpu.wait_dma2 semaphore(%arg9 : memref<!tpu.dma_semaphore, #tpu.memory_space<semaphore_mem>>) src(%dma_wait3A_167 : memref<8x512xf32, #tpu.memory_space<hbm>>) dst(%dma_wait3A_164 : memref<8x512xf32, #tpu.memory_space<vmem>>)
      %dma_wait3A_168 = arith.constant 0 : i32
      %dma_wait3A_169 = arith.constant 0 : i32
      %dma_wait3A_170 = tpu.memref_slice %arg5[%dma_wait3A_168, %dma_wait3A_169] : memref<32x512xf32, #tpu.memory_space<vmem>> -> memref<8x512xf32, #tpu.memory_space<vmem>>
      %dma_wait3A_171 = arith.constant 0 : i32
      %dma_wait3A_172 = arith.constant 0 : i32
      %dma_wait3A_173 = tpu.memref_slice %arg2[%dma_wait3A_171, %dma_wait3A_172] : memref<32x1000001xf32, #tpu.memory_space<hbm>> -> memref<8x512xf32, #tpu.memory_space<hbm>>
      %dma_wait3A_174 = arith.constant 0 : i32
      %dma_wait3A_175 = arith.constant 0 : i32
      %dma_wait3A_176 = tpu.memref_slice %arg5[%dma_wait3A_174, %dma_wait3A_175] : memref<32x512xf32, #tpu.memory_space<vmem>> -> memref<8x512xf32, #tpu.memory_space<vmem>>
      %dma_wait3A_177 = arith.constant 0 : i32
      %dma_wait3A_178 = arith.constant 0 : i32
      %dma_wait3A_179 = tpu.memref_slice %arg2[%dma_wait3A_177, %dma_wait3A_178] : memref<32x1000001xf32, #tpu.memory_space<hbm>> -> memref<8x512xf32, #tpu.memory_space<hbm>>
      tpu.wait_dma2 semaphore(%arg9 : memref<!tpu.dma_semaphore, #tpu.memory_space<semaphore_mem>>) src(%dma_wait3A_179 : memref<8x512xf32, #tpu.memory_space<hbm>>) dst(%dma_wait3A_176 : memref<8x512xf32, #tpu.memory_space<vmem>>)
      %dma_wait3A_180 = arith.constant 0 : i32
      %dma_wait3A_181 = arith.constant 0 : i32
      %dma_wait3A_182 = tpu.memref_slice %arg5[%dma_wait3A_180, %dma_wait3A_181] : memref<32x512xf32, #tpu.memory_space<vmem>> -> memref<8x512xf32, #tpu.memory_space<vmem>>
      %dma_wait3A_183 = arith.constant 0 : i32
      %dma_wait3A_184 = arith.constant 0 : i32
      %dma_wait3A_185 = tpu.memref_slice %arg2[%dma_wait3A_183, %dma_wait3A_184] : memref<32x1000001xf32, #tpu.memory_space<hbm>> -> memref<8x512xf32, #tpu.memory_space<hbm>>
      %dma_wait3A_186 = arith.constant 0 : i32
      %dma_wait3A_187 = arith.constant 0 : i32
      %dma_wait3A_188 = tpu.memref_slice %arg5[%dma_wait3A_186, %dma_wait3A_187] : memref<32x512xf32, #tpu.memory_space<vmem>> -> memref<8x512xf32, #tpu.memory_space<vmem>>
      %dma_wait3A_189 = arith.constant 0 : i32
      %dma_wait3A_190 = arith.constant 0 : i32
      %dma_wait3A_191 = tpu.memref_slice %arg2[%dma_wait3A_189, %dma_wait3A_190] : memref<32x1000001xf32, #tpu.memory_space<hbm>> -> memref<8x512xf32, #tpu.memory_space<hbm>>
      tpu.wait_dma2 semaphore(%arg9 : memref<!tpu.dma_semaphore, #tpu.memory_space<semaphore_mem>>) src(%dma_wait3A_191 : memref<8x512xf32, #tpu.memory_space<hbm>>) dst(%dma_wait3A_188 : memref<8x512xf32, #tpu.memory_space<vmem>>)
      %add3A_192 = arith.constant 1 : i32
      %add3A_193 = arith.addi %add3A_143, %add3A_192 : i32
      %lt3A_194 = arith.constant 62 : i32
      %lt3A_195 = arith.cmpi slt, %add3A_193, %lt3A_194 : i32
      %convert_element_type3A_196 = arith.extui %lt3A_195 : i1 to i32
      %cond3A_197 = arith.constant 0 : i32
      %cond3A_198 = arith.cmpi ne, %convert_element_type3A_196, %cond3A_197 : i32
      scf.if %cond3A_198 {
        %add3A_220 = arith.constant 1 : i32
        %add3A_221 = arith.addi %add3A_143, %add3A_220 : i32
        %mul3A_222 = arith.constant 62 : i32
        %mul3A_223 = arith.muli %add3A, %mul3A_222 : i32
        %add3A_224 = arith.addi %mul3A_223, %add3A_221 : i32
        %mul3A_225 = arith.constant 4 : i32
        %mul3A_226 = arith.muli %add3A_224, %mul3A_225 : i32
        %min3A_227 = arith.constant 7809 : i32
        %min3A_228 = arith.minsi %mul3A_226, %min3A_227 : i32
        %mul3A_229 = arith.constant 128 : i32
        %mul3A_230 = arith.muli %min3A_228, %mul3A_229 : i32
        %dma_start3A_231 = arith.constant 0 : i32
        %dma_start3A_232 = arith.constant 0 : i32
        %dma_start3A_233 = tpu.memref_slice %arg4[%dma_start3A_231, %dma_start3A_232] : memref<32x512xf32, #tpu.memory_space<vmem>> -> memref<8x512xf32, #tpu.memory_space<vmem>>
        %dma_start3A_234 = arith.constant 0 : i32
        %dma_start3A_235 = tpu.memref_slice %arg2[%dma_start3A_234, %mul3A_230] : memref<32x1000001xf32, #tpu.memory_space<hbm>> -> memref<8x512xf32, #tpu.memory_space<hbm>>
        %dma_start3A_236 = arith.constant 0 : i32
        %dma_start3A_237 = arith.constant 0 : i32
        %dma_start3A_238 = tpu.memref_slice %arg4[%dma_start3A_236, %dma_start3A_237] : memref<32x512xf32, #tpu.memory_space<vmem>> -> memref<8x512xf32, #tpu.memory_space<vmem>>
        %dma_start3A_239 = arith.constant 0 : i32
        %dma_start3A_240 = tpu.memref_slice %arg2[%dma_start3A_239, %mul3A_230] : memref<32x1000001xf32, #tpu.memory_space<hbm>> -> memref<8x512xf32, #tpu.memory_space<hbm>>
        tpu.enqueue_dma source(%dma_start3A_240 : memref<8x512xf32, #tpu.memory_space<hbm>>) target(%dma_start3A_238 : memref<8x512xf32, #tpu.memory_space<vmem>>) target_semaphore(%arg8 : memref<!tpu.dma_semaphore, #tpu.memory_space<semaphore_mem>>)
        %dma_start3A_241 = arith.constant 8 : i32
        %dma_start3A_242 = arith.constant 0 : i32
        %dma_start3A_243 = tpu.memref_slice %arg4[%dma_start3A_241, %dma_start3A_242] : memref<32x512xf32, #tpu.memory_space<vmem>> -> memref<8x512xf32, #tpu.memory_space<vmem>>
        %dma_start3A_244 = arith.constant 8 : i32
        %dma_start3A_245 = tpu.memref_slice %arg2[%dma_start3A_244, %mul3A_230] : memref<32x1000001xf32, #tpu.memory_space<hbm>> -> memref<8x512xf32, #tpu.memory_space<hbm>>
        %dma_start3A_246 = arith.constant 8 : i32
        %dma_start3A_247 = arith.constant 0 : i32
        %dma_start3A_248 = tpu.memref_slice %arg4[%dma_start3A_246, %dma_start3A_247] : memref<32x512xf32, #tpu.memory_space<vmem>> -> memref<8x512xf32, #tpu.memory_space<vmem>>
        %dma_start3A_249 = arith.constant 8 : i32
        %dma_start3A_250 = tpu.memref_slice %arg2[%dma_start3A_249, %mul3A_230] : memref<32x1000001xf32, #tpu.memory_space<hbm>> -> memref<8x512xf32, #tpu.memory_space<hbm>>
        tpu.enqueue_dma source(%dma_start3A_250 : memref<8x512xf32, #tpu.memory_space<hbm>>) target(%dma_start3A_248 : memref<8x512xf32, #tpu.memory_space<vmem>>) target_semaphore(%arg8 : memref<!tpu.dma_semaphore, #tpu.memory_space<semaphore_mem>>)
        %dma_start3A_251 = arith.constant 16 : i32
        %dma_start3A_252 = arith.constant 0 : i32
        %dma_start3A_253 = tpu.memref_slice %arg4[%dma_start3A_251, %dma_start3A_252] : memref<32x512xf32, #tpu.memory_space<vmem>> -> memref<8x512xf32, #tpu.memory_space<vmem>>
        %dma_start3A_254 = arith.constant 16 : i32
        %dma_start3A_255 = tpu.memref_slice %arg2[%dma_start3A_254, %mul3A_230] : memref<32x1000001xf32, #tpu.memory_space<hbm>> -> memref<8x512xf32, #tpu.memory_space<hbm>>
        %dma_start3A_256 = arith.constant 16 : i32
        %dma_start3A_257 = arith.constant 0 : i32
        %dma_start3A_258 = tpu.memref_slice %arg4[%dma_start3A_256, %dma_start3A_257] : memref<32x512xf32, #tpu.memory_space<vmem>> -> memref<8x512xf32, #tpu.memory_space<vmem>>
        %dma_start3A_259 = arith.constant 16 : i32
        %dma_start3A_260 = tpu.memref_slice %arg2[%dma_start3A_259, %mul3A_230] : memref<32x1000001xf32, #tpu.memory_space<hbm>> -> memref<8x512xf32, #tpu.memory_space<hbm>>
        tpu.enqueue_dma source(%dma_start3A_260 : memref<8x512xf32, #tpu.memory_space<hbm>>) target(%dma_start3A_258 : memref<8x512xf32, #tpu.memory_space<vmem>>) target_semaphore(%arg8 : memref<!tpu.dma_semaphore, #tpu.memory_space<semaphore_mem>>)
        %dma_start3A_261 = arith.constant 24 : i32
        %dma_start3A_262 = arith.constant 0 : i32
        %dma_start3A_263 = tpu.memref_slice %arg4[%dma_start3A_261, %dma_start3A_262] : memref<32x512xf32, #tpu.memory_space<vmem>> -> memref<8x512xf32, #tpu.memory_space<vmem>>
        %dma_start3A_264 = arith.constant 24 : i32
        %dma_start3A_265 = tpu.memref_slice %arg2[%dma_start3A_264, %mul3A_230] : memref<32x1000001xf32, #tpu.memory_space<hbm>> -> memref<8x512xf32, #tpu.memory_space<hbm>>
        %dma_start3A_266 = arith.constant 24 : i32
        %dma_start3A_267 = arith.constant 0 : i32
        %dma_start3A_268 = tpu.memref_slice %arg4[%dma_start3A_266, %dma_start3A_267] : memref<32x512xf32, #tpu.memory_space<vmem>> -> memref<8x512xf32, #tpu.memory_space<vmem>>
        %dma_start3A_269 = arith.constant 24 : i32
        %dma_start3A_270 = tpu.memref_slice %arg2[%dma_start3A_269, %mul3A_230] : memref<32x1000001xf32, #tpu.memory_space<hbm>> -> memref<8x512xf32, #tpu.memory_space<hbm>>
        tpu.enqueue_dma source(%dma_start3A_270 : memref<8x512xf32, #tpu.memory_space<hbm>>) target(%dma_start3A_268 : memref<8x512xf32, #tpu.memory_space<vmem>>) target_semaphore(%arg8 : memref<!tpu.dma_semaphore, #tpu.memory_space<semaphore_mem>>)
      } else {
      }
      %ge3A_199 = arith.constant 2 : i32
      %ge3A_200 = arith.cmpi sge, %add3A_143, %ge3A_199 : i32
      %convert_element_type3A_201 = arith.extui %ge3A_200 : i1 to i32
      %cond3A_202 = arith.constant 0 : i32
      %cond3A_203 = arith.cmpi ne, %convert_element_type3A_201, %cond3A_202 : i32
      scf.if %cond3A_203 {
        %dma_wait3A_220 = arith.constant 0 : i32
        %dma_wait3A_221 = tpu.memref_slice %arg3[%dma_wait3A_220] : memref<32002048xf32, #tpu.memory_space<hbm>> -> memref<16384xf32, #tpu.memory_space<hbm>>
        %dma_wait3A_222 = arith.constant 0 : i32
        %dma_wait3A_223 = tpu.memref_slice %arg3[%dma_wait3A_222] : memref<32002048xf32, #tpu.memory_space<hbm>> -> memref<16384xf32, #tpu.memory_space<hbm>>
        tpu.wait_dma2 semaphore(%arg11 : memref<!tpu.dma_semaphore, #tpu.memory_space<semaphore_mem>>) src(%dma_wait3A_223 : memref<16384xf32, #tpu.memory_space<hbm>>) dst(%arg7 : memref<16384xf32, #tpu.memory_space<vmem>>)
      } else {
      }
      %parallel_loop3A_204 = arith.constant 0 : i32
      %parallel_loop3A_205 = arith.constant 32 : i32
      %parallel_loop3A_206 = arith.constant 1 : i32
      scf.for %parallel_loop3A_220 = %parallel_loop3A_204 to %parallel_loop3A_205 step %parallel_loop3A_206  : i32 {
        %parallel_loop3A_221 = arith.constant 16 : i32
        %parallel_loop3A_222 = arith.muli %parallel_loop3A_220, %parallel_loop3A_221 : i32
        %parallel_loop3A_223 = arith.constant 32 : i32
        %parallel_loop3A_224 = arith.muli %parallel_loop3A_222, %parallel_loop3A_223 : i32
        %parallel_loop3A_225 = vector.broadcast %parallel_loop3A_224 : i32 to vector<16xi32>
        %parallel_loop3A_226 = arith.addi %mul3A_3, %parallel_loop3A_225 : vector<16xi32>
        %parallel_loop3A_227 = arith.constant 0 : i32
        %parallel_loop3A_228 = arith.index_cast %parallel_loop3A_227 : i32 to index
        %parallel_loop3A_229 = arith.index_cast %parallel_loop3A_222 : i32 to index
        %parallel_loop3A_230 = tpu.vector_load %arg5[%parallel_loop3A_228, %parallel_loop3A_229] {strides = array<i32>} : memref<32x512xf32, #tpu.memory_space<vmem>>, vector<16xf32>,
        %parallel_loop3A_231 = arith.constant 0 : i32
        %parallel_loop3A_232 = vector.broadcast %parallel_loop3A_231 : i32 to vector<16xi32>
        %parallel_loop3A_233 = arith.addi %parallel_loop3A_226, %parallel_loop3A_232 : vector<16xi32>
        tpu.vector_store_idx %arg7[%parallel_loop3A_233], %parallel_loop3A_230 : memref<16384xf32, #tpu.memory_space<vmem>>[vector<16xi32>], vector<16xf32>,
        %parallel_loop3A_234 = arith.constant 1 : i32
        %parallel_loop3A_235 = arith.index_cast %parallel_loop3A_234 : i32 to index
        %parallel_loop3A_236 = arith.index_cast %parallel_loop3A_222 : i32 to index
        %parallel_loop3A_237 = tpu.vector_load %arg5[%parallel_loop3A_235, %parallel_loop3A_236] {strides = array<i32>} : memref<32x512xf32, #tpu.memory_space<vmem>>, vector<16xf32>,
        %parallel_loop3A_238 = arith.constant 1 : i32
        %parallel_loop3A_239 = vector.broadcast %parallel_loop3A_238 : i32 to vector<16xi32>
        %parallel_loop3A_240 = arith.addi %parallel_loop3A_226, %parallel_loop3A_239 : vector<16xi32>
        tpu.vector_store_idx %arg7[%parallel_loop3A_240], %parallel_loop3A_237 : memref<16384xf32, #tpu.memory_space<vmem>>[vector<16xi32>], vector<16xf32>,
        %parallel_loop3A_241 = arith.constant 2 : i32
        %parallel_loop3A_242 = arith.index_cast %parallel_loop3A_241 : i32 to index
        %parallel_loop3A_243 = arith.index_cast %parallel_loop3A_222 : i32 to index
        %parallel_loop3A_244 = tpu.vector_load %arg5[%parallel_loop3A_242, %parallel_loop3A_243] {strides = array<i32>} : memref<32x512xf32, #tpu.memory_space<vmem>>, vector<16xf32>,
        %parallel_loop3A_245 = arith.constant 2 : i32
        %parallel_loop3A_246 = vector.broadcast %parallel_loop3A_245 : i32 to vector<16xi32>
        %parallel_loop3A_247 = arith.addi %parallel_loop3A_226, %parallel_loop3A_246 : vector<16xi32>
        tpu.vector_store_idx %arg7[%parallel_loop3A_247], %parallel_loop3A_244 : memref<16384xf32, #tpu.memory_space<vmem>>[vector<16xi32>], vector<16xf32>,
        %parallel_loop3A_248 = arith.constant 3 : i32
        %parallel_loop3A_249 = arith.index_cast %parallel_loop3A_248 : i32 to index
        %parallel_loop3A_250 = arith.index_cast %parallel_loop3A_222 : i32 to index
        %parallel_loop3A_251 = tpu.vector_load %arg5[%parallel_loop3A_249, %parallel_loop3A_250] {strides = array<i32>} : memref<32x512xf32, #tpu.memory_space<vmem>>, vector<16xf32>,
        %parallel_loop3A_252 = arith.constant 3 : i32
        %parallel_loop3A_253 = vector.broadcast %parallel_loop3A_252 : i32 to vector<16xi32>
        %parallel_loop3A_254 = arith.addi %parallel_loop3A_226, %parallel_loop3A_253 : vector<16xi32>
        tpu.vector_store_idx %arg7[%parallel_loop3A_254], %parallel_loop3A_251 : memref<16384xf32, #tpu.memory_space<vmem>>[vector<16xi32>], vector<16xf32>,
        %parallel_loop3A_255 = arith.constant 4 : i32
        %parallel_loop3A_256 = arith.index_cast %parallel_loop3A_255 : i32 to index
        %parallel_loop3A_257 = arith.index_cast %parallel_loop3A_222 : i32 to index
        %parallel_loop3A_258 = tpu.vector_load %arg5[%parallel_loop3A_256, %parallel_loop3A_257] {strides = array<i32>} : memref<32x512xf32, #tpu.memory_space<vmem>>, vector<16xf32>,
        %parallel_loop3A_259 = arith.constant 4 : i32
        %parallel_loop3A_260 = vector.broadcast %parallel_loop3A_259 : i32 to vector<16xi32>
        %parallel_loop3A_261 = arith.addi %parallel_loop3A_226, %parallel_loop3A_260 : vector<16xi32>
        tpu.vector_store_idx %arg7[%parallel_loop3A_261], %parallel_loop3A_258 : memref<16384xf32, #tpu.memory_space<vmem>>[vector<16xi32>], vector<16xf32>,
        %parallel_loop3A_262 = arith.constant 5 : i32
        %parallel_loop3A_263 = arith.index_cast %parallel_loop3A_262 : i32 to index
        %parallel_loop3A_264 = arith.index_cast %parallel_loop3A_222 : i32 to index
        %parallel_loop3A_265 = tpu.vector_load %arg5[%parallel_loop3A_263, %parallel_loop3A_264] {strides = array<i32>} : memref<32x512xf32, #tpu.memory_space<vmem>>, vector<16xf32>,
        %parallel_loop3A_266 = arith.constant 5 : i32
        %parallel_loop3A_267 = vector.broadcast %parallel_loop3A_266 : i32 to vector<16xi32>
        %parallel_loop3A_268 = arith.addi %parallel_loop3A_226, %parallel_loop3A_267 : vector<16xi32>
        tpu.vector_store_idx %arg7[%parallel_loop3A_268], %parallel_loop3A_265 : memref<16384xf32, #tpu.memory_space<vmem>>[vector<16xi32>], vector<16xf32>,
        %parallel_loop3A_269 = arith.constant 6 : i32
        %parallel_loop3A_270 = arith.index_cast %parallel_loop3A_269 : i32 to index
        %parallel_loop3A_271 = arith.index_cast %parallel_loop3A_222 : i32 to index
        %parallel_loop3A_272 = tpu.vector_load %arg5[%parallel_loop3A_270, %parallel_loop3A_271] {strides = array<i32>} : memref<32x512xf32, #tpu.memory_space<vmem>>, vector<16xf32>,
        %parallel_loop3A_273 = arith.constant 6 : i32
        %parallel_loop3A_274 = vector.broadcast %parallel_loop3A_273 : i32 to vector<16xi32>
        %parallel_loop3A_275 = arith.addi %parallel_loop3A_226, %parallel_loop3A_274 : vector<16xi32>
        tpu.vector_store_idx %arg7[%parallel_loop3A_275], %parallel_loop3A_272 : memref<16384xf32, #tpu.memory_space<vmem>>[vector<16xi32>], vector<16xf32>,
        %parallel_loop3A_276 = arith.constant 7 : i32
        %parallel_loop3A_277 = arith.index_cast %parallel_loop3A_276 : i32 to index
        %parallel_loop3A_278 = arith.index_cast %parallel_loop3A_222 : i32 to index
        %parallel_loop3A_279 = tpu.vector_load %arg5[%parallel_loop3A_277, %parallel_loop3A_278] {strides = array<i32>} : memref<32x512xf32, #tpu.memory_space<vmem>>, vector<16xf32>,
        %parallel_loop3A_280 = arith.constant 7 : i32
        %parallel_loop3A_281 = vector.broadcast %parallel_loop3A_280 : i32 to vector<16xi32>
        %parallel_loop3A_282 = arith.addi %parallel_loop3A_226, %parallel_loop3A_281 : vector<16xi32>
        tpu.vector_store_idx %arg7[%parallel_loop3A_282], %parallel_loop3A_279 : memref<16384xf32, #tpu.memory_space<vmem>>[vector<16xi32>], vector<16xf32>,
        %parallel_loop3A_283 = arith.constant 8 : i32
        %parallel_loop3A_284 = arith.index_cast %parallel_loop3A_283 : i32 to index
        %parallel_loop3A_285 = arith.index_cast %parallel_loop3A_222 : i32 to index
        %parallel_loop3A_286 = tpu.vector_load %arg5[%parallel_loop3A_284, %parallel_loop3A_285] {strides = array<i32>} : memref<32x512xf32, #tpu.memory_space<vmem>>, vector<16xf32>,
        %parallel_loop3A_287 = arith.constant 8 : i32
        %parallel_loop3A_288 = vector.broadcast %parallel_loop3A_287 : i32 to vector<16xi32>
        %parallel_loop3A_289 = arith.addi %parallel_loop3A_226, %parallel_loop3A_288 : vector<16xi32>
        tpu.vector_store_idx %arg7[%parallel_loop3A_289], %parallel_loop3A_286 : memref<16384xf32, #tpu.memory_space<vmem>>[vector<16xi32>], vector<16xf32>,
        %parallel_loop3A_290 = arith.constant 9 : i32
        %parallel_loop3A_291 = arith.index_cast %parallel_loop3A_290 : i32 to index
        %parallel_loop3A_292 = arith.index_cast %parallel_loop3A_222 : i32 to index
        %parallel_loop3A_293 = tpu.vector_load %arg5[%parallel_loop3A_291, %parallel_loop3A_292] {strides = array<i32>} : memref<32x512xf32, #tpu.memory_space<vmem>>, vector<16xf32>,
        %parallel_loop3A_294 = arith.constant 9 : i32
        %parallel_loop3A_295 = vector.broadcast %parallel_loop3A_294 : i32 to vector<16xi32>
        %parallel_loop3A_296 = arith.addi %parallel_loop3A_226, %parallel_loop3A_295 : vector<16xi32>
        tpu.vector_store_idx %arg7[%parallel_loop3A_296], %parallel_loop3A_293 : memref<16384xf32, #tpu.memory_space<vmem>>[vector<16xi32>], vector<16xf32>,
        %parallel_loop3A_297 = arith.constant 10 : i32
        %parallel_loop3A_298 = arith.index_cast %parallel_loop3A_297 : i32 to index
        %parallel_loop3A_299 = arith.index_cast %parallel_loop3A_222 : i32 to index
        %parallel_loop3A_300 = tpu.vector_load %arg5[%parallel_loop3A_298, %parallel_loop3A_299] {strides = array<i32>} : memref<32x512xf32, #tpu.memory_space<vmem>>, vector<16xf32>,
        %parallel_loop3A_301 = arith.constant 10 : i32
        %parallel_loop3A_302 = vector.broadcast %parallel_loop3A_301 : i32 to vector<16xi32>
        %parallel_loop3A_303 = arith.addi %parallel_loop3A_226, %parallel_loop3A_302 : vector<16xi32>
        tpu.vector_store_idx %arg7[%parallel_loop3A_303], %parallel_loop3A_300 : memref<16384xf32, #tpu.memory_space<vmem>>[vector<16xi32>], vector<16xf32>,
        %parallel_loop3A_304 = arith.constant 11 : i32
        %parallel_loop3A_305 = arith.index_cast %parallel_loop3A_304 : i32 to index
        %parallel_loop3A_306 = arith.index_cast %parallel_loop3A_222 : i32 to index
        %parallel_loop3A_307 = tpu.vector_load %arg5[%parallel_loop3A_305, %parallel_loop3A_306] {strides = array<i32>} : memref<32x512xf32, #tpu.memory_space<vmem>>, vector<16xf32>,
        %parallel_loop3A_308 = arith.constant 11 : i32
        %parallel_loop3A_309 = vector.broadcast %parallel_loop3A_308 : i32 to vector<16xi32>
        %parallel_loop3A_310 = arith.addi %parallel_loop3A_226, %parallel_loop3A_309 : vector<16xi32>
        tpu.vector_store_idx %arg7[%parallel_loop3A_310], %parallel_loop3A_307 : memref<16384xf32, #tpu.memory_space<vmem>>[vector<16xi32>], vector<16xf32>,
        %parallel_loop3A_311 = arith.constant 12 : i32
        %parallel_loop3A_312 = arith.index_cast %parallel_loop3A_311 : i32 to index
        %parallel_loop3A_313 = arith.index_cast %parallel_loop3A_222 : i32 to index
        %parallel_loop3A_314 = tpu.vector_load %arg5[%parallel_loop3A_312, %parallel_loop3A_313] {strides = array<i32>} : memref<32x512xf32, #tpu.memory_space<vmem>>, vector<16xf32>,
        %parallel_loop3A_315 = arith.constant 12 : i32
        %parallel_loop3A_316 = vector.broadcast %parallel_loop3A_315 : i32 to vector<16xi32>
        %parallel_loop3A_317 = arith.addi %parallel_loop3A_226, %parallel_loop3A_316 : vector<16xi32>
        tpu.vector_store_idx %arg7[%parallel_loop3A_317], %parallel_loop3A_314 : memref<16384xf32, #tpu.memory_space<vmem>>[vector<16xi32>], vector<16xf32>,
        %parallel_loop3A_318 = arith.constant 13 : i32
        %parallel_loop3A_319 = arith.index_cast %parallel_loop3A_318 : i32 to index
        %parallel_loop3A_320 = arith.index_cast %parallel_loop3A_222 : i32 to index
        %parallel_loop3A_321 = tpu.vector_load %arg5[%parallel_loop3A_319, %parallel_loop3A_320] {strides = array<i32>} : memref<32x512xf32, #tpu.memory_space<vmem>>, vector<16xf32>,
        %parallel_loop3A_322 = arith.constant 13 : i32
        %parallel_loop3A_323 = vector.broadcast %parallel_loop3A_322 : i32 to vector<16xi32>
        %parallel_loop3A_324 = arith.addi %parallel_loop3A_226, %parallel_loop3A_323 : vector<16xi32>
        tpu.vector_store_idx %arg7[%parallel_loop3A_324], %parallel_loop3A_321 : memref<16384xf32, #tpu.memory_space<vmem>>[vector<16xi32>], vector<16xf32>,
        %parallel_loop3A_325 = arith.constant 14 : i32
        %parallel_loop3A_326 = arith.index_cast %parallel_loop3A_325 : i32 to index
        %parallel_loop3A_327 = arith.index_cast %parallel_loop3A_222 : i32 to index
        %parallel_loop3A_328 = tpu.vector_load %arg5[%parallel_loop3A_326, %parallel_loop3A_327] {strides = array<i32>} : memref<32x512xf32, #tpu.memory_space<vmem>>, vector<16xf32>,
        %parallel_loop3A_329 = arith.constant 14 : i32
        %parallel_loop3A_330 = vector.broadcast %parallel_loop3A_329 : i32 to vector<16xi32>
        %parallel_loop3A_331 = arith.addi %parallel_loop3A_226, %parallel_loop3A_330 : vector<16xi32>
        tpu.vector_store_idx %arg7[%parallel_loop3A_331], %parallel_loop3A_328 : memref<16384xf32, #tpu.memory_space<vmem>>[vector<16xi32>], vector<16xf32>,
        %parallel_loop3A_332 = arith.constant 15 : i32
        %parallel_loop3A_333 = arith.index_cast %parallel_loop3A_332 : i32 to index
        %parallel_loop3A_334 = arith.index_cast %parallel_loop3A_222 : i32 to index
        %parallel_loop3A_335 = tpu.vector_load %arg5[%parallel_loop3A_333, %parallel_loop3A_334] {strides = array<i32>} : memref<32x512xf32, #tpu.memory_space<vmem>>, vector<16xf32>,
        %parallel_loop3A_336 = arith.constant 15 : i32
        %parallel_loop3A_337 = vector.broadcast %parallel_loop3A_336 : i32 to vector<16xi32>
        %parallel_loop3A_338 = arith.addi %parallel_loop3A_226, %parallel_loop3A_337 : vector<16xi32>
        tpu.vector_store_idx %arg7[%parallel_loop3A_338], %parallel_loop3A_335 : memref<16384xf32, #tpu.memory_space<vmem>>[vector<16xi32>], vector<16xf32>,
        %parallel_loop3A_339 = arith.constant 16 : i32
        %parallel_loop3A_340 = arith.index_cast %parallel_loop3A_339 : i32 to index
        %parallel_loop3A_341 = arith.index_cast %parallel_loop3A_222 : i32 to index
        %parallel_loop3A_342 = tpu.vector_load %arg5[%parallel_loop3A_340, %parallel_loop3A_341] {strides = array<i32>} : memref<32x512xf32, #tpu.memory_space<vmem>>, vector<16xf32>,
        %parallel_loop3A_343 = arith.constant 16 : i32
        %parallel_loop3A_344 = vector.broadcast %parallel_loop3A_343 : i32 to vector<16xi32>
        %parallel_loop3A_345 = arith.addi %parallel_loop3A_226, %parallel_loop3A_344 : vector<16xi32>
        tpu.vector_store_idx %arg7[%parallel_loop3A_345], %parallel_loop3A_342 : memref<16384xf32, #tpu.memory_space<vmem>>[vector<16xi32>], vector<16xf32>,
        %parallel_loop3A_346 = arith.constant 17 : i32
        %parallel_loop3A_347 = arith.index_cast %parallel_loop3A_346 : i32 to index
        %parallel_loop3A_348 = arith.index_cast %parallel_loop3A_222 : i32 to index
        %parallel_loop3A_349 = tpu.vector_load %arg5[%parallel_loop3A_347, %parallel_loop3A_348] {strides = array<i32>} : memref<32x512xf32, #tpu.memory_space<vmem>>, vector<16xf32>,
        %parallel_loop3A_350 = arith.constant 17 : i32
        %parallel_loop3A_351 = vector.broadcast %parallel_loop3A_350 : i32 to vector<16xi32>
        %parallel_loop3A_352 = arith.addi %parallel_loop3A_226, %parallel_loop3A_351 : vector<16xi32>
        tpu.vector_store_idx %arg7[%parallel_loop3A_352], %parallel_loop3A_349 : memref<16384xf32, #tpu.memory_space<vmem>>[vector<16xi32>], vector<16xf32>,
        %parallel_loop3A_353 = arith.constant 18 : i32
        %parallel_loop3A_354 = arith.index_cast %parallel_loop3A_353 : i32 to index
        %parallel_loop3A_355 = arith.index_cast %parallel_loop3A_222 : i32 to index
        %parallel_loop3A_356 = tpu.vector_load %arg5[%parallel_loop3A_354, %parallel_loop3A_355] {strides = array<i32>} : memref<32x512xf32, #tpu.memory_space<vmem>>, vector<16xf32>,
        %parallel_loop3A_357 = arith.constant 18 : i32
        %parallel_loop3A_358 = vector.broadcast %parallel_loop3A_357 : i32 to vector<16xi32>
        %parallel_loop3A_359 = arith.addi %parallel_loop3A_226, %parallel_loop3A_358 : vector<16xi32>
        tpu.vector_store_idx %arg7[%parallel_loop3A_359], %parallel_loop3A_356 : memref<16384xf32, #tpu.memory_space<vmem>>[vector<16xi32>], vector<16xf32>,
        %parallel_loop3A_360 = arith.constant 19 : i32
        %parallel_loop3A_361 = arith.index_cast %parallel_loop3A_360 : i32 to index
        %parallel_loop3A_362 = arith.index_cast %parallel_loop3A_222 : i32 to index
        %parallel_loop3A_363 = tpu.vector_load %arg5[%parallel_loop3A_361, %parallel_loop3A_362] {strides = array<i32>} : memref<32x512xf32, #tpu.memory_space<vmem>>, vector<16xf32>,
        %parallel_loop3A_364 = arith.constant 19 : i32
        %parallel_loop3A_365 = vector.broadcast %parallel_loop3A_364 : i32 to vector<16xi32>
        %parallel_loop3A_366 = arith.addi %parallel_loop3A_226, %parallel_loop3A_365 : vector<16xi32>
        tpu.vector_store_idx %arg7[%parallel_loop3A_366], %parallel_loop3A_363 : memref<16384xf32, #tpu.memory_space<vmem>>[vector<16xi32>], vector<16xf32>,
        %parallel_loop3A_367 = arith.constant 20 : i32
        %parallel_loop3A_368 = arith.index_cast %parallel_loop3A_367 : i32 to index
        %parallel_loop3A_369 = arith.index_cast %parallel_loop3A_222 : i32 to index
        %parallel_loop3A_370 = tpu.vector_load %arg5[%parallel_loop3A_368, %parallel_loop3A_369] {strides = array<i32>} : memref<32x512xf32, #tpu.memory_space<vmem>>, vector<16xf32>,
        %parallel_loop3A_371 = arith.constant 20 : i32
        %parallel_loop3A_372 = vector.broadcast %parallel_loop3A_371 : i32 to vector<16xi32>
        %parallel_loop3A_373 = arith.addi %parallel_loop3A_226, %parallel_loop3A_372 : vector<16xi32>
        tpu.vector_store_idx %arg7[%parallel_loop3A_373], %parallel_loop3A_370 : memref<16384xf32, #tpu.memory_space<vmem>>[vector<16xi32>], vector<16xf32>,
        %parallel_loop3A_374 = arith.constant 21 : i32
        %parallel_loop3A_375 = arith.index_cast %parallel_loop3A_374 : i32 to index
        %parallel_loop3A_376 = arith.index_cast %parallel_loop3A_222 : i32 to index
        %parallel_loop3A_377 = tpu.vector_load %arg5[%parallel_loop3A_375, %parallel_loop3A_376] {strides = array<i32>} : memref<32x512xf32, #tpu.memory_space<vmem>>, vector<16xf32>,
        %parallel_loop3A_378 = arith.constant 21 : i32
        %parallel_loop3A_379 = vector.broadcast %parallel_loop3A_378 : i32 to vector<16xi32>
        %parallel_loop3A_380 = arith.addi %parallel_loop3A_226, %parallel_loop3A_379 : vector<16xi32>
        tpu.vector_store_idx %arg7[%parallel_loop3A_380], %parallel_loop3A_377 : memref<16384xf32, #tpu.memory_space<vmem>>[vector<16xi32>], vector<16xf32>,
        %parallel_loop3A_381 = arith.constant 22 : i32
        %parallel_loop3A_382 = arith.index_cast %parallel_loop3A_381 : i32 to index
        %parallel_loop3A_383 = arith.index_cast %parallel_loop3A_222 : i32 to index
        %parallel_loop3A_384 = tpu.vector_load %arg5[%parallel_loop3A_382, %parallel_loop3A_383] {strides = array<i32>} : memref<32x512xf32, #tpu.memory_space<vmem>>, vector<16xf32>,
        %parallel_loop3A_385 = arith.constant 22 : i32
        %parallel_loop3A_386 = vector.broadcast %parallel_loop3A_385 : i32 to vector<16xi32>
        %parallel_loop3A_387 = arith.addi %parallel_loop3A_226, %parallel_loop3A_386 : vector<16xi32>
        tpu.vector_store_idx %arg7[%parallel_loop3A_387], %parallel_loop3A_384 : memref<16384xf32, #tpu.memory_space<vmem>>[vector<16xi32>], vector<16xf32>,
        %parallel_loop3A_388 = arith.constant 23 : i32
        %parallel_loop3A_389 = arith.index_cast %parallel_loop3A_388 : i32 to index
        %parallel_loop3A_390 = arith.index_cast %parallel_loop3A_222 : i32 to index
        %parallel_loop3A_391 = tpu.vector_load %arg5[%parallel_loop3A_389, %parallel_loop3A_390] {strides = array<i32>} : memref<32x512xf32, #tpu.memory_space<vmem>>, vector<16xf32>,
        %parallel_loop3A_392 = arith.constant 23 : i32
        %parallel_loop3A_393 = vector.broadcast %parallel_loop3A_392 : i32 to vector<16xi32>
        %parallel_loop3A_394 = arith.addi %parallel_loop3A_226, %parallel_loop3A_393 : vector<16xi32>
        tpu.vector_store_idx %arg7[%parallel_loop3A_394], %parallel_loop3A_391 : memref<16384xf32, #tpu.memory_space<vmem>>[vector<16xi32>], vector<16xf32>,
        %parallel_loop3A_395 = arith.constant 24 : i32
        %parallel_loop3A_396 = arith.index_cast %parallel_loop3A_395 : i32 to index
        %parallel_loop3A_397 = arith.index_cast %parallel_loop3A_222 : i32 to index
        %parallel_loop3A_398 = tpu.vector_load %arg5[%parallel_loop3A_396, %parallel_loop3A_397] {strides = array<i32>} : memref<32x512xf32, #tpu.memory_space<vmem>>, vector<16xf32>,
        %parallel_loop3A_399 = arith.constant 24 : i32
        %parallel_loop3A_400 = vector.broadcast %parallel_loop3A_399 : i32 to vector<16xi32>
        %parallel_loop3A_401 = arith.addi %parallel_loop3A_226, %parallel_loop3A_400 : vector<16xi32>
        tpu.vector_store_idx %arg7[%parallel_loop3A_401], %parallel_loop3A_398 : memref<16384xf32, #tpu.memory_space<vmem>>[vector<16xi32>], vector<16xf32>,
        %parallel_loop3A_402 = arith.constant 25 : i32
        %parallel_loop3A_403 = arith.index_cast %parallel_loop3A_402 : i32 to index
        %parallel_loop3A_404 = arith.index_cast %parallel_loop3A_222 : i32 to index
        %parallel_loop3A_405 = tpu.vector_load %arg5[%parallel_loop3A_403, %parallel_loop3A_404] {strides = array<i32>} : memref<32x512xf32, #tpu.memory_space<vmem>>, vector<16xf32>,
        %parallel_loop3A_406 = arith.constant 25 : i32
        %parallel_loop3A_407 = vector.broadcast %parallel_loop3A_406 : i32 to vector<16xi32>
        %parallel_loop3A_408 = arith.addi %parallel_loop3A_226, %parallel_loop3A_407 : vector<16xi32>
        tpu.vector_store_idx %arg7[%parallel_loop3A_408], %parallel_loop3A_405 : memref<16384xf32, #tpu.memory_space<vmem>>[vector<16xi32>], vector<16xf32>,
        %parallel_loop3A_409 = arith.constant 26 : i32
        %parallel_loop3A_410 = arith.index_cast %parallel_loop3A_409 : i32 to index
        %parallel_loop3A_411 = arith.index_cast %parallel_loop3A_222 : i32 to index
        %parallel_loop3A_412 = tpu.vector_load %arg5[%parallel_loop3A_410, %parallel_loop3A_411] {strides = array<i32>} : memref<32x512xf32, #tpu.memory_space<vmem>>, vector<16xf32>,
        %parallel_loop3A_413 = arith.constant 26 : i32
        %parallel_loop3A_414 = vector.broadcast %parallel_loop3A_413 : i32 to vector<16xi32>
        %parallel_loop3A_415 = arith.addi %parallel_loop3A_226, %parallel_loop3A_414 : vector<16xi32>
        tpu.vector_store_idx %arg7[%parallel_loop3A_415], %parallel_loop3A_412 : memref<16384xf32, #tpu.memory_space<vmem>>[vector<16xi32>], vector<16xf32>,
        %parallel_loop3A_416 = arith.constant 27 : i32
        %parallel_loop3A_417 = arith.index_cast %parallel_loop3A_416 : i32 to index
        %parallel_loop3A_418 = arith.index_cast %parallel_loop3A_222 : i32 to index
        %parallel_loop3A_419 = tpu.vector_load %arg5[%parallel_loop3A_417, %parallel_loop3A_418] {strides = array<i32>} : memref<32x512xf32, #tpu.memory_space<vmem>>, vector<16xf32>,
        %parallel_loop3A_420 = arith.constant 27 : i32
        %parallel_loop3A_421 = vector.broadcast %parallel_loop3A_420 : i32 to vector<16xi32>
        %parallel_loop3A_422 = arith.addi %parallel_loop3A_226, %parallel_loop3A_421 : vector<16xi32>
        tpu.vector_store_idx %arg7[%parallel_loop3A_422], %parallel_loop3A_419 : memref<16384xf32, #tpu.memory_space<vmem>>[vector<16xi32>], vector<16xf32>,
        %parallel_loop3A_423 = arith.constant 28 : i32
        %parallel_loop3A_424 = arith.index_cast %parallel_loop3A_423 : i32 to index
        %parallel_loop3A_425 = arith.index_cast %parallel_loop3A_222 : i32 to index
        %parallel_loop3A_426 = tpu.vector_load %arg5[%parallel_loop3A_424, %parallel_loop3A_425] {strides = array<i32>} : memref<32x512xf32, #tpu.memory_space<vmem>>, vector<16xf32>,
        %parallel_loop3A_427 = arith.constant 28 : i32
        %parallel_loop3A_428 = vector.broadcast %parallel_loop3A_427 : i32 to vector<16xi32>
        %parallel_loop3A_429 = arith.addi %parallel_loop3A_226, %parallel_loop3A_428 : vector<16xi32>
        tpu.vector_store_idx %arg7[%parallel_loop3A_429], %parallel_loop3A_426 : memref<16384xf32, #tpu.memory_space<vmem>>[vector<16xi32>], vector<16xf32>,
        %parallel_loop3A_430 = arith.constant 29 : i32
        %parallel_loop3A_431 = arith.index_cast %parallel_loop3A_430 : i32 to index
        %parallel_loop3A_432 = arith.index_cast %parallel_loop3A_222 : i32 to index
        %parallel_loop3A_433 = tpu.vector_load %arg5[%parallel_loop3A_431, %parallel_loop3A_432] {strides = array<i32>} : memref<32x512xf32, #tpu.memory_space<vmem>>, vector<16xf32>,
        %parallel_loop3A_434 = arith.constant 29 : i32
        %parallel_loop3A_435 = vector.broadcast %parallel_loop3A_434 : i32 to vector<16xi32>
        %parallel_loop3A_436 = arith.addi %parallel_loop3A_226, %parallel_loop3A_435 : vector<16xi32>
        tpu.vector_store_idx %arg7[%parallel_loop3A_436], %parallel_loop3A_433 : memref<16384xf32, #tpu.memory_space<vmem>>[vector<16xi32>], vector<16xf32>,
        %parallel_loop3A_437 = arith.constant 30 : i32
        %parallel_loop3A_438 = arith.index_cast %parallel_loop3A_437 : i32 to index
        %parallel_loop3A_439 = arith.index_cast %parallel_loop3A_222 : i32 to index
        %parallel_loop3A_440 = tpu.vector_load %arg5[%parallel_loop3A_438, %parallel_loop3A_439] {strides = array<i32>} : memref<32x512xf32, #tpu.memory_space<vmem>>, vector<16xf32>,
        %parallel_loop3A_441 = arith.constant 30 : i32
        %parallel_loop3A_442 = vector.broadcast %parallel_loop3A_441 : i32 to vector<16xi32>
        %parallel_loop3A_443 = arith.addi %parallel_loop3A_226, %parallel_loop3A_442 : vector<16xi32>
        tpu.vector_store_idx %arg7[%parallel_loop3A_443], %parallel_loop3A_440 : memref<16384xf32, #tpu.memory_space<vmem>>[vector<16xi32>], vector<16xf32>,
        %parallel_loop3A_444 = arith.constant 31 : i32
        %parallel_loop3A_445 = arith.index_cast %parallel_loop3A_444 : i32 to index
        %parallel_loop3A_446 = arith.index_cast %parallel_loop3A_222 : i32 to index
        %parallel_loop3A_447 = tpu.vector_load %arg5[%parallel_loop3A_445, %parallel_loop3A_446] {strides = array<i32>} : memref<32x512xf32, #tpu.memory_space<vmem>>, vector<16xf32>,
        %parallel_loop3A_448 = arith.constant 31 : i32
        %parallel_loop3A_449 = vector.broadcast %parallel_loop3A_448 : i32 to vector<16xi32>
        %parallel_loop3A_450 = arith.addi %parallel_loop3A_226, %parallel_loop3A_449 : vector<16xi32>
        tpu.vector_store_idx %arg7[%parallel_loop3A_450], %parallel_loop3A_447 : memref<16384xf32, #tpu.memory_space<vmem>>[vector<16xi32>], vector<16xf32>,
      } {sc.loop_unroll_factor = 2 : i64, sc.parallel_access}
      %mul3A_207 = arith.constant 62 : i32
      %mul3A_208 = arith.muli %add3A, %mul3A_207 : i32
      %add3A_209 = arith.addi %mul3A_208, %add3A_143 : i32
      %mul3A_210 = arith.constant 4 : i32
      %mul3A_211 = arith.muli %add3A_209, %mul3A_210 : i32
      %min3A_212 = arith.constant 7809 : i32
      %min3A_213 = arith.minsi %mul3A_211, %min3A_212 : i32
      %mul3A_214 = arith.constant 128 : i32
      %mul3A_215 = arith.muli %min3A_213, %mul3A_214 : i32
      %mul3A_216 = arith.constant 32 : i32
      %mul3A_217 = arith.muli %mul3A_215, %mul3A_216 : i32
      %dma_start3A_218 = tpu.memref_slice %arg3[%mul3A_217] : memref<32002048xf32, #tpu.memory_space<hbm>> -> memref<16384xf32, #tpu.memory_space<hbm>>
      %dma_start3A_219 = tpu.memref_slice %arg3[%mul3A_217] : memref<32002048xf32, #tpu.memory_space<hbm>> -> memref<16384xf32, #tpu.memory_space<hbm>>
      tpu.enqueue_dma source(%arg7 : memref<16384xf32, #tpu.memory_space<vmem>>) target(%dma_start3A_219 : memref<16384xf32, #tpu.memory_space<hbm>>) target_semaphore(%arg11 : memref<!tpu.dma_semaphore, #tpu.memory_space<semaphore_mem>>)
    }
    %scan3A_56 = arith.constant 31 : i32
    %dma_wait3A = arith.constant 0 : i32
    %dma_wait3A_57 = tpu.memref_slice %arg3[%dma_wait3A] : memref<32002048xf32, #tpu.memory_space<hbm>> -> memref<16384xf32, #tpu.memory_space<hbm>>
    %dma_wait3A_58 = arith.constant 0 : i32
    %dma_wait3A_59 = tpu.memref_slice %arg3[%dma_wait3A_58] : memref<32002048xf32, #tpu.memory_space<hbm>> -> memref<16384xf32, #tpu.memory_space<hbm>>
    tpu.wait_dma2 semaphore(%arg10 : memref<!tpu.dma_semaphore, #tpu.memory_space<semaphore_mem>>) src(%dma_wait3A_59 : memref<16384xf32, #tpu.memory_space<hbm>>) dst(%arg6 : memref<16384xf32, #tpu.memory_space<vmem>>)
    %dma_wait3A_60 = arith.constant 0 : i32
    %dma_wait3A_61 = tpu.memref_slice %arg3[%dma_wait3A_60] : memref<32002048xf32, #tpu.memory_space<hbm>> -> memref<16384xf32, #tpu.memory_space<hbm>>
    %dma_wait3A_62 = arith.constant 0 : i32
    %dma_wait3A_63 = tpu.memref_slice %arg3[%dma_wait3A_62] : memref<32002048xf32, #tpu.memory_space<hbm>> -> memref<16384xf32, #tpu.memory_space<hbm>>
    tpu.wait_dma2 semaphore(%arg11 : memref<!tpu.dma_semaphore, #tpu.memory_space<semaphore_mem>>) src(%dma_wait3A_63 : memref<16384xf32, #tpu.memory_space<hbm>>) dst(%arg7 : memref<16384xf32, #tpu.memory_space<vmem>>)
    return
  }
}

#map = affine_map<(d0, d1) -> (0, 0)>
#map1 = affine_map<(d0, d1) -> (0)>
module attributes {stable_mosaic.version = 14 : i64} {
  func.func @gather_kernel(%arg0: i32, %arg1: i32, %arg2: memref<1000064x32xf32, #tpu.memory_space<hbm>>, %arg3: memref<819200xi32, #tpu.memory_space<hbm>>, %arg4: memref<819200x128xf32, #tpu.memory_space<hbm>>, %arg5: memref<25600xi32, #tpu.memory_space<vmem>>, %arg6: memref<1600x32xf32, #tpu.memory_space<vmem>>, %arg7: memref<1600x32xf32, #tpu.memory_space<vmem>>, %arg8: memref<!tpu.dma_semaphore, #tpu.memory_space<semaphore_mem>>, %arg9: memref<!tpu.dma_semaphore, #tpu.memory_space<semaphore_mem>>, %arg10: memref<!tpu.dma_semaphore, #tpu.memory_space<semaphore_mem>>, %arg11: memref<!tpu.dma_semaphore, #tpu.memory_space<semaphore_mem>>) attributes {dimension_semantics = [#tpu.dimension_semantics<core_parallel>, #tpu.dimension_semantics<subcore_parallel>], iteration_bounds = array<i64: 2, 16>, scalar_prefetch = 0 : i64, scratch_operands = 7 : i64, tpu.core_type = #tpu.core_type<sc_vector_subcore>, window_params = [{transform_indices = #map}, {transform_indices = #map1}, {transform_indices = #map}]} {
    %mul3A = arith.constant 2 : i32
    %mul3A_0 = arith.muli %arg1, %mul3A : i32
    %add3A = arith.addi %mul3A_0, %arg0 : i32
    %mul3A_1 = arith.constant 25600 : i32
    %mul3A_2 = arith.muli %add3A, %mul3A_1 : i32
    "tpu.region"() ({
      %run_scoped3A = tpu.sem_alloc : memref<!tpu.dma_semaphore, #tpu.memory_space<semaphore_mem>>
      %dma_start3A_23 = tpu.memref_slice %arg3[%mul3A_2] : memref<819200xi32, #tpu.memory_space<hbm>> -> memref<25600xi32, #tpu.memory_space<hbm>>
      %dma_start3A_24 = tpu.memref_slice %arg3[%mul3A_2] : memref<819200xi32, #tpu.memory_space<hbm>> -> memref<25600xi32, #tpu.memory_space<hbm>>
      tpu.enqueue_dma source(%dma_start3A_24 : memref<25600xi32, #tpu.memory_space<hbm>>) target(%arg5 : memref<25600xi32, #tpu.memory_space<vmem>>) target_semaphore(%run_scoped3A : memref<!tpu.dma_semaphore, #tpu.memory_space<semaphore_mem>>)
      %dma_wait3A_25 = tpu.memref_slice %arg3[%mul3A_2] : memref<819200xi32, #tpu.memory_space<hbm>> -> memref<25600xi32, #tpu.memory_space<hbm>>
      %dma_wait3A_26 = tpu.memref_slice %arg3[%mul3A_2] : memref<819200xi32, #tpu.memory_space<hbm>> -> memref<25600xi32, #tpu.memory_space<hbm>>
      tpu.wait_dma2 semaphore(%run_scoped3A : memref<!tpu.dma_semaphore, #tpu.memory_space<semaphore_mem>>) src(%dma_wait3A_26 : memref<25600xi32, #tpu.memory_space<hbm>>) dst(%arg5 : memref<25600xi32, #tpu.memory_space<vmem>>)
      tpu.yield
    }) : () -> ()
    %dma_start3A = arith.constant 0 : i32
    %dma_start3A_3 = tpu.memref_slice %arg5[%dma_start3A] : memref<25600xi32, #tpu.memory_space<vmem>> -> memref<1600xi32, #tpu.memory_space<vmem>>
    %dma_start3A_4 = arith.constant 0 : i32
    %dma_start3A_5 = arith.constant 0 : i32
    %dma_start3A_6 = tpu.memref_slice %arg2[%dma_start3A_4, %dma_start3A_5] : memref<1000064x32xf32, #tpu.memory_space<hbm>> -> memref<1000064x32xf32, #tpu.memory_space<hbm>>
    tpu.enqueue_indirect_dma source(%dma_start3A_6 : memref<1000064x32xf32, #tpu.memory_space<hbm>>) target(%arg6 : memref<1600x32xf32, #tpu.memory_space<vmem>>) offsets(%dma_start3A_3 : memref<1600xi32, #tpu.memory_space<vmem>>) semaphore(%arg8 : memref<!tpu.dma_semaphore, #tpu.memory_space<semaphore_mem>>)
    %scan3A = arith.constant 0 : i32
    %scan3A_7 = arith.constant 0 : i32
    %scan3A_8 = arith.constant 8 : i32
    %scan3A_9 = arith.addi %scan3A_7, %scan3A_8 : i32
    %scan3A_10 = arith.constant 1 : i32
    scf.for %scan3A_23 = %scan3A_7 to %scan3A_9 step %scan3A_10  : i32 {
      %mul3A_24 = arith.constant 2 : i32
      %mul3A_25 = arith.muli %mul3A_24, %scan3A_23 : i32
      %add3A_26 = arith.constant 0 : i32
      %add3A_27 = arith.addi %mul3A_25, %add3A_26 : i32
      %dma_wait3A_28 = arith.constant 0 : i32
      %dma_wait3A_29 = arith.constant 0 : i32
      %dma_wait3A_30 = tpu.memref_slice %arg2[%dma_wait3A_28, %dma_wait3A_29] : memref<1000064x32xf32, #tpu.memory_space<hbm>> -> memref<1600x32xf32, #tpu.memory_space<hbm>>
      %dma_wait3A_31 = arith.constant 0 : i32
      %dma_wait3A_32 = arith.constant 0 : i32
      %dma_wait3A_33 = tpu.memref_slice %arg2[%dma_wait3A_31, %dma_wait3A_32] : memref<1000064x32xf32, #tpu.memory_space<hbm>> -> memref<1600x32xf32, #tpu.memory_space<hbm>>
      tpu.wait_dma2 semaphore(%arg8 : memref<!tpu.dma_semaphore, #tpu.memory_space<semaphore_mem>>) src(%dma_wait3A_33 : memref<1600x32xf32, #tpu.memory_space<hbm>>) dst(%arg6 : memref<1600x32xf32, #tpu.memory_space<vmem>>)
      %ge3A = arith.constant 1 : i32
      %ge3A_34 = arith.cmpi sge, %add3A_27, %ge3A : i32
      %add3A_35 = arith.constant 1 : i32
      %add3A_36 = arith.addi %add3A_27, %add3A_35 : i32
      %lt3A = arith.constant 16 : i32
      %lt3A_37 = arith.cmpi slt, %add3A_36, %lt3A : i32
      %and3A = arith.andi %ge3A_34, %lt3A_37 : i1
      %convert_element_type3A = arith.extui %and3A : i1 to i32
      %cond3A = arith.constant 0 : i32
      %cond3A_38 = arith.cmpi ne, %convert_element_type3A, %cond3A : i32
      scf.if %cond3A_38 {
        %dma_wait3A_87 = arith.constant 0 : i32
        %dma_wait3A_88 = arith.constant 0 : i32
        %dma_wait3A_89 = tpu.memref_slice %arg4[%dma_wait3A_87, %dma_wait3A_88] : memref<819200x128xf32, #tpu.memory_space<hbm>> -> memref<1600x32xf32, #tpu.memory_space<hbm>>
        %dma_wait3A_90 = arith.constant 0 : i32
        %dma_wait3A_91 = arith.constant 0 : i32
        %dma_wait3A_92 = tpu.memref_slice %arg4[%dma_wait3A_90, %dma_wait3A_91] : memref<819200x128xf32, #tpu.memory_space<hbm>> -> memref<1600x32xf32, #tpu.memory_space<hbm>>
        tpu.wait_dma2 semaphore(%arg11 : memref<!tpu.dma_semaphore, #tpu.memory_space<semaphore_mem>>) src(%dma_wait3A_92 : memref<1600x32xf32, #tpu.memory_space<hbm>>) dst(%arg7 : memref<1600x32xf32, #tpu.memory_space<vmem>>)
      } else {
      }
      %add3A_39 = arith.constant 1 : i32
      %add3A_40 = arith.addi %add3A_27, %add3A_39 : i32
      %lt3A_41 = arith.constant 16 : i32
      %lt3A_42 = arith.cmpi slt, %add3A_40, %lt3A_41 : i32
      %convert_element_type3A_43 = arith.extui %lt3A_42 : i1 to i32
      %cond3A_44 = arith.constant 0 : i32
      %cond3A_45 = arith.cmpi ne, %convert_element_type3A_43, %cond3A_44 : i32
      scf.if %cond3A_45 {
        %add3A_87 = arith.constant 1 : i32
        %add3A_88 = arith.addi %add3A_27, %add3A_87 : i32
        %mul3A_89 = arith.constant 1600 : i32
        %mul3A_90 = arith.muli %add3A_88, %mul3A_89 : i32
        %dma_start3A_91 = tpu.memref_slice %arg5[%mul3A_90] : memref<25600xi32, #tpu.memory_space<vmem>> -> memref<1600xi32, #tpu.memory_space<vmem>>
        %dma_start3A_92 = arith.constant 0 : i32
        %dma_start3A_93 = arith.constant 0 : i32
        %dma_start3A_94 = tpu.memref_slice %arg2[%dma_start3A_92, %dma_start3A_93] : memref<1000064x32xf32, #tpu.memory_space<hbm>> -> memref<1000064x32xf32, #tpu.memory_space<hbm>>
        tpu.enqueue_indirect_dma source(%dma_start3A_94 : memref<1000064x32xf32, #tpu.memory_space<hbm>>) target(%arg7 : memref<1600x32xf32, #tpu.memory_space<vmem>>) offsets(%dma_start3A_91 : memref<1600xi32, #tpu.memory_space<vmem>>) semaphore(%arg9 : memref<!tpu.dma_semaphore, #tpu.memory_space<semaphore_mem>>)
      } else {
      }
      %mul3A_46 = arith.constant 1600 : i32
      %mul3A_47 = arith.muli %add3A_27, %mul3A_46 : i32
      %add3A_48 = arith.addi %mul3A_2, %mul3A_47 : i32
      %dma_start3A_49 = arith.constant 0 : i32
      %dma_start3A_50 = tpu.memref_slice %arg4[%add3A_48, %dma_start3A_49] : memref<819200x128xf32, #tpu.memory_space<hbm>> -> memref<1600x32xf32, #tpu.memory_space<hbm>>
      %dma_start3A_51 = arith.constant 0 : i32
      %dma_start3A_52 = tpu.memref_slice %arg4[%add3A_48, %dma_start3A_51] : memref<819200x128xf32, #tpu.memory_space<hbm>> -> memref<1600x32xf32, #tpu.memory_space<hbm>>
      tpu.enqueue_dma source(%arg6 : memref<1600x32xf32, #tpu.memory_space<vmem>>) target(%dma_start3A_52 : memref<1600x32xf32, #tpu.memory_space<hbm>>) target_semaphore(%arg10 : memref<!tpu.dma_semaphore, #tpu.memory_space<semaphore_mem>>)
      %mul3A_53 = arith.constant 2 : i32
      %mul3A_54 = arith.muli %mul3A_53, %scan3A_23 : i32
      %add3A_55 = arith.constant 1 : i32
      %add3A_56 = arith.addi %mul3A_54, %add3A_55 : i32
      %dma_wait3A_57 = arith.constant 0 : i32
      %dma_wait3A_58 = arith.constant 0 : i32
      %dma_wait3A_59 = tpu.memref_slice %arg2[%dma_wait3A_57, %dma_wait3A_58] : memref<1000064x32xf32, #tpu.memory_space<hbm>> -> memref<1600x32xf32, #tpu.memory_space<hbm>>
      %dma_wait3A_60 = arith.constant 0 : i32
      %dma_wait3A_61 = arith.constant 0 : i32
      %dma_wait3A_62 = tpu.memref_slice %arg2[%dma_wait3A_60, %dma_wait3A_61] : memref<1000064x32xf32, #tpu.memory_space<hbm>> -> memref<1600x32xf32, #tpu.memory_space<hbm>>
      tpu.wait_dma2 semaphore(%arg9 : memref<!tpu.dma_semaphore, #tpu.memory_space<semaphore_mem>>) src(%dma_wait3A_62 : memref<1600x32xf32, #tpu.memory_space<hbm>>) dst(%arg7 : memref<1600x32xf32, #tpu.memory_space<vmem>>)
      %ge3A_63 = arith.constant 1 : i32
      %ge3A_64 = arith.cmpi sge, %add3A_56, %ge3A_63 : i32
      %add3A_65 = arith.constant 1 : i32
      %add3A_66 = arith.addi %add3A_56, %add3A_65 : i32
      %lt3A_67 = arith.constant 16 : i32
      %lt3A_68 = arith.cmpi slt, %add3A_66, %lt3A_67 : i32
      %and3A_69 = arith.andi %ge3A_64, %lt3A_68 : i1
      %convert_element_type3A_70 = arith.extui %and3A_69 : i1 to i32
      %cond3A_71 = arith.constant 0 : i32
      %cond3A_72 = arith.cmpi ne, %convert_element_type3A_70, %cond3A_71 : i32
      scf.if %cond3A_72 {
        %dma_wait3A_87 = arith.constant 0 : i32
        %dma_wait3A_88 = arith.constant 0 : i32
        %dma_wait3A_89 = tpu.memref_slice %arg4[%dma_wait3A_87, %dma_wait3A_88] : memref<819200x128xf32, #tpu.memory_space<hbm>> -> memref<1600x32xf32, #tpu.memory_space<hbm>>
        %dma_wait3A_90 = arith.constant 0 : i32
        %dma_wait3A_91 = arith.constant 0 : i32
        %dma_wait3A_92 = tpu.memref_slice %arg4[%dma_wait3A_90, %dma_wait3A_91] : memref<819200x128xf32, #tpu.memory_space<hbm>> -> memref<1600x32xf32, #tpu.memory_space<hbm>>
        tpu.wait_dma2 semaphore(%arg10 : memref<!tpu.dma_semaphore, #tpu.memory_space<semaphore_mem>>) src(%dma_wait3A_92 : memref<1600x32xf32, #tpu.memory_space<hbm>>) dst(%arg6 : memref<1600x32xf32, #tpu.memory_space<vmem>>)
      } else {
      }
      %add3A_73 = arith.constant 1 : i32
      %add3A_74 = arith.addi %add3A_56, %add3A_73 : i32
      %lt3A_75 = arith.constant 16 : i32
      %lt3A_76 = arith.cmpi slt, %add3A_74, %lt3A_75 : i32
      %convert_element_type3A_77 = arith.extui %lt3A_76 : i1 to i32
      %cond3A_78 = arith.constant 0 : i32
      %cond3A_79 = arith.cmpi ne, %convert_element_type3A_77, %cond3A_78 : i32
      scf.if %cond3A_79 {
        %add3A_87 = arith.constant 1 : i32
        %add3A_88 = arith.addi %add3A_56, %add3A_87 : i32
        %mul3A_89 = arith.constant 1600 : i32
        %mul3A_90 = arith.muli %add3A_88, %mul3A_89 : i32
        %dma_start3A_91 = tpu.memref_slice %arg5[%mul3A_90] : memref<25600xi32, #tpu.memory_space<vmem>> -> memref<1600xi32, #tpu.memory_space<vmem>>
        %dma_start3A_92 = arith.constant 0 : i32
        %dma_start3A_93 = arith.constant 0 : i32
        %dma_start3A_94 = tpu.memref_slice %arg2[%dma_start3A_92, %dma_start3A_93] : memref<1000064x32xf32, #tpu.memory_space<hbm>> -> memref<1000064x32xf32, #tpu.memory_space<hbm>>
        tpu.enqueue_indirect_dma source(%dma_start3A_94 : memref<1000064x32xf32, #tpu.memory_space<hbm>>) target(%arg6 : memref<1600x32xf32, #tpu.memory_space<vmem>>) offsets(%dma_start3A_91 : memref<1600xi32, #tpu.memory_space<vmem>>) semaphore(%arg8 : memref<!tpu.dma_semaphore, #tpu.memory_space<semaphore_mem>>)
      } else {
      }
      %mul3A_80 = arith.constant 1600 : i32
      %mul3A_81 = arith.muli %add3A_56, %mul3A_80 : i32
      %add3A_82 = arith.addi %mul3A_2, %mul3A_81 : i32
      %dma_start3A_83 = arith.constant 0 : i32
      %dma_start3A_84 = tpu.memref_slice %arg4[%add3A_82, %dma_start3A_83] : memref<819200x128xf32, #tpu.memory_space<hbm>> -> memref<1600x32xf32, #tpu.memory_space<hbm>>
      %dma_start3A_85 = arith.constant 0 : i32
      %dma_start3A_86 = tpu.memref_slice %arg4[%add3A_82, %dma_start3A_85] : memref<819200x128xf32, #tpu.memory_space<hbm>> -> memref<1600x32xf32, #tpu.memory_space<hbm>>
      tpu.enqueue_dma source(%arg7 : memref<1600x32xf32, #tpu.memory_space<vmem>>) target(%dma_start3A_86 : memref<1600x32xf32, #tpu.memory_space<hbm>>) target_semaphore(%arg11 : memref<!tpu.dma_semaphore, #tpu.memory_space<semaphore_mem>>)
    }
    %scan3A_11 = arith.constant 8 : i32
    %dma_wait3A = arith.constant 0 : i32
    %dma_wait3A_12 = arith.constant 0 : i32
    %dma_wait3A_13 = tpu.memref_slice %arg4[%dma_wait3A, %dma_wait3A_12] : memref<819200x128xf32, #tpu.memory_space<hbm>> -> memref<1600x32xf32, #tpu.memory_space<hbm>>
    %dma_wait3A_14 = arith.constant 0 : i32
    %dma_wait3A_15 = arith.constant 0 : i32
    %dma_wait3A_16 = tpu.memref_slice %arg4[%dma_wait3A_14, %dma_wait3A_15] : memref<819200x128xf32, #tpu.memory_space<hbm>> -> memref<1600x32xf32, #tpu.memory_space<hbm>>
    tpu.wait_dma2 semaphore(%arg10 : memref<!tpu.dma_semaphore, #tpu.memory_space<semaphore_mem>>) src(%dma_wait3A_16 : memref<1600x32xf32, #tpu.memory_space<hbm>>) dst(%arg6 : memref<1600x32xf32, #tpu.memory_space<vmem>>)
    %dma_wait3A_17 = arith.constant 0 : i32
    %dma_wait3A_18 = arith.constant 0 : i32
    %dma_wait3A_19 = tpu.memref_slice %arg4[%dma_wait3A_17, %dma_wait3A_18] : memref<819200x128xf32, #tpu.memory_space<hbm>> -> memref<1600x32xf32, #tpu.memory_space<hbm>>
    %dma_wait3A_20 = arith.constant 0 : i32
    %dma_wait3A_21 = arith.constant 0 : i32
    %dma_wait3A_22 = tpu.memref_slice %arg4[%dma_wait3A_20, %dma_wait3A_21] : memref<819200x128xf32, #tpu.memory_space<hbm>> -> memref<1600x32xf32, #tpu.memory_space<hbm>>
    tpu.wait_dma2 semaphore(%arg11 : memref<!tpu.dma_semaphore, #tpu.memory_space<semaphore_mem>>) src(%dma_wait3A_22 : memref<1600x32xf32, #tpu.memory_space<hbm>>) dst(%arg7 : memref<1600x32xf32, #tpu.memory_space<vmem>>)
    return
  }
}

</mosaic_0001>

<sc_bundles>
// kernel: kernel.4.cloned.1.call-start
scs
__scs_entry_jumppad:
0x0: {  	(pc) =	sbr.rel $0x88, $3  }
0x1: {  	(tag) =	ssettag $0x0;
	lr =	simm.s32 $0x1  }
0x2: {  	[smem:$0x3F9F] =	sst lr;
	_ =	strace $0xD0000000  }
0x3: {  	_ = 	snop  }
0x4: {  	_ = 	snop  }
0x5: {  	_ = 	snop  }
0x6: {  	_ = 	snop  }
0x7: {  	_ = 	snop  }
__scs_overlays_trampoline_lowered:
0x8: {  	[smem:$0x3FAE] =	sst s0  }
0x9: {  	[smem:$0x3FAF] =	sst s1  }
0xa: {  	[smem:$0x3FB0] =	sst s2  }
0xb: {  	[smem:$0x3FB1] =	sst s3  }
0xc: {  	[smem:$0x3FB2] =	sst s4  }
0xd: {  	[smem:$0x3FB3] =	sst s5  }
0xe: {  	[smem:$0x3FB4] =	sst s6  }
0xf: {  	[smem:$0x3FB5] =	sst s7  }
0x10: {  	[smem:$0x3FB6] =	sst s8  }
0x11: {  	[smem:$0x3FB7] =	sst s9;
	s0 =	simm.s32 @!p0 $0x0  }
0x12: {  	s1 =	sld [smem:$0x3F9D];
	s0 =	simm.s32 @p0 $0x1  }
0x13: {  	[smem:$0x3FB8] =	sst s0;
	s0 =	simm.s32 @!p1 $0x0  }
0x14: {  	s2 =	sld [smem:$0x3F9C];
	s0 =	simm.s32 @p1 $0x1  }
0x15: {  	[smem:$0x3FB9] =	sst s0;
	s0 =	simm.s32 @!p2 $0x0  }
0x16: {  	s3 =	sld [smem:$0x3FDB];
	s0 =	simm.s32 @p2 $0x1  }
0x17: {  	s4 =	simm.s32 $0x1BF5;
	[smem:$0x3FBB] =	sst s0  }
0x18: {  	s0 =	sld [smem:$0x3F9E];
	_ =	swait.ge [sflag:s4], $0x0  }
0x19: {  	s7 =	sld [smem:$0x3F9F]  }
0x1a: {  	s8 =	sadd.s32 $0xFFFFE003, lr  }
0x1b: {  	s9 =	sadd.s32 $0xFFFFFEF7, lr;
	s5 =	simm.s32 $0xFFFFFFFF;
	p2 =	slt.u32 s8, $0xFFFFF086  }
0x1c: {  	p1 =	slt.u32 s9, $0xF7A;
	s5 =	simm.s32 @!p2 $0x0  }
0x1d: {  	s5 =	simm.s32 @p1 $0x1;
	p0 =	seq.s32 s7, s2  }
0x1e: {  	s7 =	smul.u32 @!p0 $0xF7A, s2;
	p2 =	seq.s32 @!p0 s5, $0x0  }
0x1f: {  	s9 =	smul.u32 $0xF7A, s1;
	s8 =	simm.s32 @!p0 $0x1BF5;
	p2 =	por !p2, p0  }
0x20: {  	[sflag:s8] =	ssyncset.s32 @!p0 $0xFFFFF086;
	s6 =	sadd.s32 @!p0 s3, s7;
	s7 =	simm.s32 @!p0 $0x108  }
0x21: {  	s3 =	sadd.s32 s3, s9;
	s6 =	sadd.s32 @!p0 $0x88, s6;
	s7 =	simm.s32 @p2 $0x1082  }
0x22: {  	[simem:s7], [sflag:s8] =	dma.local @!p0 [hbm:s6], $0xF7A  }
0x23: {  	s9 =	sor.u32 $0xD0000000, s2;
	s6 =	simm.s32 $0x108;
	_ =	swait.ge @!p0 [sflag:s8], $0x0  }
0x24: {  	s3 =	sadd.s32 $0x88, s3;
	s6 =	simm.s32 @!p1 $0x1082;
	[sflag:s4] =	ssyncset.s32 $0xFFFFF086  }
0x25: {  	[simem:s6], [sflag:s4] =	dma.local [hbm:s3], $0xF7A  }
0x26: {  	[smem:$0x3F9F] =	sst s1;
	(tag) =	ssettag s2;
	_ =	strace s9  }
0x27: {  	s1 =	sld [smem:$0x3FAF]  }
0x28: {  	s2 =	sld [smem:$0x3FB0]  }
0x29: {  	s4 =	sld [smem:$0x3FB2]  }
0x2a: {  	p0 =	seq.s32 s5, $0x0;
	s5 =	sld [smem:$0x3FB3]  }
0x2b: {  	s6 =	sld [smem:$0x3FB4]  }
0x2c: {  	s7 =	sld [smem:$0x3FB5]  }
0x2d: {  	s3 =	simm.s32 $0x108;
	s8 =	sld [smem:$0x3FB6]  }
0x2e: {  	s3 =	simm.s32 @!p0 $0x1082;
	s9 =	sld [smem:$0x3FB7]  }
0x2f: {  	lr =	sadd.s32 s0, s3;
	s0 =	sld [smem:$0x3FAE]  }
0x30: {  	s3 =	sld [smem:$0x3FB1]  }
0x31: {  	[smem:$0x3FBA] =	sst s10  }
0x32: {  	s10 =	sld [smem:$0x3FB8];
	_ =	sdelay $0x3  }
0x33: {  	p0 =	seq.s32 s10, $0x1;
	s10 =	sld [smem:$0x3FBA];
	_ =	sdelay $0x3  }
0x34: {  	[smem:$0x3FBA] =	sst s10  }
0x35: {  	s10 =	sld [smem:$0x3FB9];
	_ =	sdelay $0x3  }
0x36: {  	p1 =	seq.s32 s10, $0x1;
	s10 =	sld [smem:$0x3FBA];
	_ =	sdelay $0x3  }
0x37: {  	[smem:$0x3FBA] =	sst s10  }
0x38: {  	s10 =	sld [smem:$0x3FBB]  }
0x39: {  	_ = 	snop;
	(pc) =	sbr.ind lr, $3  }
0x3a: {  	_ = 	snop  }
0x3b: {  	_ = 	snop  }
0x3c: {  	p2 =	seq.s32 s10, $0x1;
	s10 =	sld [smem:$0x3FBA]  }
0x3d: {  	_ =	shalt  }
0x3e: {  	_ =	shalt  }
0x3f: {  	_ =	shalt  }
0x40: {  	_ =	shalt  }
0x41: {  	_ =	shalt  }
0x42: {  	_ =	shalt  }
0x43: {  	_ =	shalt  }
0x44: {  	_ =	shalt  }
0x45: {  	_ =	shalt  }
0x46: {  	_ =	shalt  }
0x47: {  	_ =	shalt  }
0x48: {  	_ =	shalt  }
0x49: {  	_ =	shalt  }
0x4a: {  	_ =	shalt  }
0x4b: {  	_ =	shalt  }
0x4c: {  	_ =	shalt  }
0x4d: {  	_ =	shalt  }
0x4e: {  	_ =	shalt  }
0x4f: {  	_ =	shalt  }
0x50: {  	_ =	shalt  }
0x51: {  	_ =	shalt  }
0x52: {  	_ =	shalt  }
0x53: {  	_ =	shalt  }
0x54: {  	_ =	shalt  }
0x55: {  	_ =	shalt  }
0x56: {  	_ =	shalt  }
0x57: {  	_ =	shalt  }
0x58: {  	_ =	shalt  }
0x59: {  	_ =	shalt  }
0x5a: {  	_ =	shalt  }
0x5b: {  	_ =	shalt  }
0x5c: {  	_ =	shalt  }
0x5d: {  	_ =	shalt  }
0x5e: {  	_ =	shalt  }
0x5f: {  	_ =	shalt  }
0x60: {  	_ =	shalt  }
0x61: {  	_ =	shalt  }
0x62: {  	_ =	shalt  }
0x63: {  	_ =	shalt  }
0x64: {  	_ =	shalt  }
0x65: {  	_ =	shalt  }
0x66: {  	_ =	shalt  }
0x67: {  	_ =	shalt  }
0x68: {  	_ =	shalt  }
0x69: {  	_ =	shalt  }
0x6a: {  	_ =	shalt  }
0x6b: {  	_ =	shalt  }
0x6c: {  	_ =	shalt  }
0x6d: {  	_ =	shalt  }
0x6e: {  	_ =	shalt  }
0x6f: {  	_ =	shalt  }
0x70: {  	_ =	shalt  }
0x71: {  	_ =	shalt  }
0x72: {  	_ =	shalt  }
0x73: {  	_ =	shalt  }
0x74: {  	_ =	shalt  }
0x75: {  	_ =	shalt  }
0x76: {  	_ =	shalt  }
0x77: {  	_ =	shalt  }
0x78: {  	_ =	shalt  }
0x79: {  	_ =	shalt  }
0x7a: {  	_ =	shalt  }
0x7b: {  	_ =	shalt  }
0x7c: {  	_ =	shalt  }
0x7d: {  	_ =	shalt  }
0x7e: {  	_ =	shalt  }
0x7f: {  	_ =	shalt  }
0x80: {  	_ =	shalt  }
0x81: {  	_ =	shalt  }
0x82: {  	_ =	shalt  }
0x83: {  	_ =	shalt  }
0x84: {  	_ =	shalt  }
0x85: {  	_ =	shalt  }
0x86: {  	_ =	shalt  }
0x87: {  	_ =	shalt  }
.Lfunc_end0:
.L_simem_size_0:
called_computation.1_lowered:
.L_overlay_start_0:
0x88: {  	s2 =	sld [smem:$0x3FD9]  }
0x89: {  	s3 =	sld [smem:$0x3FFE];
	_ =	sdelay $0x1  }
0x8a: {  	s1 =	srdreg.scid  }
0x8b: {  	s0 =	sand.u32 $0x1, s1  }
0x8c: {  	s17 =	sshll.u32 s0, $0xA;
	s2 =	sadd.s32 s3, s2  }
0x8d: {  	s2 =	sadd.s32 s2, s17  }
0x8e: {  	[smem:$0x3FC6] =	sst s2  }
0x8f: {  	_ = 	snop  }
0x90: {  	s2 =	sld [smem:$0x3FC8];
	(tm) =	ssettm $0x1  }
0x91: {  	s18 =	sld [smem:$0x3FFB];
	_ =	sdelay $0x3  }
0x92: {  	_ =	strace s18  }
0x93: {  	s3 =	sld [smem:$0x3FFC];
	_ =	sdelay $0x3  }
0x94: {  	_ =	strace s3  }
0x95: {  	s3 =	sld [smem:$0x3FFD];
	_ =	sdelay $0x3  }
0x96: {  	_ =	strace s3  }
0x97: {  	_ =	strace $0x8FFFFFFF  }
0x98: {  	s19 =	sld [smem:$0x3FDB];
	_ =	sdelay $0x1  }
0x99: {  	s4 =	simm.s32 $_scs_section_size  }
0x9a: {  	s5 =	simm.s32 $_size__tile_overlayer_lowered;
	s6 =	simm.s32 $_tile_overlayer_lowered  }
0x9b: {  	s22 =	simm.s32 $0x1BFF;
	s21 =	sshll.u32 s6, $0x1;
	s3 =	sadd.s32 s4, s19  }
0x9c: {  	s7 =	simm.s32 $0x0;
	s20 =	sshll.u32 s5, $0x1;
	s5 =	sadd.s32 s21, s3  }
0x9d: {  	[timem:s7], [sflag:s22] =	dma.local [hbm:s5], s20  }
0x9e: {  	_ =	swait.ge [sflag:s22], s20  }
0x9f: {  	s4 =	ssub.s32 $0x0, s20;
	[sflag:s22] =	ssyncset.done $0x0  }
0xa0: {  	[sflag:s22] =	ssyncadd.s32 s4;
	_ =	sdelay $0x1  }
0xa1: {  	s23 =	simm.s32 $0x1B8B  }
0xa2: {  	_ =	swait.ge [sflag:s23], $0x1  }
0xa3: {  	[sflag:s23] =	ssyncset.done $0x0  }
0xa4: {  	s25 =	simm.s32 $0x1B8E;
	s24 =	sld [smem:$0x3FFE];
	[sflag:s23] =	ssyncadd.s32 $0xFFFFFFFF  }
0xa5: {  	s26 =	simm.s32 $execute0_lowered;
	[smem:$0x3FD2] =	sst s25  }
0xa6: {  	s5 =	sshll.u32 s26, $0x1;
	_ =	strace $0x80000046;
	[dreg:$0x1] =	wrdreg $0xFFFFFFFF  }
0xa7: {  	s28 =	simm.s32 $_size_execute0_lowered;
	s3 =	sadd.s32 s3, s5;
	[dreg:$0x0] =	wrdreg $0x0  }
0xa8: {  	s5 =	sshll.u32 s28, $0x1;
	[dreg:$0x2] =	wrdreg s3  }
0xa9: {  	[dreg:$0x3] =	wrdreg s5  }
0xaa: {  	[dreg:$0x4] =	wrdreg $0xC0  }
0xab: {  	_ =	task [dreg:s7], $0x5FFFF  }
0xac: {  	[dreg:$0x1] =	wrdreg $0xFFFFFFFF  }
0xad: {  	[dreg:$0x0] =	wrdreg $0x60  }
0xae: {  	[dreg:$0x2] =	wrdreg s2  }
0xaf: {  	[dreg:$0x3] =	wrdreg s24  }
0xb0: {  	[dreg:$0x4] =	wrdreg $0x9  }
0xb1: {  	_ =	task.clear_ibuf [dreg:s7], $0x5FFFF;
	_ =	strace $0x90000046  }
0xb2: {  	s29 =	simm.s32 $0x9;
	_ =	strace $0x80000048  }
0xb3: {  	_ =	swait.ge [sflag:s29], $0x1  }
0xb4: {  	[sflag:s29] =	ssyncadd.s32 $0xFFFFFFFF  }
0xb5: {  	_ =	strace $0x90000048  }
0xb6: {  	_ =	sfence  }
0xb7: {  	s30 =	sld [smem:$0x0];
	_ =	sdelay $0x2  }
0xb8: {  	s31 =	sshll.u32 s1, $0xD;
	s1 =	sshrl.u32 s1, $0x2  }
0xb9: {  	s3 =	sand.u32 $0x4000, s31;
	s1 =	sadd.s32 s1, s30  }
0xba: {  	s0 =	sor.u32 s3, s0;
	s1 =	sshll.u32 s1, $0x11  }
0xbb: {  	s0 =	sor.u32 s1, s0  }
0xbc: {  	s0 =	sadd.s32 $0x8F2B, s0  }
0xbd: {  	[sflag:s0] =	ssyncadd.remote.s32 $0x1  }
0xbe: {  	_ =	sfence.sel $0xFFFF  }
0xbf: {  	[dreg:$0x0] =	wrdreg $0xFFFFFFFF;
	(pc) =	sbr.abs _section_cstart, $3  }
0xc0: {  	[dreg:$0x1] =	wrdreg $0xFFFFFFFF  }
0xc1: {  	_ =	task.clear_ibuf [dreg:s7], $0x2FFFF;
	_ =	strace $0x9FFFFFFF  }
0xc2: {  	(tm) =	ssettm $0x7FFFFFFF  }
0xc3: {  	_ =	shalt  }
tec
execute0_lowered:
.L_overlay_start_1:
0x0: {  	(tag) =	ssettag $0x1  }
0x1: {  	v0 =	vlaneseq.u32  }
0x2: {  	s5 =	rddreg [dreg:$0x0];
	s6 =	simm.s32 $0x0;
	v27 =	vmul.u32 $0x20, v0  }
0x3: {  	[smem:$0x7FF] =	sst s6  }
0x4: {  	s1 =	rddreg [dreg:$0x1];
	_ =	strace $0x80000047;
	v39 =	vor.u32 $0x1, v27;
	[tilespmem:$0x1FDE0] =	vst v27  }
0x5: {  	v35 =	vor.u32 $0x4, v27;
	[tilespmem:$0x1FE00] =	vst v39  }
0x6: {  	v32 =	vor.u32 $0x5, v27;
	[tilespmem:$0x1FE10] =	vst v35  }
0x7: {  	v30 =	vor.u32 $0x6, v27;
	[tilespmem:$0x1FE20] =	vst v32  }
0x8: {  	v28 =	vor.u32 $0x7, v27;
	[tilespmem:$0x1FE30] =	vst v30  }
0x9: {  	v31 =	vor.u32 $0x8, v27;
	[tilespmem:$0x1FE40] =	vst v28  }
0xa: {  	v34 =	vor.u32 $0x9, v27;
	[tilespmem:$0x1FE50] =	vst v31  }
0xb: {  	v36 =	vor.u32 $0xA, v27;
	[tilespmem:$0x1FE60] =	vst v34  }
0xc: {  	v37 =	vor.u32 $0xB, v27;
	[tilespmem:$0x1FE70] =	vst v36  }
0xd: {  	v38 =	vor.u32 $0xF, v27;
	[tilespmem:$0x1FE80] =	vst v37  }
0xe: {  	v40 =	vor.u32 $0x10, v27;
	[tilespmem:$0x1FE90] =	vst v38  }
0xf: {  	v12 =	vor.u32 $0x2, v27;
	[tilespmem:$0x1FEA0] =	vst v40  }
0x10: {  	v13 =	vor.u32 $0x1E, v27;
	[tilespmem:$0x1FEB0] =	vst v12  }
0x11: {  	v14 =	vor.u32 $0x17, v27;
	[tilespmem:$0x1FEC0] =	vst v13  }
0x12: {  	v15 =	vor.u32 $0x1F, v27;
	[tilespmem:$0x1FED0] =	vst v14  }
0x13: {  	v50 =	vor.u32 $0x1B, v27;
	[tilespmem:$0x1FEE0] =	vst v15  }
0x14: {  	v48 =	vor.u32 $0x19, v27;
	[tilespmem:$0x1FEF0] =	vst v50  }
0x15: {  	v45 =	vor.u32 $0x1A, v27;
	[tilespmem:$0x1FF00] =	vst v48  }
0x16: {  	v44 =	vor.u32 $0x14, v27;
	[tilespmem:$0x1FF10] =	vst v45  }
0x17: {  	s0 =	srdreg.scid;
	s2 =	stileid.u32;
	v21 =	vor.u32 $0xC, v27;
	[tilespmem:$0x1FF20] =	vst v44  }
0x18: {  	s0 =	sand.u32 $0x1, s0;
	s2 =	sshll.u32 s2, $0x1;
	v43 =	vor.u32 $0x13, v27;
	[tilespmem:$0x1FF30] =	vst v21  }
0x19: {  	s2 =	sor.u32 s0, s2;
	v42 =	vor.u32 $0x12, v27;
	[tilespmem:$0x1FF40] =	vst v43  }
0x1a: {  	s3 =	smul.u32 $0x3E000, s2;
	v23 =	vor.u32 $0xD, v27;
	[tilespmem:$0x1FF50] =	vst v42  }
0x1b: {  	v41 =	vor.u32 $0x3, v27;
	s4 =	smul.u32 $0x7C00, s2;
	[tilespmem:$0x1FF60] =	vst v23  }
0x1c: {  	s1 =	sadd.s32 $0xE00, s1;
	s2 =	smul.u32 $0x3E, s2;
	v24 =	vor.u32 $0x11, v27;
	[tilespmem:$0x1FF70] =	vst v41  }
0x1d: {  	[dreg:$0x4] =	wrdreg s1;
	s0 =	ssub.s32 $0x2, s0;
	v26 =	vor.u32 $0x16, v27;
	[tilespmem:$0x1FF80] =	vst v24  }
0x1e: {  	s24 =	sshrl.u32 s0, $0x1;
	v53 =	vor.u32 $0x1D, v27;
	[tilespmem:$0x1FF90] =	vst v26;
	s26 =	sadd.s32 s5, s4;
	[dreg:$0x5] =	wrdreg s2  }
0x1f: {  	v25 =	vor.u32 $0xE, v27;
	s0 =	ssub.s32 s0, s24;
	[tilespmem:$0x1FFA0] =	vst v53;
	s30 =	sor.u32 $0x1, s2;
	[dreg:$0x6] =	wrdreg s26  }
0x20: {  	v1 =	vand.u32 $0x3, v0;
	v51 =	vor.u32 $0x1C, v27;
	[tilespmem:$0x1FFB0] =	vst v25;
	s3 =	sshrl.u32 s3, $0x3;
	s31 =	sadd.s32 $0x2, s2;
	[dreg:$0xa] =	wrdreg s30  }
0x21: {  	v63 =	vmul.u32 $0x20, v1;
	v47 =	vor.u32 $0x18, v27;
	[tilespmem:$0x1FFC0] =	vst v51;
	s0 =	smax.u32 s0, $0x1;
	s25 =	sadd.s32 s5, s3;
	[dreg:$0xb] =	wrdreg s31  }
0x22: {  	v46 =	vor.u32 $0x15, v27;
	[tilespmem:$0x1FFE0] =	vst v47;
	[dreg:$0xc] =	wrdreg s0;
	s28 =	sadd.s32 $0xF4280, s25  }
0x23: {  	v29 =	vor.u32 $0xFFFFFD80, v63;
	[tilespmem:$0x1FFF0] =	vst v46;
	s29 =	sadd.s32 $0x1E8500, s25;
	[dreg:$0x7] =	wrdreg s28  }
0x24: {  	s21 =	simm.s32 $0x8000;
	v49 =	vor.u32 $0xFFFFFF80, v63;
	[tilespmem:$0x1FDF0] =	vst v29;
	s1 =	sadd.s32 $0x2DC780, s25;
	[dreg:$0x8] =	wrdreg s29  }
0x25: {  	s23 =	simm.s32 $0xC000;
	s2 =	simm.s32 $0x0;
	[tilespmem:$0x1FFD0] =	vst v49;
	[dreg:$0x9] =	wrdreg s1  }
.LBB2_1:
0x26: {  	[dreg:$0xd] =	wrdreg s2  }
0x27: {  	s0 =	rddreg [dreg:$0x6]  }
0x28: {  	[tilespmem:s6], [sflag:$0x1] =	stream.linear.gather [hbm4b:s0+s6], $0x1000, $0x38;
	[tilespmem:$0x10000] =	vst v63  }
0x29: {  	s26 =	rddreg [dreg:$0x7];
	s1 =	simm.s32 $0x1000  }
0x2a: {  	[tilespmem:s1], [sflag:$0x1] =	stream.linear.gather [hbm4b:s26+s6], $0x1000, $0x38;
	[tilespmem:$0x10000] =	vst v63  }
0x2b: {  	s28 =	rddreg [dreg:$0x8];
	s29 =	simm.s32 $0x2000  }
0x2c: {  	[tilespmem:s29], [sflag:$0x1] =	stream.linear.gather [hbm4b:s28+s6], $0x1000, $0x38;
	[tilespmem:$0x10000] =	vst v63  }
0x2d: {  	s30 =	rddreg [dreg:$0x9];
	s31 =	simm.s32 $0x3000;
	s3 =	simm.s32 $0x0  }
0x2e: {  	[tilespmem:s31], [sflag:$0x1] =	stream.linear.gather [hbm4b:s30+s6], $0x1000, $0x38;
	[tilespmem:$0x10000] =	vst v63  }
.LBB2_2:
0x2f: {  	s1 =	simm.s32 $0x1  }
0x30: {  	_ =	swait.ge [sflag:s1], $0x1000  }
0x31: {  	[sflag:s1] =	ssyncset.done $0x0  }
0x32: {  	[sflag:s1] =	ssyncadd.s32 $0xFFFFF000  }
0x33: {  	_ =	swait.ge [sflag:s1], $0x1000  }
0x34: {  	[sflag:s1] =	ssyncset.done $0x0  }
0x35: {  	[sflag:s1] =	ssyncadd.s32 $0xFFFFF000  }
0x36: {  	_ =	swait.ge [sflag:s1], $0x1000  }
0x37: {  	s2 =	sshll.u32 s3, $0x1;
	[sflag:s1] =	ssyncset.done $0x0;
	s0 =	rddreg [dreg:$0xa]  }
0x38: {  	[dreg:$0x10] =	wrdreg s2;
	s0 =	sadd.s32 s0, s2;
	[sflag:s1] =	ssyncadd.s32 $0xFFFFF000  }
0x39: {  	s0 =	sshll.u32 s0, $0x2;
	_ =	swait.ge [sflag:s1], $0x1000  }
0x3a: {  	s0 =	smin.u32 s0, $0x1E81;
	[sflag:s1] =	ssyncset.done $0x0  }
0x3b: {  	[dreg:$0xf] =	wrdreg s0;
	[sflag:s1] =	ssyncadd.s32 $0xFFFFF000  }
0x3c: {  	s0 =	sshll.u32 s0, $0x7;
	s1 =	rddreg [dreg:$0x0]  }
0x3d: {  	s19 =	simm.s32 $0x4000;
	s22 =	simm.s32 $0x5000;
	s0 =	sadd.s32 s1, s0  }
0x3e: {  	[tilespmem:s19], [sflag:$0x2] =	stream.linear.gather [hbm4b:s0+s6], $0x1000, $0x38;
	[tilespmem:$0x10000] =	vst v63  }
0x3f: {  	s25 =	simm.s32 $0x6000;
	s26 =	simm.s32 $0x7000;
	s20 =	sadd.s32 $0xF4280, s0  }
0x40: {  	[tilespmem:s22], [sflag:$0x2] =	stream.linear.gather [hbm4b:s20+s6], $0x1000, $0x38;
	[tilespmem:$0x10000] =	vst v63  }
0x41: {  	p0 =	seq.s32 s3, $0x0;
	s29 =	simm.s32 $0x0;
	s24 =	sadd.s32 $0x1E8500, s0  }
0x42: {  	[tilespmem:s25], [sflag:$0x2] =	stream.linear.gather [hbm4b:s24+s6], $0x1000, $0x38;
	[tilespmem:$0x10000] =	vst v63  }
0x43: {  	[dreg:$0xe] =	wrdreg s3;
	s1 =	simm.s32 @!p0 $0x3;
	s0 =	sadd.s32 $0x2DC780, s0  }
0x44: {  	[tilespmem:s26], [sflag:$0x2] =	stream.linear.gather [hbm4b:s0+s6], $0x1000, $0x38;
	[tilespmem:$0x10000] =	vst v63  }
0x45: {  	s30 =	simm.s32 $0x0;
	s7 =	simm.s32 $0x0;
	_ =	swait.ge @!p0 [sflag:s1], $0x4000  }
0x46: {  	s8 =	sand.u32 $0x60, s30;
	s9 =	sand.u32 $0xC00, s29;
	[sflag:s1] =	ssyncset.done @!p0 $0x0  }
0x47: {  	v0 =	vor.u32 s7, v27;
	s3 =	sor.u32 s8, s9;
	[sflag:s1] =	ssyncadd.s32 @!p0 $0xFFFFC000  }
0x48: {  	v0 =	vand.u32 v29, v0;
	v1 =	vld [tilespmem:s3+$0x0]  }
0x49: {  	s5 =	simm.s32 $0x10  }
0x4a: {  	s17 =	simm.s32 $0x200;
	s24 =	sand.u32 $0x70, s5  }
0x4b: {  	v2 =	vor.u32 s17, v27;
	s4 =	sor.u32 s24, s9  }
0x4c: {  	v2 =	vand.u32 v49, v2;
	v3 =	vld [tilespmem:s4+$0x0]  }
0x4d: {  	[tilespmem:v0+s21+$0x0] =	vst.idx.msk $0xffff, v1  }
0x4e: {  	v1 =	vor.u32 s7, v39;
	v0 =	vld [tilespmem:s3+$0x80];
	_ =	sdelay $0x2  }
0x4f: {  	[tilespmem:v2+s21+$0x0] =	vst.idx.msk $0xffff, v3  }
0x50: {  	v2 =	vor.u32 s17, v39;
	v3 =	vld [tilespmem:s4+$0x80]  }
0x51: {  	[tilespmem:v1+s21+$0x0] =	vst.idx.msk $0xffff, v0  }
0x52: {  	v1 =	vor.u32 s7, v12;
	v0 =	vld [tilespmem:s3+$0x100];
	_ =	sdelay $0x2  }
0x53: {  	[tilespmem:v2+s21+$0x0] =	vst.idx.msk $0xffff, v3  }
0x54: {  	v2 =	vor.u32 s17, v12;
	v3 =	vld [tilespmem:s4+$0x100]  }
0x55: {  	[tilespmem:v1+s21+$0x0] =	vst.idx.msk $0xffff, v0  }
0x56: {  	v1 =	vor.u32 s7, v41;
	v0 =	vld [tilespmem:s3+$0x180];
	_ =	sdelay $0x2  }
0x57: {  	[tilespmem:v2+s21+$0x0] =	vst.idx.msk $0xffff, v3  }
0x58: {  	v2 =	vor.u32 s17, v41;
	v3 =	vld [tilespmem:s4+$0x180]  }
0x59: {  	[tilespmem:v1+s21+$0x0] =	vst.idx.msk $0xffff, v0  }
0x5a: {  	v1 =	vor.u32 s7, v35;
	v0 =	vld [tilespmem:s3+$0x200];
	_ =	sdelay $0x2  }
0x5b: {  	[tilespmem:v2+s21+$0x0] =	vst.idx.msk $0xffff, v3  }
0x5c: {  	v2 =	vor.u32 s17, v35;
	v3 =	vld [tilespmem:s4+$0x200]  }
0x5d: {  	[tilespmem:v1+s21+$0x0] =	vst.idx.msk $0xffff, v0  }
0x5e: {  	v1 =	vor.u32 s7, v32;
	v0 =	vld [tilespmem:s3+$0x280];
	_ =	sdelay $0x1  }
0x5f: {  	s6 =	sand.u32 $0x3, s29  }
0x60: {  	s1 =	sshll.u32 s6, $0x5;
	[tilespmem:v2+s21+$0x0] =	vst.idx.msk $0xffff, v3  }
0x61: {  	s1 =	sadd.s32 $0x0, s1;
	v2 =	vor.u32 s17, v32;
	v3 =	vld [tilespmem:s4+$0x280]  }
0x62: {  	s10 =	sand.u32 $0x7, s29;
	s1 =	sor.u32 $0x300, s1;
	[tilespmem:v1+s21+$0x0] =	vst.idx.msk $0xffff, v0  }
0x63: {  	v0 =	vld [tilespmem:s1+$0x0];
	s1 =	sshll.u32 s10, $0x4  }
0x64: {  	v1 =	vor.u32 s7, v30;
	s1 =	sadd.s32 $0x0, s1  }
0x65: {  	s1 =	sadd.s32 $0x10, s1  }
0x66: {  	[tilespmem:v2+s21+$0x0] =	vst.idx.msk $0xffff, v3;
	s1 =	sor.u32 $0x300, s1  }
0x67: {  	v2 =	vor.u32 s17, v30;
	v3 =	vld [tilespmem:s1+$0x0]  }
0x68: {  	s2 =	sor.u32 s30, s29  }
0x69: {  	s2 =	sor.u32 $0x380, s2;
	[tilespmem:v1+s21+$0x0] =	vst.idx.msk $0xffff, v0  }
0x6a: {  	v1 =	vor.u32 s7, v28;
	v0 =	vld [tilespmem:s2+$0x0]  }
0x6b: {  	s0 =	sor.u32 s5, s29  }
0x6c: {  	s0 =	sor.u32 $0x380, s0;
	[tilespmem:v2+s21+$0x0] =	vst.idx.msk $0xffff, v3  }
0x6d: {  	v2 =	vor.u32 s17, v28;
	v3 =	vld [tilespmem:s0+$0x0]  }
0x6e: {  	s11 =	sor.u32 $0x1000, s9  }
0x6f: {  	s12 =	sor.u32 s8, s11;
	[tilespmem:v1+s21+$0x0] =	vst.idx.msk $0xffff, v0  }
0x70: {  	v1 =	vor.u32 s7, v31;
	v0 =	vld [tilespmem:s12+$0x0];
	_ =	sdelay $0x1  }
0x71: {  	s1 =	sor.u32 s24, s11;
	[tilespmem:v2+s21+$0x0] =	vst.idx.msk $0xffff, v3  }
0x72: {  	s31 =	simm.s32 $0x400;
	v2 =	vor.u32 s17, v31;
	v3 =	vld [tilespmem:s1+$0x0]  }
0x73: {  	s13 =	sor.u32 $0x1080, s9;
	s5 =	simm.s32 $0x20;
	s3 =	simm.s32 $0x100  }
0x74: {  	s14 =	sor.u32 s8, s13;
	s26 =	sand.u32 $0xC00, s3;
	s2 =	sand.u32 $0x60, s5;
	[tilespmem:v1+s21+$0x0] =	vst.idx.msk $0xffff, v0  }
0x75: {  	v4 =	vor.u32 s31, v27;
	s10 =	sor.u32 s2, s26;
	v1 =	vor.u32 s7, v34;
	v0 =	vld [tilespmem:s14+$0x0]  }
0x76: {  	v4 =	vand.u32 v29, v4;
	v5 =	vld [tilespmem:s10+$0x0]  }
0x77: {  	s0 =	sor.u32 s24, s13;
	[tilespmem:v2+s21+$0x0] =	vst.idx.msk $0xffff, v3  }
0x78: {  	v2 =	vor.u32 s17, v34;
	v3 =	vld [tilespmem:s0+$0x0]  }
0x79: {  	s15 =	sor.u32 $0x1100, s9  }
0x7a: {  	s16 =	sor.u32 s8, s15;
	s4 =	simm.s32 $0x30;
	[tilespmem:v1+s21+$0x0] =	vst.idx.msk $0xffff, v0  }
0x7b: {  	[tilespmem:v4+s21+$0x0] =	vst.idx.msk $0xffff, v5;
	s1 =	simm.s32 $0x600;
	s0 =	sand.u32 $0x70, s4;
	v1 =	vor.u32 s7, v36;
	v0 =	vld [tilespmem:s16+$0x0]  }
0x7c: {  	v6 =	vor.u32 s31, v39;
	v5 =	vld [tilespmem:s10+$0x80];
	v4 =	vor.u32 s1, v27;
	s6 =	sor.u32 s0, s26  }
0x7d: {  	s19 =	sor.u32 s24, s15;
	v4 =	vand.u32 v49, v4;
	v7 =	vld [tilespmem:s6+$0x0];
	[tilespmem:v2+s21+$0x0] =	vst.idx.msk $0xffff, v3  }
0x7e: {  	v2 =	vor.u32 s17, v36;
	v3 =	vld [tilespmem:s19+$0x0]  }
0x7f: {  	s11 =	sor.u32 $0x1180, s9  }
0x80: {  	s18 =	sor.u32 s8, s11;
	[tilespmem:v1+s21+$0x0] =	vst.idx.msk $0xffff, v0  }
0x81: {  	[tilespmem:v6+s21+$0x0] =	vst.idx.msk $0xffff, v5;
	v1 =	vor.u32 s7, v37;
	v0 =	vld [tilespmem:s18+$0x0]  }
0x82: {  	[tilespmem:v4+s21+$0x0] =	vst.idx.msk $0xffff, v7  }
0x83: {  	s11 =	sor.u32 s24, s11;
	v6 =	vor.u32 s1, v39;
	v7 =	vld [tilespmem:s6+$0x80];
	[tilespmem:v2+s21+$0x0] =	vst.idx.msk $0xffff, v3  }
0x84: {  	v2 =	vor.u32 s17, v37;
	v3 =	vld [tilespmem:s11+$0x0]  }
0x85: {  	s12 =	sor.u32 $0x1200, s9  }
0x86: {  	s13 =	sor.u32 s8, s12;
	[tilespmem:v1+s21+$0x0] =	vst.idx.msk $0xffff, v0  }
0x87: {  	v1 =	vor.u32 s7, v21;
	v0 =	vld [tilespmem:s13+$0x0]  }
0x88: {  	v5 =	vor.u32 s31, v12;
	v4 =	vld [tilespmem:s10+$0x100];
	[tilespmem:v6+s21+$0x0] =	vst.idx.msk $0xffff, v7  }
0x89: {  	s12 =	sor.u32 s24, s12;
	v6 =	vor.u32 s1, v12;
	v7 =	vld [tilespmem:s6+$0x100];
	[tilespmem:v2+s21+$0x0] =	vst.idx.msk $0xffff, v3  }
0x8a: {  	v2 =	vor.u32 s17, v21;
	v3 =	vld [tilespmem:s12+$0x0]  }
0x8b: {  	s20 =	sor.u32 $0x1280, s9  }
0x8c: {  	s22 =	sor.u32 s8, s20;
	[tilespmem:v1+s21+$0x0] =	vst.idx.msk $0xffff, v0  }
0x8d: {  	[tilespmem:v5+s21+$0x0] =	vst.idx.msk $0xffff, v4;
	v1 =	vor.u32 s7, v23;
	v0 =	vld [tilespmem:s22+$0x0]  }
0x8e: {  	v5 =	vor.u32 s31, v41;
	v4 =	vld [tilespmem:s10+$0x180];
	[tilespmem:v6+s21+$0x0] =	vst.idx.msk $0xffff, v7  }
0x8f: {  	s11 =	sor.u32 s24, s20;
	v6 =	vor.u32 s1, v41;
	v7 =	vld [tilespmem:s6+$0x180];
	[tilespmem:v2+s21+$0x0] =	vst.idx.msk $0xffff, v3  }
0x90: {  	v2 =	vor.u32 s17, v23;
	v3 =	vld [tilespmem:s11+$0x0]  }
0x91: {  	s25 =	sor.u32 $0x1300, s9  }
0x92: {  	s29 =	sor.u32 s8, s25;
	[tilespmem:v1+s21+$0x0] =	vst.idx.msk $0xffff, v0  }
0x93: {  	[tilespmem:v5+s21+$0x0] =	vst.idx.msk $0xffff, v4;
	v1 =	vor.u32 s7, v25;
	v0 =	vld [tilespmem:s29+$0x0]  }
0x94: {  	v5 =	vor.u32 s31, v35;
	v4 =	vld [tilespmem:s10+$0x200];
	[tilespmem:v6+s21+$0x0] =	vst.idx.msk $0xffff, v7  }
0x95: {  	s12 =	sor.u32 s24, s25;
	v6 =	vor.u32 s1, v35;
	v7 =	vld [tilespmem:s6+$0x200];
	[tilespmem:v2+s21+$0x0] =	vst.idx.msk $0xffff, v3  }
0x96: {  	v2 =	vor.u32 s17, v25;
	v3 =	vld [tilespmem:s12+$0x0]  }
0x97: {  	s30 =	sor.u32 $0x1380, s9  }
0x98: {  	s14 =	sor.u32 s8, s30;
	[tilespmem:v1+s21+$0x0] =	vst.idx.msk $0xffff, v0  }
0x99: {  	[tilespmem:v5+s21+$0x0] =	vst.idx.msk $0xffff, v4;
	v1 =	vor.u32 s7, v38;
	v0 =	vld [tilespmem:s14+$0x0]  }
0x9a: {  	v5 =	vor.u32 s31, v32;
	v4 =	vld [tilespmem:s10+$0x280];
	[tilespmem:v6+s21+$0x0] =	vst.idx.msk $0xffff, v7  }
0x9b: {  	s16 =	simm.s32 $0x1;
	s20 =	simm.s32 $0x2;
	s11 =	sor.u32 s24, s30;
	v6 =	vor.u32 s1, v32;
	v7 =	vld [tilespmem:s6+$0x280];
	[tilespmem:v2+s21+$0x0] =	vst.idx.msk $0xffff, v3  }
0x9c: {  	s12 =	sand.u32 $0x3, s16;
	v2 =	vor.u32 s17, v38;
	v3 =	vld [tilespmem:s11+$0x0];
	s11 =	sand.u32 $0x7, s20  }
0x9d: {  	s15 =	sor.u32 $0x2000, s9;
	s12 =	sshll.u32 s12, $0x5;
	s11 =	sshll.u32 s11, $0x4  }
0x9e: {  	s18 =	sor.u32 s8, s15;
	s12 =	sadd.s32 $0x100, s12;
	[tilespmem:v1+s21+$0x0] =	vst.idx.msk $0xffff, v0;
	s11 =	sadd.s32 $0x100, s11  }
0x9f: {  	[tilespmem:v5+s21+$0x0] =	vst.idx.msk $0xffff, v4;
	s19 =	sor.u32 $0x300, s12;
	v1 =	vor.u32 s7, v40;
	v0 =	vld [tilespmem:s18+$0x0];
	s11 =	sadd.s32 $0x10, s11  }
0xa0: {  	v5 =	vor.u32 s31, v30;
	v4 =	vld [tilespmem:s19+$0x0];
	[tilespmem:v6+s21+$0x0] =	vst.idx.msk $0xffff, v7;
	s29 =	sor.u32 $0x300, s11  }
0xa1: {  	s10 =	sor.u32 s24, s15;
	v6 =	vor.u32 s1, v30;
	[tilespmem:v2+s21+$0x0] =	vst.idx.msk $0xffff, v3;
	v7 =	vld [tilespmem:s29+$0x0]  }
0xa2: {  	v2 =	vor.u32 s17, v40;
	v3 =	vld [tilespmem:s10+$0x0]  }
0xa3: {  	s22 =	sor.u32 $0x2080, s9  }
0xa4: {  	s5 =	sor.u32 s5, s3;
	s25 =	sor.u32 s8, s22;
	[tilespmem:v1+s21+$0x0] =	vst.idx.msk $0xffff, v0  }
0xa5: {  	s3 =	sor.u32 s4, s3;
	s5 =	sor.u32 $0x380, s5;
	[tilespmem:v5+s21+$0x0] =	vst.idx.msk $0xffff, v4;
	v1 =	vor.u32 s7, v24;
	v0 =	vld [tilespmem:s25+$0x0]  }
0xa6: {  	s3 =	sor.u32 $0x380, s3;
	v5 =	vor.u32 s31, v28;
	v4 =	vld [tilespmem:s5+$0x0];
	[tilespmem:v6+s21+$0x0] =	vst.idx.msk $0xffff, v7  }
0xa7: {  	s6 =	sor.u32 s24, s22;
	v6 =	vor.u32 s1, v28;
	[tilespmem:v2+s21+$0x0] =	vst.idx.msk $0xffff, v3;
	v7 =	vld [tilespmem:s3+$0x0]  }
0xa8: {  	v2 =	vor.u32 s17, v24;
	v3 =	vld [tilespmem:s6+$0x0]  }
0xa9: {  	s30 =	sor.u32 $0x2100, s9  }
0xaa: {  	s12 =	sor.u32 $0x1000, s26;
	s11 =	sor.u32 s8, s30;
	[tilespmem:v1+s21+$0x0] =	vst.idx.msk $0xffff, v0  }
0xab: {  	s13 =	sor.u32 s2, s12;
	[tilespmem:v5+s21+$0x0] =	vst.idx.msk $0xffff, v4;
	v1 =	vor.u32 s7, v42;
	v0 =	vld [tilespmem:s11+$0x0]  }
0xac: {  	s22 =	sor.u32 s0, s12;
	v5 =	vor.u32 s31, v31;
	v4 =	vld [tilespmem:s13+$0x0];
	[tilespmem:v6+s21+$0x0] =	vst.idx.msk $0xffff, v7  }
0xad: {  	s16 =	sor.u32 s24, s30;
	v6 =	vor.u32 s1, v31;
	[tilespmem:v2+s21+$0x0] =	vst.idx.msk $0xffff, v3;
	v7 =	vld [tilespmem:s22+$0x0]  }
0xae: {  	v2 =	vor.u32 s17, v42;
	v3 =	vld [tilespmem:s16+$0x0]  }
0xaf: {  	s14 =	sor.u32 $0x2180, s9  }
0xb0: {  	s15 =	sor.u32 s8, s14;
	s18 =	sor.u32 $0x1080, s26;
	[tilespmem:v1+s21+$0x0] =	vst.idx.msk $0xffff, v0  }
0xb1: {  	s20 =	sor.u32 s2, s18;
	[tilespmem:v5+s21+$0x0] =	vst.idx.msk $0xffff, v4;
	v1 =	vor.u32 s7, v43;
	v0 =	vld [tilespmem:s15+$0x0]  }
0xb2: {  	s5 =	sor.u32 s0, s18;
	v5 =	vor.u32 s31, v34;
	v4 =	vld [tilespmem:s20+$0x0];
	[tilespmem:v6+s21+$0x0] =	vst.idx.msk $0xffff, v7  }
0xb3: {  	s3 =	sor.u32 s24, s14;
	v6 =	vor.u32 s1, v34;
	[tilespmem:v2+s21+$0x0] =	vst.idx.msk $0xffff, v3;
	v7 =	vld [tilespmem:s5+$0x0]  }
0xb4: {  	s30 =	sor.u32 $0x1100, s26;
	v2 =	vor.u32 s17, v43;
	v3 =	vld [tilespmem:s3+$0x0]  }
0xb5: {  	s19 =	sor.u32 s2, s30;
	s25 =	sor.u32 $0x2200, s9  }
0xb6: {  	s10 =	simm.s32 $0x200;
	s29 =	sor.u32 s8, s25;
	s3 =	simm.s32 $0x40;
	[tilespmem:v1+s21+$0x0] =	vst.idx.msk $0xffff, v0  }
0xb7: {  	s14 =	sand.u32 $0xC00, s10;
	s6 =	simm.s32 $0x800;
	[tilespmem:v5+s21+$0x0] =	vst.idx.msk $0xffff, v4;
	v1 =	vor.u32 s7, v44;
	s13 =	sand.u32 $0x60, s3;
	v0 =	vld [tilespmem:s29+$0x0]  }
0xb8: {  	s4 =	simm.s32 $0x50;
	v8 =	vor.u32 s6, v27;
	s22 =	sor.u32 s24, s25;
	v5 =	vor.u32 s31, v36;
	v4 =	vld [tilespmem:s19+$0x0];
	s12 =	sor.u32 s13, s14;
	[tilespmem:v6+s21+$0x0] =	vst.idx.msk $0xffff, v7  }
0xb9: {  	s25 =	sor.u32 s0, s30;
	s15 =	sand.u32 $0x70, s4;
	s5 =	simm.s32 $0xA00;
	[tilespmem:v2+s21+$0x0] =	vst.idx.msk $0xffff, v3;
	v2 =	vld [tilespmem:s12+$0x0];
	v3 =	vand.u32 v29, v8  }
0xba: {  	s11 =	sor.u32 s15, s14;
	v6 =	vor.u32 s1, v36;
	v7 =	vor.u32 s5, v27;
	v10 =	vld [tilespmem:s25+$0x0]  }
0xbb: {  	s16 =	sor.u32 $0x2280, s9;
	v11 =	vld [tilespmem:s11+$0x0];
	v7 =	vand.u32 v49, v7  }
0xbc: {  	s18 =	sor.u32 $0x1180, s26;
	s20 =	sor.u32 s8, s16;
	v8 =	vor.u32 s17, v44;
	v9 =	vld [tilespmem:s22+$0x0];
	[tilespmem:v1+s21+$0x0] =	vst.idx.msk $0xffff, v0  }
0xbd: {  	s19 =	sor.u32 s2, s18;
	[tilespmem:v5+s21+$0x0] =	vst.idx.msk $0xffff, v4;
	v1 =	vor.u32 s7, v46;
	v0 =	vld [tilespmem:s20+$0x0]  }
0xbe: {  	v5 =	vor.u32 s31, v37;
	v4 =	vld [tilespmem:s19+$0x0];
	[tilespmem:v3+s21+$0x0] =	vst.idx.msk $0xffff, v2  }
0xbf: {  	[tilespmem:v6+s21+$0x0] =	vst.idx.msk $0xffff, v10  }
0xc0: {  	s18 =	sor.u32 s0, s18;
	v3 =	vor.u32 s6, v39;
	[tilespmem:v7+s21+$0x0] =	vst.idx.msk $0xffff, v11;
	v2 =	vld [tilespmem:s12+$0x80]  }
0xc1: {  	s16 =	sor.u32 s24, s16;
	s20 =	sor.u32 $0x2300, s9;
	v6 =	vor.u32 s1, v37;
	[tilespmem:v8+s21+$0x0] =	vst.idx.msk $0xffff, v9;
	v7 =	vld [tilespmem:s18+$0x0]  }
0xc2: {  	s19 =	sor.u32 $0x1200, s26;
	s29 =	sor.u32 s8, s20;
	v8 =	vor.u32 s17, v46;
	v9 =	vld [tilespmem:s16+$0x0];
	[tilespmem:v1+s21+$0x0] =	vst.idx.msk $0xffff, v0  }
0xc3: {  	s30 =	sor.u32 s2, s19;
	[tilespmem:v5+s21+$0x0] =	vst.idx.msk $0xffff, v4;
	v1 =	vor.u32 s7, v26;
	v0 =	vld [tilespmem:s29+$0x0]  }
0xc4: {  	v5 =	vor.u32 s31, v21;
	v4 =	vld [tilespmem:s30+$0x0]  }
0xc5: {  	v10 =	vor.u32 s5, v39;
	v11 =	vld [tilespmem:s11+$0x80];
	[tilespmem:v3+s21+$0x0] =	vst.idx.msk $0xffff, v2  }
0xc6: {  	s19 =	sor.u32 s0, s19;
	v3 =	vor.u32 s6, v12;
	[tilespmem:v6+s21+$0x0] =	vst.idx.msk $0xffff, v7;
	v2 =	vld [tilespmem:s12+$0x100]  }
0xc7: {  	s25 =	sor.u32 s24, s20;
	s16 =	sor.u32 $0x2380, s9;
	v6 =	vor.u32 s1, v21;
	[tilespmem:v8+s21+$0x0] =	vst.idx.msk $0xffff, v9;
	v7 =	vld [tilespmem:s19+$0x0]  }
0xc8: {  	s22 =	sor.u32 s8, s16;
	s29 =	sor.u32 $0x1280, s26;
	v8 =	vor.u32 s17, v26;
	v9 =	vld [tilespmem:s25+$0x0];
	[tilespmem:v1+s21+$0x0] =	vst.idx.msk $0xffff, v0  }
0xc9: {  	[tilespmem:v5+s21+$0x0] =	vst.idx.msk $0xffff, v4;
	s30 =	sor.u32 s2, s29;
	v1 =	vor.u32 s7, v14;
	v0 =	vld [tilespmem:s22+$0x0]  }
0xca: {  	v5 =	vor.u32 s31, v23;
	v4 =	vld [tilespmem:s30+$0x0];
	[tilespmem:v10+s21+$0x0] =	vst.idx.msk $0xffff, v11  }
0xcb: {  	v10 =	vor.u32 s5, v12;
	v11 =	vld [tilespmem:s11+$0x100];
	[tilespmem:v3+s21+$0x0] =	vst.idx.msk $0xffff, v2  }
0xcc: {  	s20 =	sor.u32 s0, s29;
	v3 =	vor.u32 s6, v41;
	[tilespmem:v6+s21+$0x0] =	vst.idx.msk $0xffff, v7;
	v2 =	vld [tilespmem:s12+$0x180]  }
0xcd: {  	s18 =	sor.u32 $0x3000, s9;
	s16 =	sor.u32 s24, s16;
	v6 =	vor.u32 s1, v23;
	[tilespmem:v8+s21+$0x0] =	vst.idx.msk $0xffff, v9;
	v7 =	vld [tilespmem:s20+$0x0]  }
0xce: {  	s19 =	sor.u32 $0x1300, s26;
	s22 =	sor.u32 s8, s18;
	v8 =	vor.u32 s17, v14;
	v9 =	vld [tilespmem:s16+$0x0];
	[tilespmem:v1+s21+$0x0] =	vst.idx.msk $0xffff, v0  }
0xcf: {  	s25 =	sor.u32 s2, s19;
	[tilespmem:v5+s21+$0x0] =	vst.idx.msk $0xffff, v4;
	v1 =	vor.u32 s7, v47;
	v0 =	vld [tilespmem:s22+$0x0]  }
0xd0: {  	v5 =	vor.u32 s31, v25;
	v4 =	vld [tilespmem:s25+$0x0];
	[tilespmem:v10+s21+$0x0] =	vst.idx.msk $0xffff, v11  }
0xd1: {  	v10 =	vor.u32 s5, v41;
	v11 =	vld [tilespmem:s11+$0x180];
	[tilespmem:v3+s21+$0x0] =	vst.idx.msk $0xffff, v2  }
0xd2: {  	s19 =	sor.u32 s0, s19;
	v3 =	vor.u32 s6, v35;
	[tilespmem:v6+s21+$0x0] =	vst.idx.msk $0xffff, v7;
	v2 =	vld [tilespmem:s12+$0x200]  }
0xd3: {  	s29 =	sor.u32 $0x3080, s9;
	s18 =	sor.u32 s24, s18;
	v6 =	vor.u32 s1, v25;
	[tilespmem:v8+s21+$0x0] =	vst.idx.msk $0xffff, v9;
	v7 =	vld [tilespmem:s19+$0x0]  }
0xd4: {  	s30 =	sor.u32 s8, s29;
	s20 =	sor.u32 $0x1380, s26;
	v8 =	vor.u32 s17, v47;
	v9 =	vld [tilespmem:s18+$0x0];
	[tilespmem:v1+s21+$0x0] =	vst.idx.msk $0xffff, v0  }
0xd5: {  	s22 =	sor.u32 s2, s20;
	[tilespmem:v5+s21+$0x0] =	vst.idx.msk $0xffff, v4;
	v1 =	vor.u32 s7, v48;
	v0 =	vld [tilespmem:s30+$0x0]  }
0xd6: {  	v5 =	vor.u32 s31, v38;
	v4 =	vld [tilespmem:s22+$0x0];
	[tilespmem:v10+s21+$0x0] =	vst.idx.msk $0xffff, v11  }
0xd7: {  	v10 =	vor.u32 s5, v35;
	v11 =	vld [tilespmem:s11+$0x200];
	[tilespmem:v3+s21+$0x0] =	vst.idx.msk $0xffff, v2  }
0xd8: {  	s20 =	sor.u32 s0, s20;
	v3 =	vor.u32 s6, v32;
	[tilespmem:v6+s21+$0x0] =	vst.idx.msk $0xffff, v7;
	v2 =	vld [tilespmem:s12+$0x280]  }
0xd9: {  	s16 =	sor.u32 s24, s29;
	s18 =	sor.u32 $0x3100, s9;
	s30 =	simm.s32 $0x2;
	v6 =	vor.u32 s1, v38;
	[tilespmem:v8+s21+$0x0] =	vst.idx.msk $0xffff, v9;
	v7 =	vld [tilespmem:s20+$0x0]  }
0xda: {  	s25 =	sor.u32 s8, s18;
	s19 =	sand.u32 $0x3, s30;
	s12 =	sor.u32 $0x2000, s26;
	v8 =	vor.u32 s17, v48;
	v9 =	vld [tilespmem:s16+$0x0];
	[tilespmem:v1+s21+$0x0] =	vst.idx.msk $0xffff, v0  }
0xdb: {  	[tilespmem:v5+s21+$0x0] =	vst.idx.msk $0xffff, v4;
	s19 =	sshll.u32 s19, $0x5;
	s29 =	sor.u32 s2, s12;
	v1 =	vor.u32 s7, v45;
	v0 =	vld [tilespmem:s25+$0x0]  }
0xdc: {  	v5 =	vor.u32 s31, v40;
	[tilespmem:v10+s21+$0x0] =	vst.idx.msk $0xffff, v11;
	s19 =	sadd.s32 $0x200, s19;
	v4 =	vld [tilespmem:s29+$0x0]  }
0xdd: {  	s22 =	simm.s32 $0x4;
	v10 =	vor.u32 s5, v32;
	v11 =	vld [tilespmem:s11+$0x280];
	s29 =	sor.u32 $0x300, s19;
	[tilespmem:v3+s21+$0x0] =	vst.idx.msk $0xffff, v2  }
0xde: {  	s20 =	sand.u32 $0x7, s22;
	s12 =	sor.u32 s0, s12;
	v3 =	vor.u32 s6, v30;
	[tilespmem:v6+s21+$0x0] =	vst.idx.msk $0xffff, v7;
	v2 =	vld [tilespmem:s29+$0x0]  }
0xdf: {  	s18 =	sor.u32 s24, s18;
	s16 =	sor.u32 $0x3180, s9;
	s30 =	sshll.u32 s20, $0x4;
	v6 =	vor.u32 s1, v40;
	[tilespmem:v8+s21+$0x0] =	vst.idx.msk $0xffff, v9;
	v7 =	vld [tilespmem:s12+$0x0]  }
0xe0: {  	s20 =	sor.u32 $0x2080, s26;
	s19 =	sadd.s32 $0x200, s30;
	s25 =	sor.u32 s8, s16;
	v8 =	vor.u32 s17, v45;
	v9 =	vld [tilespmem:s18+$0x0];
	[tilespmem:v1+s21+$0x0] =	vst.idx.msk $0xffff, v0  }
0xe1: {  	s22 =	sor.u32 s2, s20;
	s19 =	sadd.s32 $0x10, s19;
	[tilespmem:v5+s21+$0x0] =	vst.idx.msk $0xffff, v4;
	v1 =	vor.u32 s7, v50;
	v0 =	vld [tilespmem:s25+$0x0]  }
0xe2: {  	s3 =	sor.u32 s3, s10;
	[tilespmem:v10+s21+$0x0] =	vst.idx.msk $0xffff, v11;
	v5 =	vor.u32 s31, v24;
	v4 =	vld [tilespmem:s22+$0x0];
	s25 =	sor.u32 $0x300, s19  }
0xe3: {  	s3 =	sor.u32 $0x380, s3;
	v10 =	vor.u32 s5, v30;
	v11 =	vld [tilespmem:s25+$0x0];
	[tilespmem:v3+s21+$0x0] =	vst.idx.msk $0xffff, v2  }
0xe4: {  	s18 =	sor.u32 s0, s20;
	v3 =	vor.u32 s6, v28;
	[tilespmem:v6+s21+$0x0] =	vst.idx.msk $0xffff, v7;
	v2 =	vld [tilespmem:s3+$0x0]  }
0xe5: {  	s30 =	sor.u32 s24, s16;
	s19 =	sor.u32 $0x3200, s9;
	v6 =	vor.u32 s1, v24;
	[tilespmem:v8+s21+$0x0] =	vst.idx.msk $0xffff, v9;
	v7 =	vld [tilespmem:s18+$0x0]  }
0xe6: {  	s29 =	sor.u32 s8, s19;
	s3 =	sor.u32 $0x2100, s26;
	v8 =	vor.u32 s17, v50;
	v9 =	vld [tilespmem:s30+$0x0];
	[tilespmem:v1+s21+$0x0] =	vst.idx.msk $0xffff, v0  }
0xe7: {  	s4 =	sor.u32 s4, s10;
	[tilespmem:v5+s21+$0x0] =	vst.idx.msk $0xffff, v4;
	s16 =	sor.u32 s2, s3;
	v1 =	vor.u32 s7, v51;
	v0 =	vld [tilespmem:s29+$0x0]  }
0xe8: {  	s4 =	sor.u32 $0x380, s4;
	s22 =	sor.u32 $0x1000, s14;
	v5 =	vor.u32 s31, v42;
	v4 =	vld [tilespmem:s16+$0x0];
	[tilespmem:v10+s21+$0x0] =	vst.idx.msk $0xffff, v11  }
0xe9: {  	s25 =	sor.u32 s13, s22;
	v10 =	vor.u32 s5, v28;
	v11 =	vld [tilespmem:s4+$0x0];
	[tilespmem:v3+s21+$0x0] =	vst.idx.msk $0xffff, v2  }
0xea: {  	s3 =	sor.u32 s0, s3;
	v3 =	vor.u32 s6, v31;
	[tilespmem:v6+s21+$0x0] =	vst.idx.msk $0xffff, v7;
	v2 =	vld [tilespmem:s25+$0x0]  }
0xeb: {  	s11 =	sor.u32 $0x3280, s9;
	s29 =	sor.u32 s24, s19;
	v6 =	vor.u32 s1, v42;
	[tilespmem:v8+s21+$0x0] =	vst.idx.msk $0xffff, v9;
	v7 =	vld [tilespmem:s3+$0x0]  }
0xec: {  	s20 =	sor.u32 s8, s11;
	s30 =	sor.u32 $0x2180, s26;
	v8 =	vor.u32 s17, v51;
	v9 =	vld [tilespmem:s29+$0x0];
	[tilespmem:v1+s21+$0x0] =	vst.idx.msk $0xffff, v0  }
0xed: {  	s19 =	sor.u32 s2, s30;
	[tilespmem:v5+s21+$0x0] =	vst.idx.msk $0xffff, v4;
	v1 =	vor.u32 s7, v53;
	v0 =	vld [tilespmem:s20+$0x0]  }
0xee: {  	s10 =	sor.u32 s15, s22;
	s16 =	sor.u32 $0x1080, s14;
	v5 =	vor.u32 s31, v43;
	v4 =	vld [tilespmem:s19+$0x0];
	[tilespmem:v10+s21+$0x0] =	vst.idx.msk $0xffff, v11  }
0xef: {  	s18 =	sor.u32 s13, s16;
	v10 =	vor.u32 s5, v31;
	v11 =	vld [tilespmem:s10+$0x0];
	[tilespmem:v3+s21+$0x0] =	vst.idx.msk $0xffff, v2  }
0xf0: {  	s4 =	sor.u32 s0, s30;
	v3 =	vor.u32 s6, v34;
	[tilespmem:v6+s21+$0x0] =	vst.idx.msk $0xffff, v7;
	v2 =	vld [tilespmem:s18+$0x0]  }
0xf1: {  	s11 =	sor.u32 s24, s11;
	s20 =	sor.u32 $0x3300, s9;
	v6 =	vor.u32 s1, v43;
	[tilespmem:v8+s21+$0x0] =	vst.idx.msk $0xffff, v9;
	v7 =	vld [tilespmem:s4+$0x0]  }
0xf2: {  	s19 =	sor.u32 $0x2200, s26;
	s10 =	sor.u32 s8, s20;
	v8 =	vor.u32 s17, v53;
	v9 =	vld [tilespmem:s11+$0x0];
	[tilespmem:v1+s21+$0x0] =	vst.idx.msk $0xffff, v0  }
0xf3: {  	s22 =	sor.u32 s2, s19;
	[tilespmem:v5+s21+$0x0] =	vst.idx.msk $0xffff, v4;
	v1 =	vor.u32 s7, v13;
	v0 =	vld [tilespmem:s10+$0x0]  }
0xf4: {  	s25 =	sor.u32 s15, s16;
	v5 =	vor.u32 s31, v44;
	v4 =	vld [tilespmem:s22+$0x0];
	[tilespmem:v10+s21+$0x0] =	vst.idx.msk $0xffff, v11  }
0xf5: {  	s30 =	sor.u32 $0x1100, s14;
	v10 =	vor.u32 s5, v34;
	v11 =	vld [tilespmem:s25+$0x0];
	[tilespmem:v3+s21+$0x0] =	vst.idx.msk $0xffff, v2  }
0xf6: {  	s22 =	sor.u32 s13, s30;
	[tilespmem:v6+s21+$0x0] =	vst.idx.msk $0xffff, v7  }
0xf7: {  	s20 =	sor.u32 s24, s20;
	s10 =	sor.u32 $0x3380, s9;
	v3 =	vor.u32 s6, v36;
	[tilespmem:v8+s21+$0x0] =	vst.idx.msk $0xffff, v9;
	v2 =	vld [tilespmem:s22+$0x0]  }
0xf8: {  	s29 =	sor.u32 s8, s10;
	v9 =	vld [tilespmem:s20+$0x0];
	[tilespmem:v1+s21+$0x0] =	vst.idx.msk $0xffff, v0  }
0xf9: {  	s25 =	sor.u32 s0, s19;
	s22 =	sor.u32 $0x2280, s26;
	[tilespmem:v5+s21+$0x0] =	vst.idx.msk $0xffff, v4;
	v1 =	vor.u32 s7, v15;
	v0 =	vld [tilespmem:s29+$0x0]  }
0xfa: {  	s18 =	simm.s32 $0x70;
	s4 =	simm.s32 $0x60;
	v8 =	vor.u32 s17, v13;
	s29 =	sor.u32 s2, s22;
	[tilespmem:v10+s21+$0x0] =	vst.idx.msk $0xffff, v11;
	v10 =	vld [tilespmem:s25+$0x0]  }
0xfb: {  	s19 =	simm.s32 $0x300;
	s8 =	sand.u32 $0x60, s4;
	v5 =	vor.u32 s31, v46;
	s25 =	sor.u32 $0x1180, s14;
	v4 =	vld [tilespmem:s29+$0x0]  }
0xfc: {  	s9 =	sand.u32 $0xC00, s19;
	v6 =	vor.u32 s1, v44;
	s7 =	simm.s32 $0xC00;
	s29 =	sor.u32 s13, s25;
	[tilespmem:v3+s21+$0x0] =	vst.idx.msk $0xffff, v2  }
0xfd: {  	s12 =	sand.u32 $0x70, s18;
	s3 =	sor.u32 s8, s9;
	s20 =	simm.s32 $0xE00;
	v7 =	vor.u32 s7, v27;
	v3 =	vor.u32 s6, v37;
	v2 =	vld [tilespmem:s29+$0x0]  }
0xfe: {  	s11 =	sor.u32 s12, s9;
	v11 =	vor.u32 s20, v27;
	[tilespmem:v1+s21+$0x0] =	vst.idx.msk $0xffff, v0;
	v0 =	vld [tilespmem:s3+$0x0];
	v1 =	vand.u32 v29, v7  }
0xff: {  	s16 =	sor.u32 s15, s30;
	[tilespmem:v8+s21+$0x0] =	vst.idx.msk $0xffff, v9;
	s29 =	sor.u32 $0x2300, s26;
	v7 =	vand.u32 v49, v11;
	v11 =	vld [tilespmem:s11+$0x0]  }
0x100: {  	v8 =	vld [tilespmem:s16+$0x0];
	v9 =	vor.u32 s5, v36;
	s30 =	sor.u32 s2, s29;
	[tilespmem:v5+s21+$0x0] =	vst.idx.msk $0xffff, v4  }
0x101: {  	s22 =	sor.u32 s0, s22;
	s16 =	sor.u32 $0x1200, s14;
	[tilespmem:v6+s21+$0x0] =	vst.idx.msk $0xffff, v10;
	v5 =	vor.u32 s31, v26;
	v4 =	vld [tilespmem:s30+$0x0]  }
0x102: {  	v10 =	vor.u32 s1, v46;
	v6 =	vld [tilespmem:s22+$0x0];
	s30 =	sor.u32 s13, s16;
	[tilespmem:v3+s21+$0x0] =	vst.idx.msk $0xffff, v2  }
0x103: {  	v3 =	vor.u32 s6, v21;
	v2 =	vld [tilespmem:s30+$0x0];
	[tilespmem:v1+s21+$0x0] =	vst.idx.msk $0xffff, v0  }
0x104: {  	v1 =	vor.u32 s7, v39;
	[tilespmem:v7+s21+$0x0] =	vst.idx.msk $0xffff, v11;
	v0 =	vld [tilespmem:s3+$0x80]  }
0x105: {  	[tilespmem:v9+s21+$0x0] =	vst.idx.msk $0xffff, v8;
	s30 =	sor.u32 s15, s25;
	s25 =	sor.u32 $0x2380, s26;
	v7 =	vor.u32 s20, v39;
	v11 =	vld [tilespmem:s11+$0x80]  }
0x106: {  	v9 =	vor.u32 s5, v37;
	v8 =	vld [tilespmem:s30+$0x0];
	s30 =	sor.u32 s2, s25;
	[tilespmem:v5+s21+$0x0] =	vst.idx.msk $0xffff, v4  }
0x107: {  	s29 =	sor.u32 s0, s29;
	s22 =	sor.u32 $0x1280, s14;
	[tilespmem:v10+s21+$0x0] =	vst.idx.msk $0xffff, v6;
	v5 =	vor.u32 s31, v14;
	v4 =	vld [tilespmem:s30+$0x0]  }
0x108: {  	v10 =	vor.u32 s1, v26;
	v6 =	vld [tilespmem:s29+$0x0];
	s30 =	sor.u32 s13, s22;
	[tilespmem:v3+s21+$0x0] =	vst.idx.msk $0xffff, v2  }
0x109: {  	v3 =	vor.u32 s6, v23;
	v2 =	vld [tilespmem:s30+$0x0];
	[tilespmem:v1+s21+$0x0] =	vst.idx.msk $0xffff, v0  }
0x10a: {  	v1 =	vor.u32 s7, v12;
	[tilespmem:v7+s21+$0x0] =	vst.idx.msk $0xffff, v11;
	v0 =	vld [tilespmem:s3+$0x100]  }
0x10b: {  	s16 =	sor.u32 s15, s16;
	s29 =	sor.u32 $0x3000, s26;
	[tilespmem:v9+s21+$0x0] =	vst.idx.msk $0xffff, v8;
	v7 =	vor.u32 s20, v12;
	v11 =	vld [tilespmem:s11+$0x100]  }
0x10c: {  	v9 =	vor.u32 s5, v21;
	s30 =	sor.u32 s2, s29;
	v8 =	vld [tilespmem:s16+$0x0];
	[tilespmem:v5+s21+$0x0] =	vst.idx.msk $0xffff, v4  }
0x10d: {  	s25 =	sor.u32 s0, s25;
	s16 =	sor.u32 $0x1300, s14;
	[tilespmem:v10+s21+$0x0] =	vst.idx.msk $0xffff, v6;
	v5 =	vor.u32 s31, v47;
	v4 =	vld [tilespmem:s30+$0x0]  }
0x10e: {  	v10 =	vor.u32 s1, v14;
	v6 =	vld [tilespmem:s25+$0x0];
	s30 =	sor.u32 s13, s16;
	[tilespmem:v3+s21+$0x0] =	vst.idx.msk $0xffff, v2  }
0x10f: {  	v3 =	vor.u32 s6, v25;
	v2 =	vld [tilespmem:s30+$0x0];
	[tilespmem:v1+s21+$0x0] =	vst.idx.msk $0xffff, v0  }
0x110: {  	v1 =	vor.u32 s7, v41;
	[tilespmem:v7+s21+$0x0] =	vst.idx.msk $0xffff, v11;
	v0 =	vld [tilespmem:s3+$0x180]  }
0x111: {  	s22 =	sor.u32 s15, s22;
	s25 =	sor.u32 $0x3080, s26;
	[tilespmem:v9+s21+$0x0] =	vst.idx.msk $0xffff, v8;
	v7 =	vor.u32 s20, v41;
	v11 =	vld [tilespmem:s11+$0x180]  }
0x112: {  	v9 =	vor.u32 s5, v23;
	s30 =	sor.u32 s2, s25;
	v8 =	vld [tilespmem:s22+$0x0];
	[tilespmem:v5+s21+$0x0] =	vst.idx.msk $0xffff, v4  }
0x113: {  	s29 =	sor.u32 s0, s29;
	s22 =	sor.u32 $0x1380, s14;
	[tilespmem:v10+s21+$0x0] =	vst.idx.msk $0xffff, v6;
	v5 =	vor.u32 s31, v48;
	v4 =	vld [tilespmem:s30+$0x0]  }
0x114: {  	v10 =	vor.u32 s1, v47;
	v6 =	vld [tilespmem:s29+$0x0];
	s30 =	sor.u32 s13, s22;
	[tilespmem:v3+s21+$0x0] =	vst.idx.msk $0xffff, v2  }
0x115: {  	v3 =	vor.u32 s6, v38;
	v2 =	vld [tilespmem:s30+$0x0];
	[tilespmem:v1+s21+$0x0] =	vst.idx.msk $0xffff, v0  }
0x116: {  	v1 =	vor.u32 s7, v35;
	[tilespmem:v7+s21+$0x0] =	vst.idx.msk $0xffff, v11;
	v0 =	vld [tilespmem:s3+$0x200]  }
0x117: {  	s16 =	sor.u32 s15, s16;
	s29 =	sor.u32 $0x3100, s26;
	[tilespmem:v9+s21+$0x0] =	vst.idx.msk $0xffff, v8;
	v7 =	vor.u32 s20, v35;
	v11 =	vld [tilespmem:s11+$0x200]  }
0x118: {  	v9 =	vor.u32 s5, v25;
	s30 =	sor.u32 s2, s29;
	v8 =	vld [tilespmem:s16+$0x0];
	[tilespmem:v5+s21+$0x0] =	vst.idx.msk $0xffff, v4  }
0x119: {  	s16 =	sor.u32 $0x2000, s14;
	[tilespmem:v10+s21+$0x0] =	vst.idx.msk $0xffff, v6;
	v5 =	vor.u32 s31, v45;
	v4 =	vld [tilespmem:s30+$0x0];
	s30 =	sor.u32 s0, s25  }
0x11a: {  	v10 =	vor.u32 s1, v48;
	v6 =	vld [tilespmem:s30+$0x0];
	[tilespmem:v3+s21+$0x0] =	vst.idx.msk $0xffff, v2;
	s30 =	sor.u32 s13, s16  }
0x11b: {  	s25 =	simm.s32 $0x6;
	v3 =	vor.u32 s6, v40;
	v2 =	vld [tilespmem:s30+$0x0];
	[tilespmem:v1+s21+$0x0] =	vst.idx.msk $0xffff, v0  }
0x11c: {  	v1 =	vor.u32 s7, v32;
	[tilespmem:v7+s21+$0x0] =	vst.idx.msk $0xffff, v11;
	v0 =	vld [tilespmem:s3+$0x280];
	s3 =	sand.u32 $0x7, s25;
	s25 =	simm.s32 $0x3  }
0x11d: {  	[tilespmem:v9+s21+$0x0] =	vst.idx.msk $0xffff, v8;
	s30 =	sor.u32 $0x3180, s26;
	v11 =	vor.u32 s20, v32;
	v7 =	vld [tilespmem:s11+$0x280];
	s11 =	sor.u32 s15, s22;
	s22 =	sand.u32 $0x3, s25  }
0x11e: {  	v9 =	vor.u32 s5, v38;
	v8 =	vld [tilespmem:s11+$0x0];
	[tilespmem:v5+s21+$0x0] =	vst.idx.msk $0xffff, v4;
	s11 =	sshll.u32 s22, $0x5;
	s22 =	sor.u32 s2, s30  }
0x11f: {  	s29 =	sor.u32 s0, s29;
	s3 =	sshll.u32 s3, $0x4;
	v5 =	vor.u32 s31, v50;
	[tilespmem:v10+s21+$0x0] =	vst.idx.msk $0xffff, v6;
	v4 =	vld [tilespmem:s22+$0x0]  }
0x120: {  	s3 =	sadd.s32 $0x300, s3;
	v10 =	vor.u32 s1, v45;
	s11 =	sadd.s32 $0x300, s11;
	v6 =	vld [tilespmem:s29+$0x0];
	[tilespmem:v3+s21+$0x0] =	vst.idx.msk $0xffff, v2  }
0x121: {  	s3 =	sadd.s32 $0x10, s3;
	s11 =	sor.u32 $0x300, s11;
	[tilespmem:v1+s21+$0x0] =	vst.idx.msk $0xffff, v0  }
0x122: {  	s3 =	sor.u32 $0x300, s3;
	[tilespmem:v11+s21+$0x0] =	vst.idx.msk $0xffff, v7;
	v0 =	vld [tilespmem:s11+$0x0]  }
0x123: {  	s29 =	sor.u32 s15, s16;
	v1 =	vor.u32 s7, v30;
	s11 =	sor.u32 $0x2080, s14;
	v7 =	vld [tilespmem:s3+$0x0];
	[tilespmem:v9+s21+$0x0] =	vst.idx.msk $0xffff, v8  }
0x124: {  	s16 =	sor.u32 $0x3200, s26;
	s22 =	sor.u32 s13, s11;
	v9 =	vld [tilespmem:s29+$0x0];
	[tilespmem:v5+s21+$0x0] =	vst.idx.msk $0xffff, v4  }
0x125: {  	v55 =	vor.u32 s17, v15;
	s17 =	sor.u32 s2, s16;
	v2 =	vld [tilespmem:s22+$0x0];
	[tilespmem:v10+s21+$0x0] =	vst.idx.msk $0xffff, v6;
	v6 =	vor.u32 s5, v43  }
0x126: {  	v12 =	vor.u32 s20, v30;
	v4 =	vld [tilespmem:s17+$0x0];
	[tilespmem:$0x1FC80] =	vst v6;
	v6 =	vor.u32 s5, v44  }
0x127: {  	[tilespmem:$0x1FC90] =	vst v6  }
0x128: {  	s22 =	sor.u32 s0, s30;
	[tilespmem:v1+s21+$0x0] =	vst.idx.msk $0xffff, v0;
	v0 =	vor.u32 s5, v46  }
0x129: {  	v3 =	vor.u32 s6, v24;
	v6 =	vld [tilespmem:s22+$0x0];
	[tilespmem:$0x1FCA0] =	vst v0;
	v0 =	vor.u32 s5, v26  }
0x12a: {  	v54 =	vmov v14;
	s29 =	sor.u32 s4, s19;
	[tilespmem:$0x1FCB0] =	vst v0  }
0x12b: {  	s3 =	sor.u32 $0x380, s29;
	[tilespmem:v12+s21+$0x0] =	vst.idx.msk $0xffff, v7;
	v7 =	vor.u32 s5, v54  }
0x12c: {  	v52 =	vmovc v13;
	v60 =	vor.u32 s1, v53;
	v8 =	vor.u32 s5, v40;
	v0 =	vld [tilespmem:s3+$0x0];
	[tilespmem:$0x1FCC0] =	vst v7;
	v7 =	vor.u32 s5, v47  }
0x12d: {  	v58 =	vor.u32 s1, v52;
	v57 =	vor.u32 s1, v15;
	v5 =	vor.u32 s31, v51;
	s30 =	sor.u32 s18, s19;
	[tilespmem:$0x1FCD0] =	vst v7  }
0x12e: {  	v13 =	vor.u32 s1, v51;
	v11 =	vor.u32 s1, v50;
	s1 =	sor.u32 $0x380, s30;
	[tilespmem:v3+s21+$0x0] =	vst.idx.msk $0xffff, v2;
	v2 =	vor.u32 s5, v48  }
0x12f: {  	v12 =	vld [tilespmem:s1+$0x0];
	[tilespmem:$0x1FCE0] =	vst v2;
	v2 =	vor.u32 s5, v45  }
0x130: {  	s3 =	sor.u32 $0x2100, s14;
	[tilespmem:$0x1FCF0] =	vst v2  }
0x131: {  	v56 =	vmov v15;
	v1 =	vor.u32 s7, v28;
	s4 =	sor.u32 s13, s3;
	[tilespmem:v8+s21+$0x0] =	vst.idx.msk $0xffff, v9  }
0x132: {  	s11 =	sor.u32 s15, s11;
	v2 =	vor.u32 s5, v56;
	v15 =	vld [tilespmem:s4+$0x0];
	[tilespmem:v5+s21+$0x0] =	vst.idx.msk $0xffff, v4  }
0x133: {  	s17 =	sor.u32 $0x3280, s26;
	v7 =	vor.u32 s20, v28;
	v9 =	vld [tilespmem:s11+$0x0];
	[tilespmem:$0x1FD00] =	vst v2  }
0x134: {  	s22 =	sor.u32 s2, s17;
	v2 =	vor.u32 s20, v36;
	[tilespmem:v11+s21+$0x0] =	vst.idx.msk $0xffff, v6  }
0x135: {  	v17 =	vld [tilespmem:s22+$0x0];
	[tilespmem:$0x1FD10] =	vst v2  }
0x136: {  	v16 =	vor.u32 s6, v42;
	s29 =	sor.u32 s0, s16;
	[tilespmem:v1+s21+$0x0] =	vst.idx.msk $0xffff, v0;
	v0 =	vor.u32 s20, v37  }
0x137: {  	s30 =	sor.u32 $0x1000, s9;
	v20 =	vld [tilespmem:s29+$0x0];
	[tilespmem:$0x1FD20] =	vst v0  }
0x138: {  	v14 =	vor.u32 s5, v24;
	s11 =	sor.u32 s8, s30;
	v0 =	vor.u32 s20, v25;
	[tilespmem:v7+s21+$0x0] =	vst.idx.msk $0xffff, v12  }
0x139: {  	v4 =	vor.u32 s20, v21;
	v21 =	vld [tilespmem:s11+$0x0];
	[tilespmem:$0x1FD30] =	vst v0;
	v0 =	vor.u32 s20, v38  }
0x13a: {  	v18 =	vor.u32 s31, v53;
	[tilespmem:$0x1FD40] =	vst v0  }
0x13b: {  	s4 =	sor.u32 s12, s30;
	v0 =	vor.u32 s20, v40;
	[tilespmem:v16+s21+$0x0] =	vst.idx.msk $0xffff, v15  }
0x13c: {  	s16 =	sor.u32 $0x2180, s14;
	v3 =	vor.u32 s20, v23;
	v23 =	vld [tilespmem:s4+$0x0];
	[tilespmem:$0x1FD50] =	vst v0  }
0x13d: {  	s29 =	sor.u32 s13, s16;
	v0 =	vor.u32 s20, v44;
	[tilespmem:v14+s21+$0x0] =	vst.idx.msk $0xffff, v9  }
0x13e: {  	v15 =	vld [tilespmem:s29+$0x0];
	[tilespmem:$0x1FD60] =	vst v0  }
0x13f: {  	s3 =	sor.u32 s15, s3;
	v0 =	vor.u32 s20, v46;
	[tilespmem:v18+s21+$0x0] =	vst.idx.msk $0xffff, v17  }
0x140: {  	v9 =	vld [tilespmem:s3+$0x0];
	[tilespmem:$0x1FD70] =	vst v0;
	v0 =	vor.u32 s20, v26  }
0x141: {  	v59 =	vor.u32 s5, v50;
	v33 =	vor.u32 s5, v51;
	[tilespmem:$0x1FD80] =	vst v0;
	v0 =	vor.u32 s20, v54  }
0x142: {  	v62 =	vor.u32 s5, v53;
	v63 =	vor.u32 s5, v52;
	v22 =	vor.u32 s7, v31;
	s30 =	sor.u32 $0x3300, s26;
	[tilespmem:$0x1FD90] =	vst v0  }
0x143: {  	v19 =	vor.u32 s20, v31;
	v10 =	vor.u32 s5, v42;
	s5 =	sor.u32 s2, s30;
	v0 =	vor.u32 s20, v47;
	[tilespmem:v13+s21+$0x0] =	vst.idx.msk $0xffff, v20  }
0x144: {  	v11 =	vld [tilespmem:s5+$0x0];
	[tilespmem:$0x1FDA0] =	vst v0;
	v0 =	vor.u32 s20, v48  }
0x145: {  	v1 =	vor.u32 s20, v24;
	v24 =	vor.u32 s6, v43;
	[tilespmem:$0x1FDB0] =	vst v0;
	v0 =	vor.u32 s20, v45  }
0x146: {  	[tilespmem:$0x1FDC0] =	vst v0  }
0x147: {  	s17 =	sor.u32 s0, s17;
	s22 =	sor.u32 $0x1080, s9;
	[tilespmem:v22+s21+$0x0] =	vst.idx.msk $0xffff, v21  }
0x148: {  	s28 =	sor.u32 s24, s10;
	v61 =	vor.u32 s20, v53;
	s24 =	sor.u32 s8, s22;
	v0 =	vor.u32 s20, v52;
	v12 =	vld [tilespmem:s17+$0x0];
	[tilespmem:v19+s21+$0x0] =	vst.idx.msk $0xffff, v23  }
0x149: {  	s10 =	sor.u32 $0x3380, s26;
	v8 =	vor.u32 s20, v34;
	v25 =	vor.u32 s20, v42;
	s29 =	sor.u32 $0x2200, s14;
	v14 =	vor.u32 s6, v44;
	s3 =	sor.u32 s12, s22;
	v16 =	vld [tilespmem:s24+$0x0];
	[tilespmem:$0x1FDD0] =	vst v0  }
0x14a: {  	v7 =	vor.u32 s20, v43;
	s4 =	sor.u32 s15, s16;
	v17 =	vor.u32 s7, v34;
	v26 =	vor.u32 s20, v50;
	s24 =	sor.u32 s0, s30;
	s30 =	sor.u32 s13, s29;
	[tilespmem:v24+s21+$0x0] =	vst.idx.msk $0xffff, v15;
	v15 =	vld [tilespmem:s3+$0x0]  }
0x14b: {  	v54 =	vor.u32 s20, v56;
	s5 =	simm.s32 $0x6;
	v20 =	vor.u32 s20, v51;
	v13 =	vor.u32 s31, v52;
	s17 =	simm.s32 $0x8;
	s3 =	sor.u32 s15, s29;
	[tilespmem:v10+s21+$0x0] =	vst.idx.msk $0xffff, v9;
	v9 =	vld [tilespmem:s30+$0x0]  }
.LBB2_3:
0x14c: {  	[tilespmem:$0x1FC20] =	vst v59;
	v59 =	vld [tilespmem:$0x1FEE0];
	_ =	sdelay $0x2  }
0x14d: {  	[tilespmem:$0x1FC30] =	vst v26;
	v10 =	vld [tilespmem:s4+$0x0]  }
0x14e: {  	s2 =	sor.u32 s2, s10;
	s22 =	sor.u32 $0x1100, s9;
	v0 =	vld [tilespmem:$0x1FC80];
	[tilespmem:v13+s21+$0x0] =	vst.idx.msk $0xffff, v11  }
0x14f: {  	s30 =	sor.u32 s8, s22;
	v19 =	vld [tilespmem:s2+$0x0];
	[tilespmem:v17+s21+$0x0] =	vst.idx.msk $0xffff, v16;
	v21 =	vor.u32 s31, v59  }
0x150: {  	[tilespmem:v60+s21+$0x0] =	vst.idx.msk $0xffff, v12;
	v16 =	vld [tilespmem:s30+$0x0];
	v17 =	vor.u32 s7, v36;
	s31 =	smov.u32 s6;
	s6 =	sor.u32 $0x2280, s14  }
0x151: {  	s20 =	sadd.s32 $0x400, s20;
	s18 =	sadd.s32 $0x20, s18;
	v12 =	vld [tilespmem:s24+$0x0];
	[tilespmem:v14+s21+$0x0] =	vst.idx.msk $0xffff, v9;
	s1 =	sor.u32 s13, s6  }
0x152: {  	[tilespmem:$0x1FC70] =	vst v25;
	s0 =	sor.u32 s0, s10;
	s19 =	sadd.s32 $0x100, s19;
	s10 =	sadd.s32 $0xFFFFFFF0, s18;
	v26 =	vor.u32 s20, v39;
	v39 =	vor.u32 s31, v46;
	v25 =	vld [tilespmem:s1+$0x0]  }
0x153: {  	s16 =	sand.u32 $0xC00, s19;
	s26 =	sand.u32 $0x60, s10;
	[tilespmem:v8+s21+$0x0] =	vst.idx.msk $0xffff, v15;
	v8 =	vld [tilespmem:$0x1FDF0]  }
0x154: {  	s4 =	sor.u32 s26, s16;
	s30 =	sor.u32 $0x1180, s9;
	v15 =	vld [tilespmem:s28+$0x0];
	[tilespmem:v21+s21+$0x0] =	vst.idx.msk $0xffff, v19  }
0x155: {  	s28 =	sor.u32 s8, s30;
	v29 =	vld [tilespmem:s4+$0x0];
	[tilespmem:v17+s21+$0x0] =	vst.idx.msk $0xffff, v16  }
0x156: {  	v16 =	vld [tilespmem:s28+$0x0]  }
0x157: {  	s11 =	sand.u32 $0x7, s17;
	[tilespmem:v39+s21+$0x0] =	vst.idx.msk $0xffff, v25;
	v25 =	vld [tilespmem:$0x1FC90]  }
0x158: {  	v56 =	vld [tilespmem:$0x1FF30];
	s29 =	sshll.u32 s11, $0x4  }
0x159: {  	s2 =	sadd.s32 $0xFFFFFE00, s20;
	v11 =	vor.u32 s20, v27;
	v9 =	vmov v1;
	v1 =	vld [tilespmem:$0x1FDD0];
	s1 =	sadd.s32 s19, s29;
	[tilespmem:v0+s21+$0x0] =	vst.idx.msk $0xffff, v10  }
0x15a: {  	v22 =	vand.u32 v49, v11;
	v11 =	vor.u32 s20, v28;
	s29 =	sand.u32 $0x70, s18;
	v0 =	vmovc v7;
	v7 =	vor.u32 s2, v27;
	s1 =	sadd.s32 $0x10, s1;
	v28 =	vld [tilespmem:s3+$0x0]  }
0x15b: {  	s11 =	sor.u32 s18, s19;
	v13 =	vor.u32 s20, v30;
	v30 =	vand.u32 v8, v7;
	s3 =	sor.u32 s29, s16;
	[tilespmem:v58+s21+$0x0] =	vst.idx.msk $0xffff, v12;
	s24 =	sor.u32 $0x300, s1;
	v17 =	vld [tilespmem:$0x1FF90]  }
0x15c: {  	v7 =	vor.u32 s20, v31;
	s1 =	sor.u32 $0x380, s11;
	s11 =	sor.u32 s12, s22;
	s22 =	sor.u32 $0x2300, s14;
	v31 =	vld [tilespmem:s3+$0x0];
	[tilespmem:v55+s21+$0x0] =	vst.idx.msk $0xffff, v15  }
0x15d: {  	v18 =	vor.u32 s20, v35;
	v35 =	vld [tilespmem:s11+$0x0];
	s11 =	sor.u32 s13, s22  }
0x15e: {  	v14 =	vor.u32 s20, v32;
	v32 =	vor.u32 s20, v36;
	v36 =	vld [tilespmem:s11+$0x0]  }
0x15f: {  	v52 =	vor.u32 s7, v37;
	v8 =	vor.u32 s20, v34;
	[tilespmem:v25+s21+$0x0] =	vst.idx.msk $0xffff, v28;
	v28 =	vld [tilespmem:$0x1FD60]  }
0x160: {  	v34 =	vor.u32 s20, v37;
	v37 =	vor.u32 s31, v17;
	[tilespmem:v30+s21+$0x0] =	vst.idx.msk $0xffff, v29;
	v29 =	vor.u32 s20, v17;
	v17 =	vld [tilespmem:$0x1FE00]  }
0x161: {  	[tilespmem:$0x1FC80] =	vst v0  }
0x162: {  	[tilespmem:$0x1FC60] =	vst v7;
	v7 =	vmov v54  }
0x163: {  	v0 =	vmov v1;
	v1 =	vld [tilespmem:$0x1FD00];
	s28 =	sor.u32 s12, s30;
	[tilespmem:$0x1FD00] =	vst v7  }
0x164: {  	v27 =	vor.u32 s20, v56;
	v19 =	vor.u32 s20, v38;
	s30 =	sor.u32 s15, s6;
	s6 =	smov.u32 s7;
	s7 =	smov.u32 s2;
	v7 =	vor.u32 s20, v43;
	v38 =	vld [tilespmem:s4+$0x80];
	[tilespmem:v52+s21+$0x0] =	vst.idx.msk $0xffff, v16;
	v25 =	vmovc v28  }
0x165: {  	v52 =	vmovc v50;
	v39 =	vor.u32 s7, v17;
	v17 =	vor.u32 s20, v50;
	v50 =	vmovc v48;
	[tilespmem:$0x1FC90] =	vst v25;
	v25 =	vor.u32 s20, v44  }
0x166: {  	v28 =	vor.u32 s20, v46;
	[tilespmem:$0x1FD60] =	vst v25;
	v25 =	vor.u32 s20, v48;
	v48 =	vmovc v46;
	v46 =	vmovc v43;
	v43 =	vor.u32 s6, v56;
	v56 =	vld [tilespmem:$0x1FD10];
	_ =	sdelay $0x5  }
0x167: {  	[tilespmem:$0x1FC50] =	vst v20  }
0x168: {  	v20 =	vor.u32 s20, v41;
	v15 =	vor.u32 s20, v40;
	v40 =	vor.u32 s20, v47;
	v30 =	vld [tilespmem:s30+$0x0];
	[tilespmem:v22+s21+$0x0] =	vst.idx.msk $0xffff, v31  }
0x169: {  	v55 =	vmovc v49;
	v49 =	vmovc v47;
	v47 =	vmov v44;
	v44 =	vmov v41;
	v41 =	vld [tilespmem:s3+$0x80];
	[tilespmem:v56+s21+$0x0] =	vst.idx.msk $0xffff, v35;
	v56 =	vmov v32  }
0x16a: {  	[tilespmem:$0x1FD10] =	vst v56;
	v56 =	vld [tilespmem:$0x1FEC0]  }
0x16b: {  	[dreg:$0x3] =	wrdreg s1  }
0x16c: {  	[tilespmem:$0x1FC40] =	vst v33;
	v33 =	vmov v62;
	s1 =	sor.u32 $0x1200, s9;
	s2 =	smov.u32 s13;
	s13 =	smov.u32 s8  }
0x16d: {  	v2 =	vmovc v61;
	v62 =	vmovc v63;
	v63 =	vld [tilespmem:$0x1FF60];
	v61 =	vor.u32 s20, v53;
	v10 =	vor.u32 s20, v42;
	v54 =	vmov v53;
	s30 =	sor.u32 s13, s1  }
0x16e: {  	v53 =	vmovc v51;
	v16 =	vor.u32 s20, v51;
	v51 =	vmovc v45;
	v22 =	vor.u32 s20, v45;
	v45 =	vmov v42;
	v42 =	vld [tilespmem:s30+$0x0]  }
0x16f: {  	s30 =	sor.u32 $0x2380, s14;
	[tilespmem:v37+s21+$0x0] =	vst.idx.msk $0xffff, v36;
	v37 =	vld [tilespmem:$0x1FCA0];
	v32 =	vor.u32 s20, v56  }
0x170: {  	[tilespmem:$0x1FDD0] =	vst v32;
	v32 =	vld [tilespmem:s28+$0x0];
	s28 =	sor.u32 s2, s30  }
0x171: {  	v35 =	vld [tilespmem:s28+$0x0]  }
0x172: {  	v24 =	vor.u32 s20, v63;
	[tilespmem:v39+s21+$0x0] =	vst.idx.msk $0xffff, v38;
	v39 =	vor.u32 s6, v63;
	v63 =	vmov v0;
	v0 =	vld [tilespmem:$0x1FD20];
	_ =	sdelay $0x5  }
0x173: {  	s22 =	sor.u32 s15, s22;
	[tilespmem:v37+s21+$0x0] =	vst.idx.msk $0xffff, v30  }
0x174: {  	v30 =	vmov v28;
	v28 =	vld [tilespmem:s22+$0x0];
	[tilespmem:v26+s21+$0x0] =	vst.idx.msk $0xffff, v41  }
0x175: {  	v26 =	vld [tilespmem:s3+$0x100];
	[tilespmem:v0+s21+$0x0] =	vst.idx.msk $0xffff, v32;
	v0 =	vmov v34  }
0x176: {  	[tilespmem:$0x1FD20] =	vst v0;
	v0 =	vld [tilespmem:$0x1FCB0];
	_ =	sdelay $0x3  }
0x177: {  	v58 =	vmov v57  }
0x178: {  	v6 =	vmov v4;
	v4 =	vld [tilespmem:$0x1FEB0]  }
0x179: {  	v41 =	vmov v44;
	v44 =	vmov v47  }
0x17a: {  	s1 =	sor.u32 s12, s1;
	v47 =	vmovc v49;
	v49 =	vmovc v55;
	v55 =	vmov v58;
	v58 =	vmov v62;
	v62 =	vmov v2;
	v2 =	vld [tilespmem:$0x1FD80]  }
0x17b: {  	v32 =	vld [tilespmem:s1+$0x0];
	[tilespmem:v0+s21+$0x0] =	vst.idx.msk $0xffff, v28;
	v0 =	vmov v29  }
0x17c: {  	[tilespmem:$0x1FD80] =	vst v0;
	v0 =	vld [tilespmem:$0x1FCC0]  }
0x17d: {  	v23 =	vor.u32 s20, v4;
	v57 =	vld [tilespmem:$0x1FED0];
	s8 =	smov.u32 s26;
	s11 =	smov.u32 s0;
	s0 =	smov.u32 s15  }
0x17e: {  	s26 =	smov.u32 s9;
	s9 =	smov.u32 s16;
	s16 =	sor.u32 s0, s30;
	v37 =	vld [tilespmem:$0x1FD70]  }
0x17f: {  	[tilespmem:$0x1FD70] =	vst v30;
	v28 =	vld [tilespmem:s16+$0x0]  }
0x180: {  	v30 =	vld [tilespmem:s4+$0x100];
	[tilespmem:v43+s21+$0x0] =	vst.idx.msk $0xffff, v42;
	v2 =	vmov v2  }
0x181: {  	v60 =	vmov v1;
	[tilespmem:$0x1FCB0] =	vst v2  }
0x182: {  	s15 =	smov.u32 s12;
	s12 =	smov.u32 s29;
	s29 =	sor.u32 $0x1280, s26;
	v2 =	vld [tilespmem:$0x1FD90];
	[tilespmem:v23+s21+$0x0] =	vst.idx.msk $0xffff, v26  }
0x183: {  	v31 =	vor.u32 s20, v57;
	v36 =	vor.u32 s31, v57;
	v57 =	vmov v60;
	s22 =	sor.u32 s15, s29;
	v23 =	vld [tilespmem:s3+$0x180];
	[tilespmem:v6+s21+$0x0] =	vst.idx.msk $0xffff, v32  }
0x184: {  	v60 =	vmovc v33;
	v33 =	vmovc v37;
	v37 =	vor.u32 s7, v4;
	v4 =	vmov v27;
	v27 =	vld [tilespmem:s22+$0x0];
	[tilespmem:v0+s21+$0x0] =	vst.idx.msk $0xffff, v28;
	v0 =	vmov v31  }
0x185: {  	s28 =	sor.u32 s13, s29;
	[tilespmem:$0x1FD90] =	vst v0;
	v0 =	vld [tilespmem:$0x1FCD0]  }
0x186: {  	v38 =	vld [tilespmem:s28+$0x0];
	s28 =	sor.u32 $0x3000, s14  }
0x187: {  	v5 =	vmov v3;
	v3 =	vld [tilespmem:$0x1FFB0];
	s30 =	sor.u32 s2, s28;
	s28 =	sor.u32 s0, s28  }
0x188: {  	v28 =	vld [tilespmem:s28+$0x0]  }
0x189: {  	[tilespmem:v36+s21+$0x0] =	vst.idx.msk $0xffff, v35;
	v2 =	vmov v2  }
0x18a: {  	[tilespmem:$0x1FCC0] =	vst v2  }
0x18b: {  	s16 =	sor.u32 $0x1300, s26;
	v2 =	vld [tilespmem:$0x1FDA0];
	[tilespmem:v20+s21+$0x0] =	vst.idx.msk $0xffff, v23  }
0x18c: {  	s1 =	sor.u32 s15, s16;
	v20 =	vld [tilespmem:s3+$0x200];
	[tilespmem:v5+s21+$0x0] =	vst.idx.msk $0xffff, v27  }
0x18d: {  	v21 =	vor.u32 s20, v3;
	v36 =	vor.u32 s6, v3;
	v3 =	vmovc v24;
	v24 =	vld [tilespmem:s1+$0x0];
	[tilespmem:v0+s21+$0x0] =	vst.idx.msk $0xffff, v28;
	v0 =	vmov v40  }
0x18e: {  	[tilespmem:$0x1FDA0] =	vst v0;
	v0 =	vld [tilespmem:$0x1FD30];
	_ =	sdelay $0x4  }
0x18f: {  	v34 =	vld [tilespmem:s30+$0x0];
	s30 =	sor.u32 $0x3080, s14;
	[tilespmem:v37+s21+$0x0] =	vst.idx.msk $0xffff, v30  }
0x190: {  	v29 =	vld [tilespmem:s4+$0x180];
	s29 =	sor.u32 s13, s16;
	s16 =	sor.u32 s0, s30  }
0x191: {  	v59 =	vor.u32 s20, v59;
	v42 =	vmov v45;
	v45 =	vmov v51;
	v28 =	vld [tilespmem:s16+$0x0];
	[tilespmem:v18+s21+$0x0] =	vst.idx.msk $0xffff, v20  }
0x192: {  	v51 =	vmovc v53;
	v53 =	vmovc v54;
	v54 =	vmov v59;
	v59 =	vor.u32 s31, v47;
	v18 =	vld [tilespmem:s3+$0x280];
	[tilespmem:v0+s21+$0x0] =	vst.idx.msk $0xffff, v24;
	v0 =	vmov v21  }
0x193: {  	v30 =	vor.u32 s7, v41;
	[tilespmem:$0x1FD30] =	vst v0;
	v0 =	vld [tilespmem:$0x1FCE0];
	_ =	sdelay $0x1  }
0x194: {  	v35 =	vld [tilespmem:$0x1FE10]  }
0x195: {  	[tilespmem:v39+s21+$0x0] =	vst.idx.msk $0xffff, v38;
	v38 =	vld [tilespmem:$0x1FE90]  }
0x196: {  	v26 =	vld [tilespmem:s29+$0x0];
	[tilespmem:v59+s21+$0x0] =	vst.idx.msk $0xffff, v34;
	s29 =	sor.u32 s2, s30  }
0x197: {  	v32 =	vld [tilespmem:s29+$0x0];
	[tilespmem:v30+s21+$0x0] =	vst.idx.msk $0xffff, v29  }
0x198: {  	v43 =	vmovc v46;
	v46 =	vmov v48;
	v48 =	vmov v50;
	s30 =	sor.u32 $0x1380, s26;
	v29 =	vld [tilespmem:s4+$0x200];
	v2 =	vmov v2  }
0x199: {  	v59 =	vor.u32 s31, v48;
	s22 =	sor.u32 s15, s30;
	[tilespmem:$0x1FCD0] =	vst v2;
	v2 =	vld [tilespmem:$0x1FDB0]  }
0x19a: {  	v30 =	vor.u32 s7, v35;
	v21 =	vld [tilespmem:s22+$0x0];
	[tilespmem:v0+s21+$0x0] =	vst.idx.msk $0xffff, v28;
	v0 =	vmov v25  }
0x19b: {  	[tilespmem:$0x1FDB0] =	vst v0;
	v0 =	vld [tilespmem:$0x1FD40]  }
0x19c: {  	[tilespmem:v36+s21+$0x0] =	vst.idx.msk $0xffff, v26;
	s28 =	sor.u32 s13, s30  }
0x19d: {  	v23 =	vld [tilespmem:s28+$0x0];
	s28 =	sor.u32 $0x3100, s14  }
0x19e: {  	[tilespmem:v59+s21+$0x0] =	vst.idx.msk $0xffff, v32;
	v32 =	vld [tilespmem:$0x1FE20];
	s29 =	sor.u32 s2, s28  }
0x19f: {  	v27 =	vld [tilespmem:s29+$0x0];
	[tilespmem:v30+s21+$0x0] =	vst.idx.msk $0xffff, v29  }
0x1a0: {  	v26 =	vor.u32 s6, v38;
	v29 =	vld [tilespmem:s4+$0x280]  }
0x1a1: {  	s28 =	sor.u32 s0, s28;
	v40 =	vld [tilespmem:$0x1FEA0]  }
0x1a2: {  	v25 =	vld [tilespmem:s28+$0x0];
	[tilespmem:v14+s21+$0x0] =	vst.idx.msk $0xffff, v18  }
0x1a3: {  	v31 =	vor.u32 s31, v45;
	v14 =	vld [tilespmem:s24+$0x0];
	[tilespmem:v0+s21+$0x0] =	vst.idx.msk $0xffff, v21;
	v0 =	vmov v19  }
0x1a4: {  	s30 =	sor.u32 $0x2000, s26;
	v30 =	vor.u32 s7, v32;
	[tilespmem:$0x1FD40] =	vst v0;
	v0 =	vld [tilespmem:$0x1FCF0]  }
0x1a5: {  	s25 =	sadd.s32 $0x1, s25;
	v1 =	vld [tilespmem:$0x1FF80];
	s4 =	sor.u32 s13, s30;
	[tilespmem:v26+s21+$0x0] =	vst.idx.msk $0xffff, v23  }
0x1a6: {  	s16 =	sand.u32 $0x3, s25;
	v20 =	vld [tilespmem:s4+$0x0];
	v23 =	vor.u32 s6, v40  }
0x1a7: {  	s29 =	sor.u32 $0x3180, s14;
	s4 =	sshll.u32 s16, $0x5  }
0x1a8: {  	s1 =	sor.u32 s15, s30;
	s30 =	sor.u32 s2, s29;
	[tilespmem:v31+s21+$0x0] =	vst.idx.msk $0xffff, v27;
	s4 =	sadd.s32 s4, s19  }
0x1a9: {  	s4 =	sor.u32 $0x300, s4;
	v24 =	vld [tilespmem:s30+$0x0];
	[tilespmem:v30+s21+$0x0] =	vst.idx.msk $0xffff, v29  }
0x1aa: {  	v27 =	vld [tilespmem:s4+$0x0]  }
0x1ab: {  	v12 =	vor.u32 s20, v1;
	[tilespmem:v23+s21+$0x0] =	vst.idx.msk $0xffff, v20;
	v20 =	vor.u32 s6, v1;
	v1 =	vld [tilespmem:$0x1FDC0]  }
0x1ac: {  	v19 =	vld [tilespmem:s1+$0x0];
	[tilespmem:v0+s21+$0x0] =	vst.idx.msk $0xffff, v25;
	v0 =	vmov v22  }
0x1ad: {  	[tilespmem:$0x1FDC0] =	vst v0;
	v0 =	vld [tilespmem:$0x1FD50];
	_ =	sdelay $0x3  }
0x1ae: {  	s22 =	sor.u32 $0x2080, s26  }
0x1af: {  	v30 =	vld [tilespmem:$0x1FE30];
	s24 =	sor.u32 s13, s22  }
0x1b0: {  	s3 =	sor.u32 s0, s29;
	v18 =	vld [tilespmem:s24+$0x0]  }
0x1b1: {  	s24 =	rddreg [dreg:$0x3];
	v22 =	vld [tilespmem:s3+$0x0];
	[tilespmem:v13+s21+$0x0] =	vst.idx.msk $0xffff, v14  }
0x1b2: {  	v13 =	vld [tilespmem:s24+$0x0];
	[tilespmem:v0+s21+$0x0] =	vst.idx.msk $0xffff, v19;
	v0 =	vmov v15  }
0x1b3: {  	[tilespmem:$0x1FD50] =	vst v0;
	v0 =	vld [tilespmem:$0x1FC20];
	_ =	sdelay $0x1  }
0x1b4: {  	v26 =	vor.u32 s31, v52;
	_ =	sdelay $0x2  }
0x1b5: {  	v28 =	vor.u32 s7, v30  }
0x1b6: {  	s4 =	sor.u32 s15, s22  }
0x1b7: {  	s29 =	sor.u32 $0x3200, s14;
	[tilespmem:v26+s21+$0x0] =	vst.idx.msk $0xffff, v24;
	v15 =	vld [tilespmem:s4+$0x0]  }
0x1b8: {  	s30 =	sor.u32 s2, s29;
	[tilespmem:v0+s21+$0x0] =	vst.idx.msk $0xffff, v22;
	v0 =	vld [tilespmem:$0x1FC30]  }
0x1b9: {  	v21 =	vld [tilespmem:s30+$0x0]  }
0x1ba: {  	[tilespmem:v28+s21+$0x0] =	vst.idx.msk $0xffff, v27;
	v28 =	vld [tilespmem:$0x1FE40];
	_ =	sdelay $0x1  }
0x1bb: {  	v23 =	vor.u32 s31, v51  }
0x1bc: {  	s10 =	sor.u32 s10, s19;
	v59 =	vmov v0;
	v0 =	vld [tilespmem:$0x1FC40]  }
0x1bd: {  	s16 =	sor.u32 $0x380, s10  }
0x1be: {  	s28 =	smov.u32 s11;
	s11 =	sor.u32 s0, s29;
	s22 =	sor.u32 $0x2100, s26;
	v24 =	vld [tilespmem:s16+$0x0];
	v25 =	vor.u32 s7, v28  }
0x1bf: {  	s29 =	sor.u32 s13, s22;
	v26 =	vmov v17;
	s30 =	sor.u32 $0x3280, s14;
	[tilespmem:v20+s21+$0x0] =	vst.idx.msk $0xffff, v18;
	v17 =	vld [tilespmem:s11+$0x0]  }
0x1c0: {  	s10 =	sor.u32 s2, s30;
	s16 =	sor.u32 $0x1000, s9;
	v14 =	vld [tilespmem:s29+$0x0];
	[tilespmem:v23+s21+$0x0] =	vst.idx.msk $0xffff, v21  }
0x1c1: {  	v19 =	vld [tilespmem:s10+$0x0];
	s10 =	sor.u32 s12, s16;
	[tilespmem:v11+s21+$0x0] =	vst.idx.msk $0xffff, v13  }
0x1c2: {  	s1 =	sor.u32 s15, s22;
	v23 =	vld [tilespmem:s10+$0x0];
	[tilespmem:v9+s21+$0x0] =	vst.idx.msk $0xffff, v15  }
0x1c3: {  	[tilespmem:v25+s21+$0x0] =	vst.idx.msk $0xffff, v24;
	v24 =	vld [tilespmem:s1+$0x0]  }
0x1c4: {  	[tilespmem:v0+s21+$0x0] =	vst.idx.msk $0xffff, v17;
	v0 =	vld [tilespmem:$0x1FC50];
	_ =	sdelay $0x4  }
0x1c5: {  	[tilespmem:$0x1FCA0] =	vst v33;
	v33 =	vmov v0;
	v0 =	vld [tilespmem:$0x1FC60];
	_ =	sdelay $0x1  }
0x1c6: {  	v37 =	vld [tilespmem:$0x1FE80];
	v18 =	vor.u32 s6, v42  }
0x1c7: {  	v31 =	vld [tilespmem:$0x1FE50]  }
0x1c8: {  	v39 =	vld [tilespmem:$0x1FE00];
	v1 =	vmov v1  }
0x1c9: {  	v34 =	vld [tilespmem:$0x1FE60];
	s22 =	sor.u32 s8, s16  }
0x1ca: {  	[tilespmem:$0x1FCF0] =	vst v1;
	s3 =	sor.u32 s0, s30;
	v21 =	vld [tilespmem:s22+$0x0]  }
0x1cb: {  	v20 =	vor.u32 s31, v53;
	v1 =	vmov v12;
	s24 =	sor.u32 $0x2180, s26;
	[tilespmem:v18+s21+$0x0] =	vst.idx.msk $0xffff, v14;
	v12 =	vld [tilespmem:s3+$0x0]  }
0x1cc: {  	s29 =	sor.u32 s13, s24;
	v22 =	vor.u32 s7, v31;
	[tilespmem:v0+s21+$0x0] =	vst.idx.msk $0xffff, v23;
	v0 =	vld [tilespmem:$0x1FC70]  }
0x1cd: {  	v18 =	vor.u32 s6, v43;
	v14 =	vld [tilespmem:s29+$0x0]  }
0x1ce: {  	s5 =	sadd.s32 $0x2, s5;
	v36 =	vld [tilespmem:$0x1FE70]  }
0x1cf: {  	p0 =	slt.u32 s5, $0x1E;
	v29 =	vld [tilespmem:$0x1FDF0];
	s30 =	sor.u32 $0x3300, s14  }
.Ltmp0:
0x1d0: {  	v27 =	vld [tilespmem:$0x1FDE0];
	s16 =	sor.u32 $0x1080, s9;
	[tilespmem:v20+s21+$0x0] =	vst.idx.msk $0xffff, v19;
	s11 =	sor.u32 s2, s30;
	(pc) =	sbr.rel @p0 .LBB2_3-.Ltmp0, $4  }
0x1d1: {  	s22 =	sor.u32 s8, s16;
	s29 =	sor.u32 $0x2200, s26;
	v11 =	vld [tilespmem:s11+$0x0];
	[tilespmem:v22+s21+$0x0] =	vst.idx.msk $0xffff, v21  }
0x1d2: {  	v2 =	vmov v2;
	s4 =	sor.u32 s15, s24;
	s24 =	sor.u32 s0, s30;
	v20 =	vmov v16;
	s30 =	sor.u32 s13, s29;
	v16 =	vld [tilespmem:s22+$0x0];
	[tilespmem:v18+s21+$0x0] =	vst.idx.msk $0xffff, v14  }
0x1d3: {  	s17 =	sadd.s32 $0x2, s17;
	[tilespmem:$0x1FCE0] =	vst v2;
	v13 =	vor.u32 s31, v56;
	s10 =	sor.u32 s12, s16;
	v9 =	vld [tilespmem:s30+$0x0]  }
0x1d4: {  	v50 =	vmovc v52;
	v25 =	vmov v10;
	v14 =	vor.u32 s6, v44;
	v17 =	vor.u32 s7, v34;
	s3 =	sor.u32 s15, s29;
	v15 =	vld [tilespmem:s10+$0x0];
	s10 =	sor.u32 $0x3380, s14;
	s14 =	smov.u32 s26;
	[tilespmem:v0+s21+$0x0] =	vst.idx.msk $0xffff, v24  }
0x1d5: {  	_ =	sdelay $0x2  }
0x1d6: {  	s1 =	sor.u32 $0x1100, s9  }
0x1d7: {  	v18 =	vld [tilespmem:$0x1FEB0];
	s5 =	sor.u32 s8, s1;
	[tilespmem:v17+s21+$0x0] =	vst.idx.msk $0xffff, v16  }
0x1d8: {  	v16 =	vor.u32 s7, v36;
	v10 =	vld [tilespmem:s5+$0x0];
	_ =	sdelay $0x3  }
0x1d9: {  	[tilespmem:v8+s21+$0x0] =	vst.idx.msk $0xffff, v15  }
0x1da: {  	[tilespmem:v16+s21+$0x0] =	vst.idx.msk $0xffff, v10  }
0x1db: {  	s29 =	sor.u32 $0x1180, s9;
	v0 =	vld [tilespmem:$0x1FD10]  }
0x1dc: {  	s11 =	sor.u32 s8, s29  }
0x1dd: {  	s1 =	sor.u32 s12, s1;
	v15 =	vor.u32 s7, v37;
	v10 =	vld [tilespmem:s11+$0x0]  }
0x1de: {  	v8 =	vld [tilespmem:s1+$0x0];
	_ =	sdelay $0x3  }
0x1df: {  	[tilespmem:v15+s21+$0x0] =	vst.idx.msk $0xffff, v10  }
0x1e0: {  	[tilespmem:v0+s21+$0x0] =	vst.idx.msk $0xffff, v8  }
0x1e1: {  	v21 =	vld [tilespmem:$0x1FF30]  }
0x1e2: {  	v0 =	vld [tilespmem:$0x1FD20];
	_ =	sdelay $0x1  }
0x1e3: {  	s16 =	sor.u32 $0x1200, s9;
	s1 =	sor.u32 s12, s29  }
0x1e4: {  	s17 =	sor.u32 s8, s16;
	v6 =	vld [tilespmem:s1+$0x0]  }
0x1e5: {  	v8 =	vld [tilespmem:s17+$0x0];
	v10 =	vor.u32 s7, v21;
	_ =	sdelay $0x3  }
0x1e6: {  	[tilespmem:v0+s21+$0x0] =	vst.idx.msk $0xffff, v6  }
0x1e7: {  	[tilespmem:v10+s21+$0x0] =	vst.idx.msk $0xffff, v8  }
0x1e8: {  	v24 =	vld [tilespmem:$0x1FF60];
	_ =	sdelay $0x2  }
0x1e9: {  	s18 =	sor.u32 $0x1280, s9;
	s1 =	sor.u32 s12, s16  }
0x1ea: {  	s19 =	sor.u32 s8, s18;
	v5 =	vld [tilespmem:s1+$0x0]  }
0x1eb: {  	v6 =	vld [tilespmem:s19+$0x0];
	v8 =	vor.u32 s7, v24;
	_ =	sdelay $0x3  }
0x1ec: {  	[tilespmem:v4+s21+$0x0] =	vst.idx.msk $0xffff, v5  }
0x1ed: {  	[tilespmem:v8+s21+$0x0] =	vst.idx.msk $0xffff, v6  }
0x1ee: {  	v8 =	vld [tilespmem:$0x1FFB0];
	_ =	sdelay $0x2  }
0x1ef: {  	s20 =	sor.u32 $0x1300, s9;
	s1 =	sor.u32 s12, s18  }
0x1f0: {  	s22 =	sor.u32 s8, s20;
	v4 =	vld [tilespmem:s1+$0x0]  }
0x1f1: {  	v5 =	vld [tilespmem:s22+$0x0];
	v6 =	vor.u32 s7, v8;
	_ =	sdelay $0x3  }
0x1f2: {  	[tilespmem:v3+s21+$0x0] =	vst.idx.msk $0xffff, v4  }
0x1f3: {  	[tilespmem:v6+s21+$0x0] =	vst.idx.msk $0xffff, v5  }
0x1f4: {  	s25 =	sor.u32 $0x1380, s9;
	v0 =	vld [tilespmem:$0x1FD30]  }
0x1f5: {  	s26 =	sor.u32 s8, s25  }
0x1f6: {  	s1 =	sor.u32 s12, s20;
	v5 =	vor.u32 s7, v38;
	v4 =	vld [tilespmem:s26+$0x0]  }
0x1f7: {  	v3 =	vld [tilespmem:s1+$0x0];
	_ =	sdelay $0x3  }
0x1f8: {  	[tilespmem:v5+s21+$0x0] =	vst.idx.msk $0xffff, v4  }
0x1f9: {  	[tilespmem:v0+s21+$0x0] =	vst.idx.msk $0xffff, v3  }
0x1fa: {  	s29 =	sor.u32 $0x2000, s9;
	v0 =	vld [tilespmem:$0x1FD40]  }
0x1fb: {  	s11 =	sor.u32 s8, s29  }
0x1fc: {  	s1 =	sor.u32 s12, s25;
	v4 =	vor.u32 s7, v40;
	v3 =	vld [tilespmem:s11+$0x0]  }
0x1fd: {  	v2 =	vld [tilespmem:s1+$0x0];
	_ =	sdelay $0x3  }
0x1fe: {  	[tilespmem:v4+s21+$0x0] =	vst.idx.msk $0xffff, v3  }
0x1ff: {  	[tilespmem:v0+s21+$0x0] =	vst.idx.msk $0xffff, v2  }
0x200: {  	v23 =	vld [tilespmem:$0x1FF80]  }
0x201: {  	v4 =	vld [tilespmem:$0x1FD50];
	_ =	sdelay $0x1  }
0x202: {  	s16 =	sor.u32 $0x2080, s9;
	s1 =	sor.u32 s12, s29  }
0x203: {  	s17 =	sor.u32 s8, s16;
	v0 =	vld [tilespmem:s1+$0x0]  }
0x204: {  	v2 =	vld [tilespmem:s17+$0x0];
	v3 =	vor.u32 s7, v23;
	_ =	sdelay $0x3  }
0x205: {  	s18 =	sor.u32 $0x2100, s9;
	s1 =	sor.u32 s12, s16;
	[tilespmem:v4+s21+$0x0] =	vst.idx.msk $0xffff, v0  }
0x206: {  	s19 =	sor.u32 s8, s18;
	v0 =	vld [tilespmem:s1+$0x0];
	[tilespmem:v3+s21+$0x0] =	vst.idx.msk $0xffff, v2  }
0x207: {  	v3 =	vor.u32 s7, v42;
	v2 =	vld [tilespmem:s19+$0x0];
	_ =	sdelay $0x3  }
0x208: {  	s20 =	sor.u32 $0x2180, s9;
	s1 =	sor.u32 s12, s18;
	[tilespmem:v1+s21+$0x0] =	vst.idx.msk $0xffff, v0  }
0x209: {  	s22 =	sor.u32 s8, s20;
	v0 =	vld [tilespmem:s1+$0x0];
	[tilespmem:v3+s21+$0x0] =	vst.idx.msk $0xffff, v2  }
0x20a: {  	v2 =	vor.u32 s7, v43;
	v1 =	vld [tilespmem:s22+$0x0];
	_ =	sdelay $0x3  }
0x20b: {  	[tilespmem:v25+s21+$0x0] =	vst.idx.msk $0xffff, v0  }
0x20c: {  	[tilespmem:v2+s21+$0x0] =	vst.idx.msk $0xffff, v1  }
0x20d: {  	v1 =	vld [tilespmem:$0x1FC80];
	_ =	sdelay $0x2  }
0x20e: {  	v0 =	vld [tilespmem:s4+$0x0];
	_ =	sdelay $0x2  }
0x20f: {  	s25 =	sor.u32 $0x2200, s9;
	s1 =	sor.u32 s12, s20  }
0x210: {  	s26 =	sor.u32 s8, s25;
	v3 =	vld [tilespmem:s1+$0x0]  }
0x211: {  	[tilespmem:v1+s21+$0x0] =	vst.idx.msk $0xffff, v0;
	v0 =	vld [tilespmem:s26+$0x0];
	v1 =	vor.u32 s7, v44;
	_ =	sdelay $0x2  }
0x212: {  	[tilespmem:v14+s21+$0x0] =	vst.idx.msk $0xffff, v9  }
0x213: {  	[tilespmem:v7+s21+$0x0] =	vst.idx.msk $0xffff, v3  }
0x214: {  	[tilespmem:v1+s21+$0x0] =	vst.idx.msk $0xffff, v0  }
0x215: {  	v0 =	vld [tilespmem:$0x1FC90];
	_ =	sdelay $0x2  }
0x216: {  	v2 =	vld [tilespmem:s3+$0x0];
	_ =	sdelay $0x4  }
0x217: {  	[tilespmem:v0+s21+$0x0] =	vst.idx.msk $0xffff, v2  }
0x218: {  	s29 =	sor.u32 $0x2280, s14;
	v2 =	vld [tilespmem:$0x1FD60]  }
0x219: {  	s4 =	sor.u32 s13, s29  }
0x21a: {  	s5 =	sor.u32 $0x2280, s9;
	v5 =	vor.u32 s6, v46;
	s1 =	sor.u32 s12, s25;
	v4 =	vld [tilespmem:s4+$0x0]  }
0x21b: {  	s11 =	sor.u32 s8, s5;
	v3 =	vld [tilespmem:s1+$0x0]  }
0x21c: {  	v1 =	vor.u32 s7, v46;
	v0 =	vld [tilespmem:s11+$0x0];
	_ =	sdelay $0x2  }
0x21d: {  	[tilespmem:v5+s21+$0x0] =	vst.idx.msk $0xffff, v4  }
0x21e: {  	[tilespmem:v2+s21+$0x0] =	vst.idx.msk $0xffff, v3  }
0x21f: {  	v22 =	vld [tilespmem:$0x1FF90];
	[tilespmem:v1+s21+$0x0] =	vst.idx.msk $0xffff, v0  }
0x220: {  	v0 =	vld [tilespmem:$0x1FCA0];
	_ =	sdelay $0x1  }
0x221: {  	s3 =	sor.u32 s15, s29  }
0x222: {  	v2 =	vld [tilespmem:s3+$0x0];
	_ =	sdelay $0x4  }
0x223: {  	s16 =	sor.u32 $0x2300, s14;
	[tilespmem:v0+s21+$0x0] =	vst.idx.msk $0xffff, v2  }
0x224: {  	s17 =	sor.u32 s13, s16;
	v2 =	vld [tilespmem:$0x1FD70]  }
0x225: {  	v4 =	vld [tilespmem:s17+$0x0];
	v5 =	vor.u32 s6, v22  }
0x226: {  	s1 =	sor.u32 s12, s5  }
0x227: {  	s18 =	sor.u32 $0x2300, s9;
	v3 =	vld [tilespmem:s1+$0x0]  }
0x228: {  	s19 =	sor.u32 s8, s18  }
0x229: {  	s20 =	sor.u32 $0x2380, s14;
	v1 =	vor.u32 s7, v22;
	v0 =	vld [tilespmem:s19+$0x0]  }
0x22a: {  	s22 =	sor.u32 s13, s20;
	[tilespmem:v5+s21+$0x0] =	vst.idx.msk $0xffff, v4  }
0x22b: {  	s3 =	sor.u32 s15, s16;
	v4 =	vld [tilespmem:s22+$0x0]  }
0x22c: {  	s1 =	sor.u32 s12, s18;
	[tilespmem:v2+s21+$0x0] =	vst.idx.msk $0xffff, v3;
	v2 =	vld [tilespmem:s3+$0x0]  }
0x22d: {  	v3 =	vld [tilespmem:s1+$0x0]  }
0x22e: {  	v14 =	vld [tilespmem:$0x1FED0];
	[tilespmem:v1+s21+$0x0] =	vst.idx.msk $0xffff, v0  }
0x22f: {  	v0 =	vld [tilespmem:$0x1FCB0];
	_ =	sdelay $0x7  }
0x230: {  	[tilespmem:v0+s21+$0x0] =	vst.idx.msk $0xffff, v2  }
0x231: {  	s25 =	sor.u32 $0x2380, s9;
	v2 =	vld [tilespmem:$0x1FD80]  }
0x232: {  	s26 =	sor.u32 s8, s25;
	v5 =	vor.u32 s6, v14  }
0x233: {  	v1 =	vor.u32 s7, v14;
	v0 =	vld [tilespmem:s26+$0x0];
	_ =	sdelay $0x3  }
0x234: {  	[tilespmem:v5+s21+$0x0] =	vst.idx.msk $0xffff, v4  }
0x235: {  	[tilespmem:v1+s21+$0x0] =	vst.idx.msk $0xffff, v0  }
0x236: {  	[tilespmem:v2+s21+$0x0] =	vst.idx.msk $0xffff, v3  }
0x237: {  	v0 =	vld [tilespmem:$0x1FCC0];
	_ =	sdelay $0x1  }
0x238: {  	s3 =	sor.u32 s15, s20  }
0x239: {  	v2 =	vld [tilespmem:s3+$0x0];
	_ =	sdelay $0x4  }
0x23a: {  	s29 =	sor.u32 $0x3000, s14;
	[tilespmem:v0+s21+$0x0] =	vst.idx.msk $0xffff, v2  }
0x23b: {  	s5 =	sor.u32 $0x3000, s9;
	s4 =	sor.u32 s13, s29;
	v2 =	vld [tilespmem:$0x1FD90]  }
0x23c: {  	s11 =	sor.u32 s8, s5;
	v5 =	vor.u32 s6, v47;
	v4 =	vld [tilespmem:s4+$0x0]  }
0x23d: {  	s1 =	sor.u32 s12, s25;
	v1 =	vor.u32 s7, v47;
	v0 =	vld [tilespmem:s11+$0x0]  }
0x23e: {  	v3 =	vld [tilespmem:s1+$0x0];
	_ =	sdelay $0x2  }
0x23f: {  	[tilespmem:v5+s21+$0x0] =	vst.idx.msk $0xffff, v4  }
0x240: {  	[tilespmem:v1+s21+$0x0] =	vst.idx.msk $0xffff, v0  }
0x241: {  	[tilespmem:v2+s21+$0x0] =	vst.idx.msk $0xffff, v3  }
0x242: {  	v0 =	vld [tilespmem:$0x1FCD0];
	_ =	sdelay $0x1  }
0x243: {  	s3 =	sor.u32 s15, s29  }
0x244: {  	v2 =	vld [tilespmem:s3+$0x0];
	_ =	sdelay $0x4  }
0x245: {  	s16 =	sor.u32 $0x3080, s14;
	[tilespmem:v0+s21+$0x0] =	vst.idx.msk $0xffff, v2  }
0x246: {  	s17 =	sor.u32 s13, s16;
	s18 =	sor.u32 $0x3080, s9;
	v2 =	vld [tilespmem:$0x1FDA0]  }
0x247: {  	s19 =	sor.u32 s8, s18;
	v5 =	vor.u32 s6, v48;
	v4 =	vld [tilespmem:s17+$0x0]  }
0x248: {  	s1 =	sor.u32 s12, s5;
	v1 =	vor.u32 s7, v48;
	v0 =	vld [tilespmem:s19+$0x0]  }
0x249: {  	v3 =	vld [tilespmem:s1+$0x0];
	_ =	sdelay $0x2  }
0x24a: {  	[tilespmem:v5+s21+$0x0] =	vst.idx.msk $0xffff, v4  }
0x24b: {  	[tilespmem:v1+s21+$0x0] =	vst.idx.msk $0xffff, v0  }
0x24c: {  	[tilespmem:v2+s21+$0x0] =	vst.idx.msk $0xffff, v3  }
0x24d: {  	v0 =	vld [tilespmem:$0x1FCE0];
	_ =	sdelay $0x1  }
0x24e: {  	s3 =	sor.u32 s15, s16  }
0x24f: {  	v2 =	vld [tilespmem:s3+$0x0];
	_ =	sdelay $0x4  }
0x250: {  	s20 =	sor.u32 $0x3100, s14;
	[tilespmem:v0+s21+$0x0] =	vst.idx.msk $0xffff, v2  }
0x251: {  	s22 =	sor.u32 s13, s20;
	s25 =	sor.u32 $0x3100, s9;
	v2 =	vld [tilespmem:$0x1FDB0]  }
0x252: {  	s26 =	sor.u32 s8, s25;
	v5 =	vor.u32 s6, v45;
	v4 =	vld [tilespmem:s22+$0x0]  }
0x253: {  	s1 =	sor.u32 s12, s18;
	v1 =	vor.u32 s7, v45;
	v0 =	vld [tilespmem:s26+$0x0]  }
0x254: {  	v3 =	vld [tilespmem:s1+$0x0];
	_ =	sdelay $0x2  }
0x255: {  	[tilespmem:v5+s21+$0x0] =	vst.idx.msk $0xffff, v4  }
0x256: {  	[tilespmem:v1+s21+$0x0] =	vst.idx.msk $0xffff, v0  }
0x257: {  	[tilespmem:v2+s21+$0x0] =	vst.idx.msk $0xffff, v3  }
0x258: {  	v0 =	vld [tilespmem:$0x1FCF0];
	_ =	sdelay $0x1  }
0x259: {  	s3 =	sor.u32 s15, s20  }
0x25a: {  	v2 =	vld [tilespmem:s3+$0x0];
	_ =	sdelay $0x4  }
0x25b: {  	s29 =	sor.u32 $0x3180, s14;
	[tilespmem:v0+s21+$0x0] =	vst.idx.msk $0xffff, v2  }
0x25c: {  	s4 =	sor.u32 s13, s29;
	v2 =	vld [tilespmem:$0x1FDC0]  }
0x25d: {  	v5 =	vor.u32 s6, v50;
	v4 =	vld [tilespmem:s4+$0x0]  }
0x25e: {  	s1 =	sor.u32 s12, s25  }
0x25f: {  	v3 =	vld [tilespmem:s1+$0x0]  }
0x260: {  	s5 =	sor.u32 $0x3180, s9  }
0x261: {  	s11 =	sor.u32 s8, s5;
	s16 =	sor.u32 $0x3200, s14  }
0x262: {  	s17 =	sor.u32 s13, s16;
	v1 =	vor.u32 s7, v50;
	v0 =	vld [tilespmem:s11+$0x0];
	[tilespmem:v5+s21+$0x0] =	vst.idx.msk $0xffff, v4  }
0x263: {  	s3 =	sor.u32 s15, s29;
	v5 =	vor.u32 s6, v51;
	v4 =	vld [tilespmem:s17+$0x0]  }
0x264: {  	s1 =	sor.u32 s12, s5;
	[tilespmem:v2+s21+$0x0] =	vst.idx.msk $0xffff, v3;
	v2 =	vld [tilespmem:s3+$0x0]  }
0x265: {  	v3 =	vld [tilespmem:s1+$0x0]  }
0x266: {  	s18 =	sor.u32 $0x3200, s9  }
0x267: {  	s19 =	sor.u32 s8, s18;
	s20 =	sor.u32 $0x3280, s14;
	[tilespmem:v1+s21+$0x0] =	vst.idx.msk $0xffff, v0  }
0x268: {  	s22 =	sor.u32 s13, s20;
	v1 =	vor.u32 s7, v51;
	v0 =	vld [tilespmem:s19+$0x0];
	[tilespmem:v5+s21+$0x0] =	vst.idx.msk $0xffff, v4  }
0x269: {  	v5 =	vor.u32 s6, v53;
	v4 =	vld [tilespmem:s22+$0x0];
	s3 =	sor.u32 s15, s16;
	[tilespmem:v59+s21+$0x0] =	vst.idx.msk $0xffff, v2  }
0x26a: {  	s1 =	sor.u32 s12, s18;
	[tilespmem:v26+s21+$0x0] =	vst.idx.msk $0xffff, v3;
	v2 =	vld [tilespmem:s3+$0x0]  }
0x26b: {  	v3 =	vld [tilespmem:s1+$0x0]  }
0x26c: {  	[tilespmem:v13+s21+$0x0] =	vst.idx.msk $0xffff, v11  }
0x26d: {  	s25 =	sor.u32 $0x3280, s9;
	[tilespmem:v1+s21+$0x0] =	vst.idx.msk $0xffff, v0  }
0x26e: {  	s26 =	sor.u32 s8, s25;
	[tilespmem:v5+s21+$0x0] =	vst.idx.msk $0xffff, v4  }
0x26f: {  	v0 =	vld [tilespmem:s26+$0x0];
	s3 =	sor.u32 s15, s20;
	[tilespmem:v33+s21+$0x0] =	vst.idx.msk $0xffff, v2  }
0x270: {  	v1 =	vor.u32 s7, v53;
	[tilespmem:v20+s21+$0x0] =	vst.idx.msk $0xffff, v3;
	v2 =	vld [tilespmem:s3+$0x0]  }
0x271: {  	s1 =	sor.u32 s12, s25;
	v25 =	vld [tilespmem:$0x1FEE0]  }
0x272: {  	v3 =	vld [tilespmem:s1+$0x0];
	[tilespmem:v60+s21+$0x0] =	vst.idx.msk $0xffff, v12  }
0x273: {  	v13 =	vld [tilespmem:$0x1FEC0];
	_ =	sdelay $0x1  }
0x274: {  	s2 =	sor.u32 s2, s10;
	s29 =	sor.u32 $0x3300, s14;
	[tilespmem:v1+s21+$0x0] =	vst.idx.msk $0xffff, v0;
	v0 =	vld [tilespmem:s24+$0x0]  }
0x275: {  	v4 =	vld [tilespmem:s2+$0x0];
	s3 =	sor.u32 s15, s29;
	[tilespmem:v62+s21+$0x0] =	vst.idx.msk $0xffff, v2;
	v5 =	vor.u32 s31, v25  }
0x276: {  	s4 =	sor.u32 s13, s29;
	s5 =	sor.u32 $0x3300, s9;
	[tilespmem:v61+s21+$0x0] =	vst.idx.msk $0xffff, v3;
	v3 =	vld [tilespmem:s3+$0x0]  }
0x277: {  	s11 =	sor.u32 s8, s5;
	v6 =	vld [tilespmem:s4+$0x0];
	v7 =	vor.u32 s6, v13  }
0x278: {  	v1 =	vld [tilespmem:s11+$0x0];
	v2 =	vor.u32 s7, v13  }
0x279: {  	[tilespmem:v58+s21+$0x0] =	vst.idx.msk $0xffff, v0  }
0x27a: {  	[tilespmem:v5+s21+$0x0] =	vst.idx.msk $0xffff, v4  }
0x27b: {  	[tilespmem:v63+s21+$0x0] =	vst.idx.msk $0xffff, v3  }
0x27c: {  	[tilespmem:v7+s21+$0x0] =	vst.idx.msk $0xffff, v6  }
0x27d: {  	[tilespmem:v2+s21+$0x0] =	vst.idx.msk $0xffff, v1  }
0x27e: {  	s16 =	sor.u32 $0x3380, s14;
	v7 =	vld [tilespmem:$0x1FDD0]  }
0x27f: {  	s17 =	sor.u32 s13, s16;
	v5 =	vld [tilespmem:s28+$0x0]  }
0x280: {  	s1 =	sor.u32 s12, s5;
	v6 =	vor.u32 s6, v25;
	v0 =	vld [tilespmem:s17+$0x0]  }
0x281: {  	v4 =	vld [tilespmem:s1+$0x0]  }
0x282: {  	s0 =	sor.u32 s0, s10;
	s18 =	sor.u32 $0x3380, s9  }
0x283: {  	s19 =	sor.u32 s8, s18;
	v1 =	vld [tilespmem:s0+$0x0]  }
0x284: {  	v3 =	vor.u32 s7, v25;
	v2 =	vld [tilespmem:s19+$0x0];
	[tilespmem:v55+s21+$0x0] =	vst.idx.msk $0xffff, v5  }
0x285: {  	[tilespmem:v6+s21+$0x0] =	vst.idx.msk $0xffff, v0  }
0x286: {  	[tilespmem:v7+s21+$0x0] =	vst.idx.msk $0xffff, v4  }
0x287: {  	s2 =	sor.u32 s15, s16;
	s22 =	rddreg [dreg:$0x5]  }
0x288: {  	v4 =	vld [tilespmem:s2+$0x0];
	s2 =	rddreg [dreg:$0x10];
	[tilespmem:v57+s21+$0x0] =	vst.idx.msk $0xffff, v1  }
0x289: {  	[tilespmem:v3+s21+$0x0] =	vst.idx.msk $0xffff, v2  }
0x28a: {  	v0 =	vld [tilespmem:$0x1FD00]  }
0x28b: {  	s20 =	sor.u32 s12, s18  }
0x28c: {  	v5 =	vld [tilespmem:s20+$0x0];
	_ =	sdelay $0x3  }
0x28d: {  	s0 =	sadd.s32 s22, s2  }
0x28e: {  	s0 =	sshll.u32 s0, $0x2;
	[tilespmem:v54+s21+$0x0] =	vst.idx.msk $0xffff, v5  }
0x28f: {  	s0 =	smin.u32 s0, $0x1E81;
	[tilespmem:v0+s21+$0x0] =	vst.idx.msk $0xffff, v4  }
0x290: {  	s0 =	sshll.u32 s0, $0x9;
	s24 =	rddreg [dreg:$0x4]  }
0x291: {  	s26 =	simm.s32 $0x2;
	s25 =	simm.s32 $0x0;
	s0 =	sadd.s32 s24, s0  }
0x292: {  	[hbm4b:s0+s25] =	stream.linear.scatter [tilespmem:s21], [sflag:$0x3], $0x4000, $0x38;
	[tilespmem:$0x10000] =	vst v63  }
0x293: {  	_ =	swait.ge [sflag:s26], $0x1000  }
0x294: {  	[sflag:s26] =	ssyncset.done $0x0  }
0x295: {  	[sflag:s26] =	ssyncadd.s32 $0xFFFFF000  }
0x296: {  	_ =	swait.ge [sflag:s26], $0x1000  }
0x297: {  	[sflag:s26] =	ssyncset.done $0x0  }
0x298: {  	[sflag:s26] =	ssyncadd.s32 $0xFFFFF000  }
0x299: {  	s4 =	rddreg [dreg:$0xe];
	_ =	swait.ge [sflag:s26], $0x1000  }
0x29a: {  	p0 =	seq.s32 s4, $0x1E;
	s0 =	rddreg [dreg:$0xb];
	[sflag:s26] =	ssyncset.done $0x0  }
0x29b: {  	s0 =	sadd.s32 @!p0 s0, s2;
	[sflag:s26] =	ssyncadd.s32 $0xFFFFF000  }
0x29c: {  	s0 =	sshll.u32 @!p0 s0, $0x2;
	_ =	swait.ge [sflag:s26], $0x1000  }
0x29d: {  	s0 =	smin.u32 @!p0 s0, $0x1E81;
	[sflag:s26] =	ssyncset.done $0x0  }
0x29e: {  	s0 =	sshll.u32 @!p0 s0, $0x7;
	[sflag:s26] =	ssyncadd.s32 $0xFFFFF000  }
0x29f: {  	s0 =	sand.u32 @!p0 $0xFFC80, s0;
	s1 =	rddreg [dreg:$0x0]  }
0x2a0: {  	s0 =	sadd.s32 @!p0 s1, s0;
	s1 =	simm.s32 @!p0 $0x0  }
0x2a1: {  	[tilespmem:s1], [sflag:$0x1] =	stream.linear.gather @!p0 [hbm4b:s0+s1], $0x1000, $0x38;
	[tilespmem:$0x10000] =	vst v63  }
0x2a2: {  	s3 =	simm.s32 @!p0 $0x1000;
	s2 =	sadd.s32 @!p0 $0xF4280, s0  }
0x2a3: {  	[tilespmem:s3], [sflag:$0x1] =	stream.linear.gather @!p0 [hbm4b:s2+s1], $0x1000, $0x38;
	[tilespmem:$0x10000] =	vst v63  }
0x2a4: {  	s2 =	sadd.s32 @!p0 $0x1E8500, s0;
	s3 =	simm.s32 @!p0 $0x2000  }
0x2a5: {  	[tilespmem:s3], [sflag:$0x1] =	stream.linear.gather @!p0 [hbm4b:s2+s1], $0x1000, $0x38;
	[tilespmem:$0x10000] =	vst v63  }
0x2a6: {  	p1 =	seq.s32 @!p0 s4, $0x0;
	s0 =	sadd.s32 @!p0 $0x2DC780, s0;
	s2 =	simm.s32 @!p0 $0x3000  }
0x2a7: {  	[tilespmem:s2], [sflag:$0x1] =	stream.linear.gather @!p0 [hbm4b:s0+s1], $0x1000, $0x38;
	[tilespmem:$0x10000] =	vst v63  }
0x2a8: {  	s29 =	simm.s32 $0x0;
	p0 =	por p0, !p1  }
0x2a9: {  	s7 =	sand.u32 $0xC00, s29;
	s0 =	simm.s32 @p0 $0x4  }
0x2aa: {  	s5 =	simm.s32 $0x10;
	s8 =	sor.u32 $0x4000, s7;
	_ =	swait.ge @p0 [sflag:s0], $0x4000  }
0x2ab: {  	s6 =	sand.u32 $0x70, s5;
	s1 =	simm.s32 $0x200;
	[sflag:s0] =	ssyncset.done @p0 $0x0  }
0x2ac: {  	s10 =	sor.u32 s6, s8;
	v0 =	vor.u32 s1, v27;
	[sflag:s0] =	ssyncadd.s32 @p0 $0xFFFFC000  }
0x2ad: {  	v0 =	vand.u32 v49, v0;
	v1 =	vld [tilespmem:s10+$0x0];
	_ =	sdelay $0x4  }
0x2ae: {  	[tilespmem:v0+s23+$0x0] =	vst.idx.msk $0xffff, v1  }
0x2af: {  	s11 =	simm.s32 $0x0;
	v1 =	vor.u32 s1, v39;
	v0 =	vld [tilespmem:s10+$0x80]  }
0x2b0: {  	s9 =	sand.u32 $0x60, s11;
	s24 =	simm.s32 $0x0  }
0x2b1: {  	v2 =	vor.u32 s24, v27;
	s3 =	sor.u32 s9, s8  }
0x2b2: {  	v2 =	vand.u32 v29, v2;
	v3 =	vld [tilespmem:s3+$0x0];
	_ =	sdelay $0x1  }
0x2b3: {  	[tilespmem:v1+s23+$0x0] =	vst.idx.msk $0xffff, v0  }
0x2b4: {  	v1 =	vor.u32 s1, v18;
	v0 =	vld [tilespmem:s10+$0x100];
	_ =	sdelay $0x1  }
0x2b5: {  	[tilespmem:v2+s23+$0x0] =	vst.idx.msk $0xffff, v3  }
0x2b6: {  	v2 =	vor.u32 s24, v39;
	v3 =	vld [tilespmem:s3+$0x80];
	_ =	sdelay $0x1  }
0x2b7: {  	[tilespmem:v1+s23+$0x0] =	vst.idx.msk $0xffff, v0  }
0x2b8: {  	v1 =	vor.u32 s1, v41;
	v0 =	vld [tilespmem:s10+$0x180];
	_ =	sdelay $0x1  }
0x2b9: {  	[tilespmem:v2+s23+$0x0] =	vst.idx.msk $0xffff, v3  }
0x2ba: {  	v2 =	vor.u32 s24, v18;
	v3 =	vld [tilespmem:s3+$0x100];
	_ =	sdelay $0x1  }
0x2bb: {  	[tilespmem:v1+s23+$0x0] =	vst.idx.msk $0xffff, v0  }
0x2bc: {  	v1 =	vor.u32 s1, v35;
	v0 =	vld [tilespmem:s10+$0x200];
	_ =	sdelay $0x1  }
0x2bd: {  	[tilespmem:v2+s23+$0x0] =	vst.idx.msk $0xffff, v3  }
0x2be: {  	v2 =	vor.u32 s24, v41;
	v3 =	vld [tilespmem:s3+$0x180];
	_ =	sdelay $0x1  }
0x2bf: {  	[tilespmem:v1+s23+$0x0] =	vst.idx.msk $0xffff, v0  }
0x2c0: {  	v1 =	vor.u32 s1, v32;
	v0 =	vld [tilespmem:s10+$0x280]  }
0x2c1: {  	s12 =	sand.u32 $0x7, s29  }
0x2c2: {  	s4 =	sshll.u32 s12, $0x4;
	[tilespmem:v2+s23+$0x0] =	vst.idx.msk $0xffff, v3  }
0x2c3: {  	s4 =	sadd.s32 $0x0, s4;
	v2 =	vor.u32 s24, v35;
	v3 =	vld [tilespmem:s3+$0x200]  }
0x2c4: {  	s4 =	sadd.s32 $0x10, s4  }
0x2c5: {  	s4 =	sor.u32 $0x300, s4;
	[tilespmem:v1+s23+$0x0] =	vst.idx.msk $0xffff, v0  }
0x2c6: {  	v1 =	vor.u32 s1, v30;
	v0 =	vld [tilespmem:s4+$0x4000];
	_ =	sdelay $0x1  }
0x2c7: {  	[tilespmem:v2+s23+$0x0] =	vst.idx.msk $0xffff, v3  }
0x2c8: {  	v2 =	vor.u32 s24, v32;
	v3 =	vld [tilespmem:s3+$0x280]  }
0x2c9: {  	s2 =	sor.u32 s5, s29  }
0x2ca: {  	s13 =	sand.u32 $0x3, s29;
	s2 =	sor.u32 $0x380, s2;
	[tilespmem:v1+s23+$0x0] =	vst.idx.msk $0xffff, v0  }
0x2cb: {  	v1 =	vor.u32 s1, v28;
	v0 =	vld [tilespmem:s2+$0x4000];
	s2 =	sshll.u32 s13, $0x5  }
0x2cc: {  	s2 =	sadd.s32 $0x0, s2  }
0x2cd: {  	[tilespmem:v2+s23+$0x0] =	vst.idx.msk $0xffff, v3;
	s2 =	sor.u32 $0x300, s2  }
0x2ce: {  	v2 =	vor.u32 s24, v30;
	v3 =	vld [tilespmem:s2+$0x4000]  }
0x2cf: {  	s14 =	sor.u32 $0x5000, s7  }
0x2d0: {  	s15 =	sor.u32 s6, s14;
	[tilespmem:v1+s23+$0x0] =	vst.idx.msk $0xffff, v0  }
0x2d1: {  	v1 =	vor.u32 s1, v31;
	v0 =	vld [tilespmem:s15+$0x0]  }
0x2d2: {  	s0 =	sor.u32 s11, s29  }
0x2d3: {  	s0 =	sor.u32 $0x380, s0;
	[tilespmem:v2+s23+$0x0] =	vst.idx.msk $0xffff, v3  }
0x2d4: {  	v2 =	vor.u32 s24, v28;
	v3 =	vld [tilespmem:s0+$0x4000]  }
0x2d5: {  	s16 =	sor.u32 $0x5080, s7  }
0x2d6: {  	s17 =	sor.u32 s6, s16;
	[tilespmem:v1+s23+$0x0] =	vst.idx.msk $0xffff, v0  }
0x2d7: {  	v1 =	vor.u32 s1, v34;
	v0 =	vld [tilespmem:s17+$0x0];
	_ =	sdelay $0x1  }
0x2d8: {  	s18 =	sor.u32 s9, s14;
	[tilespmem:v2+s23+$0x0] =	vst.idx.msk $0xffff, v3  }
0x2d9: {  	s30 =	simm.s32 $0x600;
	s0 =	simm.s32 $0x100;
	v2 =	vor.u32 s24, v31;
	v3 =	vld [tilespmem:s18+$0x0]  }
0x2da: {  	s19 =	sor.u32 $0x5100, s7;
	s3 =	simm.s32 $0x30;
	s12 =	sand.u32 $0xC00, s0  }
0x2db: {  	s22 =	sor.u32 s6, s19;
	s31 =	sand.u32 $0x70, s3;
	s25 =	sor.u32 $0x4000, s12;
	[tilespmem:v1+s23+$0x0] =	vst.idx.msk $0xffff, v0  }
0x2dc: {  	v4 =	vor.u32 s30, v27;
	s8 =	sor.u32 s31, s25;
	v1 =	vor.u32 s1, v36;
	v0 =	vld [tilespmem:s22+$0x0]  }
0x2dd: {  	v4 =	vand.u32 v49, v4;
	v5 =	vld [tilespmem:s8+$0x0]  }
0x2de: {  	s4 =	simm.s32 $0x20;
	s2 =	sor.u32 s9, s16;
	[tilespmem:v2+s23+$0x0] =	vst.idx.msk $0xffff, v3  }
0x2df: {  	s20 =	simm.s32 $0x400;
	v2 =	vor.u32 s24, v34;
	v3 =	vld [tilespmem:s2+$0x0];
	s2 =	sand.u32 $0x60, s4  }
0x2e0: {  	v6 =	vor.u32 s20, v27;
	s11 =	sor.u32 $0x5180, s7;
	s5 =	sor.u32 s2, s25  }
0x2e1: {  	v6 =	vand.u32 v29, v6;
	s26 =	sor.u32 s6, s11;
	[tilespmem:v1+s23+$0x0] =	vst.idx.msk $0xffff, v0;
	v7 =	vld [tilespmem:s5+$0x0]  }
0x2e2: {  	[tilespmem:v4+s23+$0x0] =	vst.idx.msk $0xffff, v5;
	v1 =	vor.u32 s1, v37;
	v0 =	vld [tilespmem:s26+$0x0]  }
0x2e3: {  	v5 =	vor.u32 s30, v39;
	v4 =	vld [tilespmem:s8+$0x80]  }
0x2e4: {  	s10 =	sor.u32 s9, s19;
	[tilespmem:v2+s23+$0x0] =	vst.idx.msk $0xffff, v3  }
0x2e5: {  	v2 =	vor.u32 s24, v36;
	v3 =	vld [tilespmem:s10+$0x0]  }
0x2e6: {  	s29 =	sor.u32 $0x5200, s7;
	[tilespmem:v6+s23+$0x0] =	vst.idx.msk $0xffff, v7  }
0x2e7: {  	s14 =	sor.u32 s6, s29;
	v6 =	vor.u32 s20, v39;
	[tilespmem:v1+s23+$0x0] =	vst.idx.msk $0xffff, v0;
	v7 =	vld [tilespmem:s5+$0x80]  }
0x2e8: {  	[tilespmem:v5+s23+$0x0] =	vst.idx.msk $0xffff, v4;
	v1 =	vor.u32 s1, v21;
	v0 =	vld [tilespmem:s14+$0x0]  }
0x2e9: {  	v5 =	vor.u32 s30, v18;
	v4 =	vld [tilespmem:s8+$0x100]  }
0x2ea: {  	s15 =	sor.u32 s9, s11;
	[tilespmem:v2+s23+$0x0] =	vst.idx.msk $0xffff, v3  }
0x2eb: {  	v2 =	vor.u32 s24, v37;
	v3 =	vld [tilespmem:s15+$0x0]  }
0x2ec: {  	s16 =	sor.u32 $0x5280, s7;
	[tilespmem:v6+s23+$0x0] =	vst.idx.msk $0xffff, v7  }
0x2ed: {  	v33 =	vmov v24;
	s17 =	sor.u32 s6, s16;
	v6 =	vor.u32 s20, v18;
	[tilespmem:v1+s23+$0x0] =	vst.idx.msk $0xffff, v0;
	v7 =	vld [tilespmem:s5+$0x100]  }
0x2ee: {  	[tilespmem:v5+s23+$0x0] =	vst.idx.msk $0xffff, v4;
	v1 =	vor.u32 s1, v33;
	v0 =	vld [tilespmem:s17+$0x0]  }
0x2ef: {  	v5 =	vor.u32 s30, v41;
	v4 =	vld [tilespmem:s8+$0x180]  }
0x2f0: {  	s18 =	sor.u32 s9, s29;
	[tilespmem:v2+s23+$0x0] =	vst.idx.msk $0xffff, v3  }
0x2f1: {  	v2 =	vor.u32 s24, v21;
	v3 =	vld [tilespmem:s18+$0x0]  }
0x2f2: {  	s19 =	sor.u32 $0x5300, s7;
	[tilespmem:v6+s23+$0x0] =	vst.idx.msk $0xffff, v7  }
0x2f3: {  	v24 =	vmov v8;
	s22 =	sor.u32 s6, s19;
	v6 =	vor.u32 s20, v41;
	[tilespmem:v1+s23+$0x0] =	vst.idx.msk $0xffff, v0;
	v7 =	vld [tilespmem:s5+$0x180]  }
0x2f4: {  	[tilespmem:v5+s23+$0x0] =	vst.idx.msk $0xffff, v4;
	v1 =	vor.u32 s1, v24;
	v0 =	vld [tilespmem:s22+$0x0]  }
0x2f5: {  	v5 =	vor.u32 s30, v35;
	v4 =	vld [tilespmem:s8+$0x200]  }
0x2f6: {  	s25 =	sor.u32 s9, s16;
	[tilespmem:v2+s23+$0x0] =	vst.idx.msk $0xffff, v3  }
0x2f7: {  	v2 =	vor.u32 s24, v33;
	v3 =	vld [tilespmem:s25+$0x0]  }
0x2f8: {  	s26 =	sor.u32 $0x5380, s7;
	[tilespmem:v6+s23+$0x0] =	vst.idx.msk $0xffff, v7  }
0x2f9: {  	s29 =	sor.u32 s6, s26;
	v6 =	vor.u32 s20, v35;
	[tilespmem:v1+s23+$0x0] =	vst.idx.msk $0xffff, v0;
	v7 =	vld [tilespmem:s5+$0x200]  }
0x2fa: {  	[tilespmem:v5+s23+$0x0] =	vst.idx.msk $0xffff, v4;
	v1 =	vor.u32 s1, v38;
	v0 =	vld [tilespmem:s29+$0x0]  }
0x2fb: {  	s14 =	simm.s32 $0x2;
	v5 =	vor.u32 s30, v32;
	v4 =	vld [tilespmem:s8+$0x280]  }
0x2fc: {  	s15 =	sor.u32 s9, s19;
	s8 =	sand.u32 $0x7, s14;
	[tilespmem:v2+s23+$0x0] =	vst.idx.msk $0xffff, v3  }
0x2fd: {  	s8 =	sshll.u32 s8, $0x4;
	v2 =	vor.u32 s24, v24;
	v3 =	vld [tilespmem:s15+$0x0]  }
0x2fe: {  	s16 =	sor.u32 $0x6000, s7;
	s8 =	sadd.s32 $0x100, s8;
	[tilespmem:v6+s23+$0x0] =	vst.idx.msk $0xffff, v7  }
0x2ff: {  	s17 =	sor.u32 s6, s16;
	s8 =	sadd.s32 $0x10, s8;
	v6 =	vor.u32 s20, v32;
	[tilespmem:v1+s23+$0x0] =	vst.idx.msk $0xffff, v0;
	v7 =	vld [tilespmem:s5+$0x280]  }
0x300: {  	s19 =	simm.s32 $0x1;
	s18 =	sor.u32 $0x300, s8;
	[tilespmem:v5+s23+$0x0] =	vst.idx.msk $0xffff, v4;
	v1 =	vor.u32 s1, v40;
	v0 =	vld [tilespmem:s17+$0x0]  }
0x301: {  	s22 =	sand.u32 $0x3, s19;
	v5 =	vor.u32 s30, v30;
	v4 =	vld [tilespmem:s18+$0x4000]  }
0x302: {  	s25 =	sor.u32 s9, s26;
	s5 =	sshll.u32 s22, $0x5;
	[tilespmem:v2+s23+$0x0] =	vst.idx.msk $0xffff, v3  }
0x303: {  	s5 =	sadd.s32 $0x100, s5;
	v2 =	vor.u32 s24, v38;
	v3 =	vld [tilespmem:s25+$0x0]  }
0x304: {  	s26 =	sor.u32 $0x6080, s7;
	s5 =	sor.u32 $0x300, s5;
	[tilespmem:v6+s23+$0x0] =	vst.idx.msk $0xffff, v7  }
0x305: {  	v60 =	vmov v23;
	s3 =	sor.u32 s3, s0;
	s29 =	sor.u32 s6, s26;
	v6 =	vor.u32 s20, v30;
	[tilespmem:v1+s23+$0x0] =	vst.idx.msk $0xffff, v0;
	v7 =	vld [tilespmem:s5+$0x4000]  }
0x306: {  	s3 =	sor.u32 $0x380, s3;
	[tilespmem:v5+s23+$0x0] =	vst.idx.msk $0xffff, v4;
	v1 =	vor.u32 s1, v60;
	v0 =	vld [tilespmem:s29+$0x0]  }
0x307: {  	v5 =	vor.u32 s30, v28;
	v4 =	vld [tilespmem:s3+$0x4000]  }
0x308: {  	s8 =	sor.u32 s9, s16;
	[tilespmem:v2+s23+$0x0] =	vst.idx.msk $0xffff, v3  }
0x309: {  	s0 =	sor.u32 s4, s0;
	v2 =	vor.u32 s24, v40;
	v3 =	vld [tilespmem:s8+$0x0]  }
0x30a: {  	s11 =	sor.u32 $0x6100, s7;
	s0 =	sor.u32 $0x380, s0;
	[tilespmem:v6+s23+$0x0] =	vst.idx.msk $0xffff, v7  }
0x30b: {  	s13 =	sor.u32 s6, s11;
	s14 =	sor.u32 $0x5000, s12;
	v6 =	vor.u32 s20, v28;
	[tilespmem:v1+s23+$0x0] =	vst.idx.msk $0xffff, v0;
	v7 =	vld [tilespmem:s0+$0x4000]  }
0x30c: {  	s15 =	sor.u32 s31, s14;
	[tilespmem:v5+s23+$0x0] =	vst.idx.msk $0xffff, v4;
	v1 =	vor.u32 s1, v42;
	v0 =	vld [tilespmem:s13+$0x0]  }
0x30d: {  	v5 =	vor.u32 s30, v31;
	v4 =	vld [tilespmem:s15+$0x0]  }
0x30e: {  	s16 =	sor.u32 s9, s26;
	[tilespmem:v2+s23+$0x0] =	vst.idx.msk $0xffff, v3  }
0x30f: {  	v2 =	vor.u32 s24, v60;
	v3 =	vld [tilespmem:s16+$0x0]  }
0x310: {  	s19 =	sor.u32 s2, s14;
	s17 =	sor.u32 $0x6180, s7;
	[tilespmem:v6+s23+$0x0] =	vst.idx.msk $0xffff, v7  }
0x311: {  	s22 =	sor.u32 $0x5080, s12;
	s18 =	sor.u32 s6, s17;
	v6 =	vor.u32 s20, v31;
	[tilespmem:v1+s23+$0x0] =	vst.idx.msk $0xffff, v0;
	v7 =	vld [tilespmem:s19+$0x0]  }
0x312: {  	s25 =	sor.u32 s31, s22;
	[tilespmem:v5+s23+$0x0] =	vst.idx.msk $0xffff, v4;
	v1 =	vor.u32 s1, v43;
	v0 =	vld [tilespmem:s18+$0x0]  }
0x313: {  	v5 =	vor.u32 s30, v34;
	v4 =	vld [tilespmem:s25+$0x0]  }
0x314: {  	s26 =	sor.u32 s9, s11;
	[tilespmem:v2+s23+$0x0] =	vst.idx.msk $0xffff, v3  }
0x315: {  	v2 =	vor.u32 s24, v42;
	v3 =	vld [tilespmem:s26+$0x0]  }
0x316: {  	s29 =	sor.u32 $0x6200, s7;
	s19 =	sor.u32 s2, s22;
	[tilespmem:v6+s23+$0x0] =	vst.idx.msk $0xffff, v7  }
0x317: {  	s22 =	sor.u32 $0x5100, s12;
	s18 =	sor.u32 s6, s29;
	v6 =	vor.u32 s20, v34;
	[tilespmem:v1+s23+$0x0] =	vst.idx.msk $0xffff, v0;
	v7 =	vld [tilespmem:s19+$0x0]  }
0x318: {  	s5 =	simm.s32 $0x200;
	[tilespmem:v5+s23+$0x0] =	vst.idx.msk $0xffff, v4;
	s25 =	sor.u32 s31, s22;
	v1 =	vor.u32 s1, v44;
	v0 =	vld [tilespmem:s18+$0x0]  }
0x319: {  	s4 =	sor.u32 s9, s17;
	s3 =	simm.s32 $0x50;
	s0 =	sand.u32 $0xC00, s5;
	v5 =	vor.u32 s30, v36;
	v4 =	vld [tilespmem:s25+$0x0]  }
0x31a: {  	s15 =	simm.s32 $0xA00;
	s17 =	sor.u32 $0x4000, s0;
	s13 =	sand.u32 $0x70, s3;
	[tilespmem:v2+s23+$0x0] =	vst.idx.msk $0xffff, v3  }
0x31b: {  	v8 =	vor.u32 s15, v27;
	s10 =	sor.u32 s13, s17;
	v2 =	vor.u32 s24, v43;
	v3 =	vld [tilespmem:s4+$0x0]  }
0x31c: {  	s16 =	sor.u32 $0x6280, s7;
	s8 =	sor.u32 s2, s22;
	[tilespmem:v6+s23+$0x0] =	vst.idx.msk $0xffff, v7;
	v6 =	vld [tilespmem:s10+$0x0];
	v7 =	vand.u32 v49, v8  }
0x31d: {  	s26 =	sor.u32 s6, s16;
	s18 =	sor.u32 $0x5180, s12;
	s4 =	simm.s32 $0x40;
	v8 =	vor.u32 s20, v36;
	[tilespmem:v1+s23+$0x0] =	vst.idx.msk $0xffff, v0;
	v9 =	vld [tilespmem:s8+$0x0]  }
0x31e: {  	s25 =	simm.s32 $0x800;
	[tilespmem:v5+s23+$0x0] =	vst.idx.msk $0xffff, v4;
	s19 =	sor.u32 s31, s18;
	s14 =	sand.u32 $0x60, s4;
	v1 =	vor.u32 s1, v46;
	v0 =	vld [tilespmem:s26+$0x0]  }
0x31f: {  	v10 =	vor.u32 s30, v37;
	v4 =	vor.u32 s25, v27;
	v5 =	vld [tilespmem:s19+$0x0];
	s8 =	sor.u32 s14, s17  }
0x320: {  	s11 =	sor.u32 s9, s29;
	[tilespmem:v2+s23+$0x0] =	vst.idx.msk $0xffff, v3;
	v2 =	vand.u32 v29, v4;
	v3 =	vld [tilespmem:s8+$0x0]  }
0x321: {  	v4 =	vor.u32 s24, v44;
	v11 =	vld [tilespmem:s11+$0x0];
	[tilespmem:v7+s23+$0x0] =	vst.idx.msk $0xffff, v6  }
0x322: {  	s18 =	sor.u32 s2, s18;
	s17 =	sor.u32 $0x6300, s7;
	v7 =	vor.u32 s15, v39;
	[tilespmem:v8+s23+$0x0] =	vst.idx.msk $0xffff, v9;
	v6 =	vld [tilespmem:s10+$0x80]  }
0x323: {  	s19 =	sor.u32 $0x5200, s12;
	s29 =	sor.u32 s6, s17;
	v8 =	vor.u32 s20, v37;
	[tilespmem:v1+s23+$0x0] =	vst.idx.msk $0xffff, v0;
	v9 =	vld [tilespmem:s18+$0x0]  }
0x324: {  	s22 =	sor.u32 s31, s19;
	[tilespmem:v10+s23+$0x0] =	vst.idx.msk $0xffff, v5;
	v1 =	vor.u32 s1, v22;
	v0 =	vld [tilespmem:s29+$0x0]  }
0x325: {  	[tilespmem:v2+s23+$0x0] =	vst.idx.msk $0xffff, v3;
	v2 =	vld [tilespmem:s22+$0x0];
	v3 =	vor.u32 s30, v21  }
0x326: {  	s26 =	sor.u32 s9, s16;
	v5 =	vor.u32 s25, v39;
	[tilespmem:v4+s23+$0x0] =	vst.idx.msk $0xffff, v11;
	v4 =	vld [tilespmem:s8+$0x80]  }
0x327: {  	v10 =	vor.u32 s24, v46;
	v11 =	vld [tilespmem:s26+$0x0];
	[tilespmem:v7+s23+$0x0] =	vst.idx.msk $0xffff, v6  }
0x328: {  	s16 =	sor.u32 $0x6380, s7;
	s18 =	sor.u32 s2, s19;
	v7 =	vor.u32 s15, v18;
	[tilespmem:v8+s23+$0x0] =	vst.idx.msk $0xffff, v9;
	v6 =	vld [tilespmem:s10+$0x100]  }
0x329: {  	s19 =	sor.u32 $0x5280, s12;
	s29 =	sor.u32 s6, s16;
	v8 =	vor.u32 s20, v21;
	[tilespmem:v1+s23+$0x0] =	vst.idx.msk $0xffff, v0;
	v9 =	vld [tilespmem:s18+$0x0]  }
0x32a: {  	s22 =	sor.u32 s31, s19;
	v1 =	vor.u32 s1, v14;
	v0 =	vld [tilespmem:s29+$0x0];
	[tilespmem:v3+s23+$0x0] =	vst.idx.msk $0xffff, v2  }
0x32b: {  	v3 =	vor.u32 s30, v33;
	[tilespmem:v5+s23+$0x0] =	vst.idx.msk $0xffff, v4;
	v2 =	vld [tilespmem:s22+$0x0]  }
0x32c: {  	s26 =	sor.u32 s9, s17;
	v4 =	vor.u32 s25, v18;
	[tilespmem:v10+s23+$0x0] =	vst.idx.msk $0xffff, v11;
	v5 =	vld [tilespmem:s8+$0x100]  }
0x32d: {  	v10 =	vor.u32 s24, v22;
	v11 =	vld [tilespmem:s26+$0x0];
	[tilespmem:v7+s23+$0x0] =	vst.idx.msk $0xffff, v6  }
0x32e: {  	s17 =	sor.u32 $0x7000, s7;
	s18 =	sor.u32 s2, s19;
	v7 =	vor.u32 s15, v41;
	[tilespmem:v8+s23+$0x0] =	vst.idx.msk $0xffff, v9;
	v6 =	vld [tilespmem:s10+$0x180]  }
0x32f: {  	s19 =	sor.u32 $0x5300, s12;
	s29 =	sor.u32 s6, s17;
	v8 =	vor.u32 s20, v33;
	[tilespmem:v1+s23+$0x0] =	vst.idx.msk $0xffff, v0;
	v9 =	vld [tilespmem:s18+$0x0]  }
0x330: {  	s22 =	sor.u32 s31, s19;
	v1 =	vor.u32 s1, v47;
	v0 =	vld [tilespmem:s29+$0x0];
	[tilespmem:v3+s23+$0x0] =	vst.idx.msk $0xffff, v2  }
0x331: {  	v3 =	vor.u32 s30, v24;
	[tilespmem:v4+s23+$0x0] =	vst.idx.msk $0xffff, v5;
	v2 =	vld [tilespmem:s22+$0x0]  }
0x332: {  	s26 =	sor.u32 s9, s16;
	v4 =	vor.u32 s25, v41;
	[tilespmem:v10+s23+$0x0] =	vst.idx.msk $0xffff, v11;
	v5 =	vld [tilespmem:s8+$0x180]  }
0x333: {  	v10 =	vor.u32 s24, v14;
	v11 =	vld [tilespmem:s26+$0x0];
	[tilespmem:v7+s23+$0x0] =	vst.idx.msk $0xffff, v6  }
0x334: {  	s16 =	sor.u32 $0x7080, s7;
	s18 =	sor.u32 s2, s19;
	v7 =	vor.u32 s15, v35;
	[tilespmem:v8+s23+$0x0] =	vst.idx.msk $0xffff, v9;
	v6 =	vld [tilespmem:s10+$0x200]  }
0x335: {  	s19 =	sor.u32 $0x5380, s12;
	s29 =	sor.u32 s6, s16;
	v8 =	vor.u32 s20, v24;
	[tilespmem:v1+s23+$0x0] =	vst.idx.msk $0xffff, v0;
	v9 =	vld [tilespmem:s18+$0x0]  }
0x336: {  	s22 =	sor.u32 s31, s19;
	v1 =	vor.u32 s1, v48;
	v0 =	vld [tilespmem:s29+$0x0];
	[tilespmem:v3+s23+$0x0] =	vst.idx.msk $0xffff, v2  }
0x337: {  	v3 =	vor.u32 s30, v38;
	[tilespmem:v4+s23+$0x0] =	vst.idx.msk $0xffff, v5;
	v2 =	vld [tilespmem:s22+$0x0]  }
0x338: {  	s26 =	sor.u32 s9, s17;
	v4 =	vor.u32 s25, v35;
	[tilespmem:v10+s23+$0x0] =	vst.idx.msk $0xffff, v11;
	v5 =	vld [tilespmem:s8+$0x200]  }
0x339: {  	v10 =	vor.u32 s24, v47;
	v11 =	vld [tilespmem:s26+$0x0];
	[tilespmem:v7+s23+$0x0] =	vst.idx.msk $0xffff, v6  }
0x33a: {  	s17 =	sor.u32 $0x7100, s7;
	s18 =	sor.u32 s2, s19;
	s19 =	simm.s32 $0x4;
	v7 =	vor.u32 s15, v32;
	[tilespmem:v8+s23+$0x0] =	vst.idx.msk $0xffff, v9;
	v6 =	vld [tilespmem:s10+$0x280]  }
0x33b: {  	s29 =	sor.u32 s6, s17;
	s22 =	sand.u32 $0x7, s19;
	s10 =	sor.u32 $0x6000, s12;
	v8 =	vor.u32 s20, v38;
	[tilespmem:v1+s23+$0x0] =	vst.idx.msk $0xffff, v0;
	v9 =	vld [tilespmem:s18+$0x0]  }
0x33c: {  	s11 =	sshll.u32 s22, $0x4;
	v1 =	vor.u32 s1, v45;
	s26 =	sor.u32 s31, s10;
	v0 =	vld [tilespmem:s29+$0x0];
	[tilespmem:v3+s23+$0x0] =	vst.idx.msk $0xffff, v2  }
0x33d: {  	s11 =	sadd.s32 $0x200, s11;
	v3 =	vor.u32 s30, v40;
	[tilespmem:v4+s23+$0x0] =	vst.idx.msk $0xffff, v5;
	v2 =	vld [tilespmem:s26+$0x0]  }
0x33e: {  	s16 =	sor.u32 s9, s16;
	s11 =	sadd.s32 $0x10, s11;
	v4 =	vor.u32 s25, v32;
	[tilespmem:v10+s23+$0x0] =	vst.idx.msk $0xffff, v11;
	v5 =	vld [tilespmem:s8+$0x280]  }
0x33f: {  	s11 =	sor.u32 $0x300, s11;
	s29 =	simm.s32 $0x2;
	v10 =	vor.u32 s24, v48;
	v11 =	vld [tilespmem:s16+$0x0];
	[tilespmem:v7+s23+$0x0] =	vst.idx.msk $0xffff, v6  }
0x340: {  	s18 =	sor.u32 $0x7180, s7;
	s10 =	sor.u32 s2, s10;
	s8 =	sand.u32 $0x3, s29;
	v7 =	vor.u32 s15, v30;
	[tilespmem:v8+s23+$0x0] =	vst.idx.msk $0xffff, v9;
	v6 =	vld [tilespmem:s11+$0x4000]  }
0x341: {  	s22 =	sor.u32 $0x6080, s12;
	s19 =	sor.u32 s6, s18;
	s8 =	sshll.u32 s8, $0x5;
	v8 =	vor.u32 s20, v40;
	[tilespmem:v1+s23+$0x0] =	vst.idx.msk $0xffff, v0;
	v9 =	vld [tilespmem:s10+$0x0]  }
0x342: {  	s26 =	sor.u32 s31, s22;
	s8 =	sadd.s32 $0x200, s8;
	v1 =	vor.u32 s1, v50;
	v0 =	vld [tilespmem:s19+$0x0];
	[tilespmem:v3+s23+$0x0] =	vst.idx.msk $0xffff, v2  }
0x343: {  	s8 =	sor.u32 $0x300, s8;
	v3 =	vor.u32 s30, v60;
	[tilespmem:v4+s23+$0x0] =	vst.idx.msk $0xffff, v5;
	v2 =	vld [tilespmem:s26+$0x0]  }
0x344: {  	s3 =	sor.u32 s3, s5;
	s29 =	sor.u32 s9, s17;
	v4 =	vor.u32 s25, v30;
	[tilespmem:v10+s23+$0x0] =	vst.idx.msk $0xffff, v11;
	v5 =	vld [tilespmem:s8+$0x4000]  }
0x345: {  	s3 =	sor.u32 $0x380, s3;
	v10 =	vor.u32 s24, v45;
	v11 =	vld [tilespmem:s29+$0x0];
	[tilespmem:v7+s23+$0x0] =	vst.idx.msk $0xffff, v6  }
0x346: {  	s16 =	sor.u32 $0x7200, s7;
	s11 =	sor.u32 s2, s22;
	v7 =	vor.u32 s15, v28;
	[tilespmem:v8+s23+$0x0] =	vst.idx.msk $0xffff, v9;
	v6 =	vld [tilespmem:s3+$0x4000]  }
0x347: {  	s17 =	sor.u32 $0x6100, s12;
	s10 =	sor.u32 s6, s16;
	v8 =	vor.u32 s20, v60;
	[tilespmem:v1+s23+$0x0] =	vst.idx.msk $0xffff, v0;
	v9 =	vld [tilespmem:s11+$0x0]  }
0x348: {  	s4 =	sor.u32 s4, s5;
	s19 =	sor.u32 s31, s17;
	v1 =	vor.u32 s1, v51;
	v0 =	vld [tilespmem:s10+$0x0];
	[tilespmem:v3+s23+$0x0] =	vst.idx.msk $0xffff, v2  }
0x349: {  	s4 =	sor.u32 $0x380, s4;
	v3 =	vor.u32 s30, v42;
	[tilespmem:v4+s23+$0x0] =	vst.idx.msk $0xffff, v5;
	v2 =	vld [tilespmem:s19+$0x0]  }
0x34a: {  	s22 =	sor.u32 s9, s18;
	s29 =	sor.u32 $0x5000, s0;
	v4 =	vor.u32 s25, v28;
	[tilespmem:v10+s23+$0x0] =	vst.idx.msk $0xffff, v11;
	v5 =	vld [tilespmem:s4+$0x4000]  }
0x34b: {  	s10 =	sor.u32 s13, s29;
	v10 =	vor.u32 s24, v50;
	v11 =	vld [tilespmem:s22+$0x0];
	[tilespmem:v7+s23+$0x0] =	vst.idx.msk $0xffff, v6  }
0x34c: {  	s8 =	sor.u32 $0x7280, s7;
	s3 =	sor.u32 s2, s17;
	v7 =	vor.u32 s15, v31;
	[tilespmem:v8+s23+$0x0] =	vst.idx.msk $0xffff, v9;
	v6 =	vld [tilespmem:s10+$0x0]  }
0x34d: {  	s26 =	sor.u32 s6, s8;
	s11 =	sor.u32 $0x6180, s12;
	v8 =	vor.u32 s20, v42;
	[tilespmem:v1+s23+$0x0] =	vst.idx.msk $0xffff, v0;
	v9 =	vld [tilespmem:s3+$0x0]  }
0x34e: {  	s17 =	sor.u32 s31, s11;
	v1 =	vor.u32 s1, v53;
	v0 =	vld [tilespmem:s26+$0x0];
	[tilespmem:v3+s23+$0x0] =	vst.idx.msk $0xffff, v2  }
0x34f: {  	s5 =	sor.u32 s14, s29;
	v3 =	vor.u32 s30, v43;
	[tilespmem:v4+s23+$0x0] =	vst.idx.msk $0xffff, v5;
	v2 =	vld [tilespmem:s17+$0x0]  }
0x350: {  	s18 =	sor.u32 s9, s16;
	s22 =	sor.u32 $0x5080, s0;
	v4 =	vor.u32 s25, v31;
	[tilespmem:v10+s23+$0x0] =	vst.idx.msk $0xffff, v11;
	v5 =	vld [tilespmem:s5+$0x0]  }
0x351: {  	s26 =	sor.u32 s13, s22;
	v10 =	vor.u32 s24, v51;
	v11 =	vld [tilespmem:s18+$0x0];
	[tilespmem:v7+s23+$0x0] =	vst.idx.msk $0xffff, v6  }
0x352: {  	s4 =	sor.u32 s2, s11;
	s10 =	sor.u32 $0x7300, s7;
	v7 =	vor.u32 s15, v34;
	[tilespmem:v8+s23+$0x0] =	vst.idx.msk $0xffff, v9;
	v6 =	vld [tilespmem:s26+$0x0]  }
0x353: {  	s29 =	sor.u32 $0x6200, s12;
	s19 =	sor.u32 s6, s10;
	v8 =	vor.u32 s20, v43;
	[tilespmem:v1+s23+$0x0] =	vst.idx.msk $0xffff, v0;
	v9 =	vld [tilespmem:s4+$0x0]  }
0x354: {  	s16 =	sor.u32 s31, s29;
	v1 =	vor.u32 s1, v13;
	v0 =	vld [tilespmem:s19+$0x0];
	[tilespmem:v3+s23+$0x0] =	vst.idx.msk $0xffff, v2  }
0x355: {  	s17 =	sor.u32 s14, s22;
	v3 =	vor.u32 s30, v44;
	[tilespmem:v4+s23+$0x0] =	vst.idx.msk $0xffff, v5;
	v2 =	vld [tilespmem:s16+$0x0]  }
0x356: {  	s22 =	sor.u32 $0x5100, s0;
	s18 =	sor.u32 s9, s8;
	v4 =	vor.u32 s25, v34;
	[tilespmem:v10+s23+$0x0] =	vst.idx.msk $0xffff, v11;
	v5 =	vld [tilespmem:s17+$0x0]  }
0x357: {  	s26 =	sor.u32 s13, s22;
	v10 =	vor.u32 s24, v53;
	v11 =	vld [tilespmem:s18+$0x0];
	[tilespmem:v7+s23+$0x0] =	vst.idx.msk $0xffff, v6  }
0x358: {  	s3 =	sor.u32 s2, s29;
	s5 =	sor.u32 $0x7380, s7;
	v7 =	vor.u32 s15, v36;
	[tilespmem:v8+s23+$0x0] =	vst.idx.msk $0xffff, v9;
	v6 =	vld [tilespmem:s26+$0x0]  }
0x359: {  	s11 =	simm.s32 $0x60;
	s19 =	sor.u32 s6, s5;
	v8 =	vor.u32 s20, v44;
	[tilespmem:v1+s23+$0x0] =	vst.idx.msk $0xffff, v0;
	v9 =	vld [tilespmem:s3+$0x0]  }
0x35a: {  	s29 =	sor.u32 s14, s22;
	s16 =	sor.u32 $0x6280, s12;
	s17 =	simm.s32 $0x300;
	v1 =	vor.u32 s1, v25;
	v0 =	vld [tilespmem:s19+$0x0];
	[tilespmem:v3+s23+$0x0] =	vst.idx.msk $0xffff, v2  }
0x35b: {  	s8 =	sand.u32 $0x60, s11;
	s28 =	sand.u32 $0xC00, s17;
	s3 =	sor.u32 s31, s16;
	[tilespmem:v4+s23+$0x0] =	vst.idx.msk $0xffff, v5  }
0x35c: {  	s22 =	sor.u32 $0x5180, s0;
	s18 =	simm.s32 $0x70;
	s6 =	sor.u32 $0x4000, s28;
	v3 =	vor.u32 s30, v46;
	v2 =	vld [tilespmem:s3+$0x0];
	[tilespmem:v10+s23+$0x0] =	vst.idx.msk $0xffff, v11  }
0x35d: {  	s7 =	sand.u32 $0x70, s18;
	s19 =	simm.s32 $0xE00;
	v4 =	vor.u32 s25, v36;
	v10 =	vld [tilespmem:s29+$0x0];
	s29 =	sor.u32 s13, s22;
	[tilespmem:v7+s23+$0x0] =	vst.idx.msk $0xffff, v6  }
0x35e: {  	s26 =	sor.u32 s9, s10;
	s10 =	simm.s32 $0xC00;
	s1 =	sor.u32 s7, s6;
	v5 =	vor.u32 s19, v27;
	[tilespmem:v8+s23+$0x0] =	vst.idx.msk $0xffff, v9;
	v7 =	vld [tilespmem:s29+$0x0];
	v8 =	vor.u32 s15, v37  }
0x35f: {  	s3 =	sor.u32 s8, s6;
	v6 =	vor.u32 s10, v27;
	[tilespmem:v1+s23+$0x0] =	vst.idx.msk $0xffff, v0;
	v0 =	vld [tilespmem:s1+$0x0];
	v1 =	vand.u32 v49, v5  }
0x360: {  	s4 =	sor.u32 $0x6300, s12;
	v6 =	vand.u32 v29, v6;
	v9 =	vld [tilespmem:s3+$0x0]  }
0x361: {  	v11 =	vld [tilespmem:s26+$0x0];
	s26 =	sor.u32 s31, s4;
	v5 =	vor.u32 s24, v13;
	[tilespmem:v3+s23+$0x0] =	vst.idx.msk $0xffff, v2  }
0x362: {  	s16 =	sor.u32 s2, s16;
	v3 =	vor.u32 s30, v22;
	v2 =	vld [tilespmem:s26+$0x0];
	[tilespmem:v4+s23+$0x0] =	vst.idx.msk $0xffff, v10  }
0x363: {  	s6 =	sor.u32 $0x5200, s0;
	s22 =	sor.u32 s14, s22;
	v10 =	vor.u32 s20, v46;
	[tilespmem:v8+s23+$0x0] =	vst.idx.msk $0xffff, v7;
	v7 =	vld [tilespmem:s16+$0x0]  }
0x364: {  	v4 =	vor.u32 s25, v37;
	s26 =	sor.u32 s13, s6;
	[tilespmem:v1+s23+$0x0] =	vst.idx.msk $0xffff, v0;
	v0 =	vld [tilespmem:s22+$0x0]  }
0x365: {  	[tilespmem:v6+s23+$0x0] =	vst.idx.msk $0xffff, v9;
	v8 =	vor.u32 s15, v21;
	v6 =	vld [tilespmem:s26+$0x0]  }
0x366: {  	[tilespmem:v5+s23+$0x0] =	vst.idx.msk $0xffff, v11;
	v5 =	vor.u32 s19, v39;
	v1 =	vld [tilespmem:s1+$0x80]  }
0x367: {  	s16 =	sor.u32 $0x6380, s12;
	[tilespmem:v3+s23+$0x0] =	vst.idx.msk $0xffff, v2  }
0x368: {  	v9 =	vor.u32 s10, v39;
	v11 =	vld [tilespmem:s3+$0x80];
	s29 =	sor.u32 s31, s16;
	[tilespmem:v10+s23+$0x0] =	vst.idx.msk $0xffff, v7  }
0x369: {  	s4 =	sor.u32 s2, s4;
	v2 =	vld [tilespmem:s29+$0x0];
	[tilespmem:v4+s23+$0x0] =	vst.idx.msk $0xffff, v0;
	v0 =	vor.u32 s30, v14  }
0x36a: {  	s22 =	sor.u32 s14, s6;
	v7 =	vor.u32 s20, v22;
	[tilespmem:v8+s23+$0x0] =	vst.idx.msk $0xffff, v6;
	v6 =	vld [tilespmem:s4+$0x0]  }
0x36b: {  	v3 =	vor.u32 s25, v21;
	[tilespmem:v5+s23+$0x0] =	vst.idx.msk $0xffff, v1;
	v1 =	vld [tilespmem:s22+$0x0]  }
0x36c: {  	s6 =	sor.u32 $0x5280, s0  }
0x36d: {  	s26 =	sor.u32 s13, s6;
	[tilespmem:v9+s23+$0x0] =	vst.idx.msk $0xffff, v11;
	v5 =	vor.u32 s19, v18;
	v4 =	vld [tilespmem:s1+$0x100]  }
0x36e: {  	v9 =	vor.u32 s15, v33;
	s4 =	sor.u32 $0x7000, s12;
	v8 =	vld [tilespmem:s26+$0x0];
	[tilespmem:v0+s23+$0x0] =	vst.idx.msk $0xffff, v2  }
0x36f: {  	v10 =	vor.u32 s10, v18;
	v11 =	vld [tilespmem:s3+$0x100];
	s29 =	sor.u32 s31, s4;
	[tilespmem:v7+s23+$0x0] =	vst.idx.msk $0xffff, v6  }
0x370: {  	s16 =	sor.u32 s2, s16;
	v0 =	vld [tilespmem:s29+$0x0];
	[tilespmem:v3+s23+$0x0] =	vst.idx.msk $0xffff, v1;
	v1 =	vor.u32 s30, v47  }
0x371: {  	s22 =	sor.u32 s14, s6;
	v6 =	vor.u32 s20, v14;
	v7 =	vld [tilespmem:s16+$0x0]  }
0x372: {  	s6 =	sor.u32 $0x5300, s0;
	v2 =	vor.u32 s25, v33;
	[tilespmem:v5+s23+$0x0] =	vst.idx.msk $0xffff, v4;
	v3 =	vld [tilespmem:s22+$0x0]  }
0x373: {  	s26 =	sor.u32 s13, s6;
	[tilespmem:v9+s23+$0x0] =	vst.idx.msk $0xffff, v8;
	v5 =	vor.u32 s19, v41;
	v4 =	vld [tilespmem:s1+$0x180]  }
0x374: {  	[tilespmem:v10+s23+$0x0] =	vst.idx.msk $0xffff, v11;
	v9 =	vor.u32 s15, v24;
	s16 =	sor.u32 $0x7080, s12;
	v8 =	vld [tilespmem:s26+$0x0]  }
0x375: {  	v10 =	vor.u32 s10, v41;
	v11 =	vld [tilespmem:s3+$0x180];
	s29 =	sor.u32 s31, s16;
	[tilespmem:v1+s23+$0x0] =	vst.idx.msk $0xffff, v0  }
0x376: {  	s4 =	sor.u32 s2, s4;
	v1 =	vor.u32 s30, v48;
	[tilespmem:v6+s23+$0x0] =	vst.idx.msk $0xffff, v7;
	v0 =	vld [tilespmem:s29+$0x0]  }
0x377: {  	s22 =	sor.u32 s14, s6;
	v6 =	vor.u32 s20, v47;
	[tilespmem:v2+s23+$0x0] =	vst.idx.msk $0xffff, v3;
	v7 =	vld [tilespmem:s4+$0x0]  }
0x378: {  	s6 =	sor.u32 $0x5380, s0;
	v2 =	vor.u32 s25, v24;
	[tilespmem:v5+s23+$0x0] =	vst.idx.msk $0xffff, v4;
	v3 =	vld [tilespmem:s22+$0x0]  }
0x379: {  	s26 =	sor.u32 s13, s6;
	[tilespmem:v9+s23+$0x0] =	vst.idx.msk $0xffff, v8;
	v5 =	vor.u32 s19, v35;
	v4 =	vld [tilespmem:s1+$0x200]  }
0x37a: {  	[tilespmem:v10+s23+$0x0] =	vst.idx.msk $0xffff, v11;
	v9 =	vor.u32 s15, v38;
	s4 =	sor.u32 $0x7100, s12;
	v8 =	vld [tilespmem:s26+$0x0]  }
0x37b: {  	v10 =	vor.u32 s10, v35;
	v11 =	vld [tilespmem:s3+$0x200];
	s29 =	sor.u32 s31, s4;
	[tilespmem:v1+s23+$0x0] =	vst.idx.msk $0xffff, v0  }
0x37c: {  	s16 =	sor.u32 s2, s16;
	v1 =	vor.u32 s30, v45;
	[tilespmem:v6+s23+$0x0] =	vst.idx.msk $0xffff, v7;
	v0 =	vld [tilespmem:s29+$0x0]  }
0x37d: {  	s22 =	sor.u32 s14, s6;
	v6 =	vor.u32 s20, v48;
	[tilespmem:v2+s23+$0x0] =	vst.idx.msk $0xffff, v3;
	v7 =	vld [tilespmem:s16+$0x0]  }
0x37e: {  	v2 =	vor.u32 s25, v38;
	[tilespmem:v5+s23+$0x0] =	vst.idx.msk $0xffff, v4;
	v3 =	vld [tilespmem:s22+$0x0]  }
0x37f: {  	[tilespmem:v9+s23+$0x0] =	vst.idx.msk $0xffff, v8;
	v5 =	vor.u32 s19, v32;
	s22 =	sor.u32 $0x6000, s0;
	v4 =	vld [tilespmem:s1+$0x280];
	s1 =	simm.s32 $0x6  }
0x380: {  	[tilespmem:v10+s23+$0x0] =	vst.idx.msk $0xffff, v11;
	s29 =	sor.u32 s13, s22;
	s6 =	sand.u32 $0x7, s1  }
0x381: {  	s26 =	sor.u32 $0x7180, s12;
	v9 =	vor.u32 s15, v40;
	v8 =	vld [tilespmem:s29+$0x0];
	s16 =	sshll.u32 s6, $0x4;
	[tilespmem:v1+s23+$0x0] =	vst.idx.msk $0xffff, v0  }
0x382: {  	v10 =	vld [tilespmem:s3+$0x280];
	s6 =	sor.u32 s31, s26;
	s3 =	sadd.s32 $0x300, s16;
	[tilespmem:v6+s23+$0x0] =	vst.idx.msk $0xffff, v7  }
0x383: {  	v11 =	vor.u32 s10, v32;
	s29 =	sor.u32 s14, s22;
	v0 =	vld [tilespmem:s6+$0x0];
	s3 =	sadd.s32 $0x10, s3;
	[tilespmem:v2+s23+$0x0] =	vst.idx.msk $0xffff, v3  }
0x384: {  	v6 =	vor.u32 s24, v25;
	v2 =	vld [tilespmem:s29+$0x0];
	[tilespmem:v5+s23+$0x0] =	vst.idx.msk $0xffff, v4;
	s3 =	sor.u32 $0x300, s3  }
0x385: {  	v4 =	vld [tilespmem:s3+$0x4000];
	[tilespmem:$0x1FB00] =	vst v6  }
0x386: {  	s4 =	sor.u32 s2, s4;
	v1 =	vor.u32 s30, v50;
	[tilespmem:v9+s23+$0x0] =	vst.idx.msk $0xffff, v8;
	v8 =	vor.u32 s20, v53  }
0x387: {  	s6 =	simm.s32 $0x3;
	v3 =	vor.u32 s25, v40;
	s29 =	sor.u32 $0x6080, s0;
	v7 =	vld [tilespmem:s4+$0x0];
	[tilespmem:$0x1FB10] =	vst v8  }
0x388: {  	s22 =	sand.u32 $0x3, s6;
	v5 =	vor.u32 s19, v30;
	s6 =	sor.u32 s13, s29;
	v9 =	vor.u32 s20, v13;
	[tilespmem:v11+s23+$0x0] =	vst.idx.msk $0xffff, v10  }
0x389: {  	s16 =	sshll.u32 s22, $0x5;
	v8 =	vld [tilespmem:s6+$0x0];
	v11 =	vor.u32 s20, v25;
	[tilespmem:$0x1FB20] =	vst v9  }
0x38a: {  	s16 =	sadd.s32 $0x300, s16;
	[tilespmem:$0x1FB30] =	vst v11  }
0x38b: {  	v6 =	vor.u32 s20, v45;
	s4 =	sor.u32 $0x7200, s12;
	s16 =	sor.u32 $0x300, s16;
	[tilespmem:v1+s23+$0x0] =	vst.idx.msk $0xffff, v0  }
0x38c: {  	v26 =	vmov v13;
	v12 =	vor.u32 s20, v50;
	v23 =	vor.u32 s20, v51;
	s20 =	sor.u32 s31, s4;
	v13 =	vld [tilespmem:s16+$0x4000];
	[tilespmem:v3+s23+$0x0] =	vst.idx.msk $0xffff, v2  }
0x38d: {  	s3 =	sor.u32 s14, s29;
	[tilespmem:v5+s23+$0x0] =	vst.idx.msk $0xffff, v4;
	v4 =	vor.u32 s25, v46;
	v1 =	vld [tilespmem:s20+$0x0]  }
0x38e: {  	v10 =	vor.u32 s15, v60;
	v3 =	vld [tilespmem:s3+$0x0];
	[tilespmem:$0x1FB40] =	vst v4;
	v4 =	vor.u32 s25, v22  }
0x38f: {  	v54 =	vmov v14;
	s22 =	sor.u32 s18, s17;
	v11 =	vor.u32 s10, v30;
	[tilespmem:$0x1FB50] =	vst v4  }
0x390: {  	s24 =	sor.u32 $0x380, s22;
	v2 =	vor.u32 s30, v51;
	v5 =	vor.u32 s25, v54;
	[tilespmem:v6+s23+$0x0] =	vst.idx.msk $0xffff, v7  }
0x391: {  	v4 =	vld [tilespmem:s24+$0x4000];
	[tilespmem:$0x1FB60] =	vst v5;
	v5 =	vor.u32 s25, v47  }
0x392: {  	[tilespmem:$0x1FB70] =	vst v5  }
0x393: {  	s29 =	sor.u32 s2, s26;
	s6 =	sor.u32 $0x6100, s0;
	v0 =	vor.u32 s25, v60;
	[tilespmem:v10+s23+$0x0] =	vst.idx.msk $0xffff, v8  }
0x394: {  	s11 =	sor.u32 s11, s17;
	v15 =	vor.u32 s19, v28;
	s22 =	sor.u32 s13, s6;
	v6 =	vld [tilespmem:s29+$0x0];
	[tilespmem:v11+s23+$0x0] =	vst.idx.msk $0xffff, v13  }
0x395: {  	s11 =	sor.u32 $0x380, s11;
	[tilespmem:v2+s23+$0x0] =	vst.idx.msk $0xffff, v1;
	v1 =	vor.u32 s25, v26;
	v8 =	vld [tilespmem:s22+$0x0]  }
0x396: {  	v13 =	vld [tilespmem:s11+$0x4000];
	[tilespmem:$0x1FB80] =	vst v1;
	v1 =	vor.u32 s25, v25  }
0x397: {  	s3 =	sor.u32 $0x7280, s12;
	[tilespmem:$0x1FB90] =	vst v1  }
0x398: {  	s24 =	sor.u32 s31, s3;
	v10 =	vor.u32 s15, v42;
	[tilespmem:v0+s23+$0x0] =	vst.idx.msk $0xffff, v3  }
0x399: {  	s26 =	sor.u32 $0x5000, s28;
	s16 =	sor.u32 s14, s6;
	v16 =	vld [tilespmem:s24+$0x0];
	[tilespmem:v15+s23+$0x0] =	vst.idx.msk $0xffff, v4  }
0x39a: {  	v11 =	vor.u32 s10, v28;
	s29 =	sor.u32 s7, s26;
	v0 =	vor.u32 s10, v24;
	v15 =	vld [tilespmem:s16+$0x0];
	[tilespmem:v12+s23+$0x0] =	vst.idx.msk $0xffff, v6  }
0x39b: {  	v17 =	vor.u32 s30, v53;
	v19 =	vld [tilespmem:s29+$0x0];
	[tilespmem:$0x1FBA0] =	vst v0;
	v0 =	vor.u32 s10, v38  }
0x39c: {  	[tilespmem:$0x1FBB0] =	vst v0  }
0x39d: {  	s4 =	sor.u32 s2, s4;
	v0 =	vor.u32 s10, v40;
	[tilespmem:v10+s23+$0x0] =	vst.idx.msk $0xffff, v8  }
0x39e: {  	s6 =	sor.u32 $0x6180, s0;
	v12 =	vld [tilespmem:s4+$0x0];
	[tilespmem:$0x1FBC0] =	vst v0  }
0x39f: {  	v59 =	vor.u32 s25, v43;
	v14 =	vor.u32 s25, v42;
	s22 =	sor.u32 s13, s6;
	[tilespmem:v11+s23+$0x0] =	vst.idx.msk $0xffff, v13  }
0x3a0: {  	v56 =	vor.u32 s25, v44;
	v58 =	vor.u32 s25, v48;
	v1 =	vor.u32 s10, v46;
	s24 =	sor.u32 s8, s26;
	v11 =	vld [tilespmem:s22+$0x0];
	[tilespmem:v17+s23+$0x0] =	vst.idx.msk $0xffff, v16  }
0x3a1: {  	v8 =	vor.u32 s10, v43;
	v13 =	vor.u32 s15, v43;
	v43 =	vld [tilespmem:s24+$0x0];
	[tilespmem:$0x1FBD0] =	vst v1;
	v1 =	vor.u32 s10, v22  }
0x3a2: {  	v57 =	vor.u32 s25, v45;
	v20 =	vor.u32 s19, v31;
	[tilespmem:$0x1FBE0] =	vst v1;
	v1 =	vor.u32 s10, v54  }
0x3a3: {  	v61 =	vmovc v50;
	v55 =	vor.u32 s25, v50;
	v52 =	vor.u32 s25, v51;
	v41 =	vor.u32 s25, v53;
	s25 =	sor.u32 $0x7300, s12;
	[tilespmem:$0x1FBF0] =	vst v1  }
0x3a4: {  	v63 =	vor.u32 s10, v45;
	v62 =	vor.u32 s10, v61;
	s26 =	sor.u32 s31, s25;
	v1 =	vor.u32 s10, v47;
	[tilespmem:v14+s23+$0x0] =	vst.idx.msk $0xffff, v15  }
0x3a5: {  	v49 =	vor.u32 s10, v26;
	v18 =	vor.u32 s10, v31;
	v9 =	vor.u32 s10, v48;
	v10 =	vld [tilespmem:s26+$0x0];
	[tilespmem:$0x1FC00] =	vst v1  }
0x3a6: {  	v50 =	vor.u32 s10, v42;
	v60 =	vor.u32 s10, v60;
	v7 =	vor.u32 s10, v34;
	s11 =	sor.u32 s14, s6;
	s29 =	sor.u32 $0x5080, s28;
	[tilespmem:$0x1FC10] =	vst v9  }
0x3a7: {  	v5 =	vor.u32 s10, v36;
	v2 =	vor.u32 s10, v33;
	v33 =	vor.u32 s10, v53;
	s6 =	sor.u32 s9, s5;
	s5 =	simm.s32 $0x6;
	s20 =	sor.u32 s7, s29;
	[tilespmem:v20+s23+$0x0] =	vst.idx.msk $0xffff, v19;
	v14 =	vld [tilespmem:s11+$0x0]  }
0x3a8: {  	s12 =	sor.u32 $0x7380, s12;
	v46 =	vor.u32 s10, v25;
	v4 =	vor.u32 s10, v37;
	v3 =	vor.u32 s10, v21;
	s24 =	sor.u32 s2, s3;
	s26 =	sor.u32 $0x6200, s0;
	[tilespmem:v23+s23+$0x0] =	vst.idx.msk $0xffff, v12;
	v15 =	vld [tilespmem:s20+$0x0]  }
0x3a9: {  	s9 =	simm.s32 $0xE00;
	v6 =	vor.u32 s10, v44;
	s4 =	sor.u32 s8, s29;
	v16 =	vor.u32 s19, v34;
	s29 =	sor.u32 s13, s26;
	v19 =	vor.u32 s10, v51;
	[tilespmem:v13+s23+$0x0] =	vst.idx.msk $0xffff, v11;
	v11 =	vld [tilespmem:s24+$0x0]  }
0x3aa: {  	s25 =	sor.u32 s2, s25;
	s3 =	sor.u32 s14, s26;
	v12 =	vor.u32 s30, v26;
	[tilespmem:v18+s23+$0x0] =	vst.idx.msk $0xffff, v43;
	v13 =	vor.u32 s15, v44;
	s24 =	simm.s32 $0x4;
	v9 =	vld [tilespmem:s29+$0x0]  }
.LBB2_5:
0x3ab: {  	v17 =	vld [tilespmem:s4+$0x0]  }
0x3ac: {  	v44 =	vld [tilespmem:$0x1FEE0]  }
0x3ad: {  	v42 =	vld [tilespmem:$0x1FFF0]  }
0x3ae: {  	v51 =	vld [tilespmem:$0x1FF70]  }
0x3af: {  	s29 =	sor.u32 s31, s12;
	v43 =	vld [tilespmem:$0x1FF90];
	[tilespmem:v12+s23+$0x0] =	vst.idx.msk $0xffff, v10  }
0x3b0: {  	v10 =	vld [tilespmem:s29+$0x0]  }
0x3b1: {  	[tilespmem:v16+s23+$0x0] =	vst.idx.msk $0xffff, v15;
	v16 =	vld [tilespmem:$0x1FB10]  }
0x3b2: {  	v54 =	vld [tilespmem:$0x1FF30]  }
0x3b3: {  	s11 =	sor.u32 $0x5100, s28;
	v0 =	vmov v8;
	v61 =	vmov v58;
	v58 =	vld [tilespmem:$0x1FF60]  }
0x3b4: {  	s2 =	sor.u32 s2, s12;
	v48 =	vld [tilespmem:$0x1FF20];
	[tilespmem:$0x1FAB0] =	vst v0;
	s12 =	sor.u32 s8, s11;
	s11 =	sor.u32 s7, s11  }
0x3b5: {  	s19 =	sadd.s32 $0x400, s19;
	[tilespmem:v59+s23+$0x0] =	vst.idx.msk $0xffff, v14;
	v14 =	vld [tilespmem:s11+$0x0]  }
0x3b6: {  	v0 =	vmov v6;
	[tilespmem:v13+s23+$0x0] =	vst.idx.msk $0xffff, v9;
	v8 =	vld [tilespmem:s3+$0x0];
	s3 =	sadd.s32 $0xFFFFFE00, s19  }
0x3b7: {  	v45 =	vld [tilespmem:$0x1FF00];
	[tilespmem:$0x1FAC0] =	vst v0;
	v12 =	vor.u32 s30, v44;
	v0 =	vor.u32 s3, v31  }
0x3b8: {  	v47 =	vld [tilespmem:$0x1FF10];
	[tilespmem:$0x1FAF0] =	vst v0  }
0x3b9: {  	v53 =	vld [tilespmem:$0x1FFA0];
	[tilespmem:v16+s23+$0x0] =	vst.idx.msk $0xffff, v11;
	v11 =	vmov v41  }
0x3ba: {  	v15 =	vor.u32 s9, v36;
	s30 =	smov.u32 s15;
	s15 =	sor.u32 $0x6280, s0;
	v0 =	vmov v60;
	v60 =	vmov v57;
	v57 =	vld [tilespmem:$0x1FFB0];
	[tilespmem:$0x1FB10] =	vst v11  }
0x3bb: {  	s17 =	sadd.s32 $0x100, s17;
	s20 =	sor.u32 s13, s15;
	v9 =	vld [tilespmem:s25+$0x0];
	[tilespmem:v7+s23+$0x0] =	vst.idx.msk $0xffff, v17  }
0x3bc: {  	s18 =	sadd.s32 $0x20, s18;
	s22 =	sand.u32 $0xC00, s17;
	v7 =	vld [tilespmem:s20+$0x0];
	v11 =	vor.u32 s30, v42;
	[tilespmem:v12+s23+$0x0] =	vst.idx.msk $0xffff, v10;
	v10 =	vor.u32 s3, v27  }
0x3bd: {  	s16 =	sand.u32 $0x70, s18;
	s25 =	sor.u32 $0x4000, s22;
	v6 =	vand.u32 v29, v10;
	v10 =	vld [tilespmem:$0x1FB20]  }
0x3be: {  	s31 =	smov.u32 s28;
	s28 =	sor.u32 $0x5180, s28;
	v12 =	vld [tilespmem:$0x1FFD0];
	s26 =	sor.u32 s16, s25  }
0x3bf: {  	s20 =	sor.u32 s7, s28;
	v18 =	vld [tilespmem:s26+$0x0];
	[tilespmem:v15+s23+$0x0] =	vst.idx.msk $0xffff, v14  }
0x3c0: {  	v20 =	vld [tilespmem:s20+$0x0]  }
0x3c1: {  	[tilespmem:v11+s23+$0x0] =	vst.idx.msk $0xffff, v7;
	v11 =	vld [tilespmem:$0x1FB00]  }
0x3c2: {  	v13 =	vor.u32 s19, v27;
	v16 =	vld [tilespmem:s12+$0x0]  }
0x3c3: {  	s10 =	sand.u32 $0x3, s24;
	s29 =	sadd.s32 $0xFFFFFFF0, s18;
	v41 =	vld [tilespmem:$0x1FEB0];
	[tilespmem:v56+s23+$0x0] =	vst.idx.msk $0xffff, v8;
	v13 =	vand.u32 v12, v13  }
0x3c4: {  	s10 =	sshll.u32 s10, $0x5;
	s4 =	sand.u32 $0x60, s29;
	v8 =	vld [tilespmem:s6+$0x0]  }
0x3c5: {  	v22 =	vor.u32 s9, v37;
	s11 =	sor.u32 s4, s25;
	s12 =	sor.u32 s29, s17;
	s29 =	sor.u32 $0x6300, s0;
	v56 =	vmov v55;
	v55 =	vld [tilespmem:$0x1FFE0];
	[tilespmem:v10+s23+$0x0] =	vst.idx.msk $0xffff, v9  }
0x3c6: {  	s10 =	sadd.s32 s10, s17;
	s6 =	sor.u32 s13, s29;
	v26 =	vld [tilespmem:s11+$0x0]  }
0x3c7: {  	s28 =	sor.u32 s8, s28;
	v27 =	vor.u32 s30, v43;
	s25 =	sor.u32 $0x300, s10;
	[tilespmem:v5+s23+$0x0] =	vst.idx.msk $0xffff, v16;
	v16 =	vld [tilespmem:s6+$0x0]  }
0x3c8: {  	s10 =	smov.u32 s31;
	s31 =	smov.u32 s13;
	s13 =	smov.u32 s7;
	[tilespmem:v13+s23+$0x0] =	vst.idx.msk $0xffff, v18;
	v13 =	vld [tilespmem:s28+$0x0]  }
0x3c9: {  	v14 =	vor.u32 s3, v32;
	v32 =	vor.u32 s19, v39;
	s20 =	sor.u32 s14, s15;
	s6 =	smov.u32 s2;
	s2 =	sor.u32 $0x5200, s10;
	v31 =	vld [tilespmem:s26+$0x80];
	[tilespmem:v11+s23+$0x0] =	vst.idx.msk $0xffff, v8  }
0x3ca: {  	v7 =	vor.u32 s3, v34;
	s28 =	smov.u32 s22;
	s22 =	sor.u32 s8, s2;
	[tilespmem:v22+s23+$0x0] =	vst.idx.msk $0xffff, v20;
	s2 =	sor.u32 s13, s2;
	v34 =	vld [tilespmem:s20+$0x0]  }
0x3cb: {  	s7 =	smov.u32 s16;
	s16 =	sor.u32 $0x6380, s0;
	[tilespmem:v6+s23+$0x0] =	vst.idx.msk $0xffff, v26;
	v26 =	vld [tilespmem:s2+$0x0];
	s2 =	smov.u32 s14  }
0x3cc: {  	v10 =	vld [tilespmem:$0x1FB80];
	[tilespmem:v27+s23+$0x0] =	vst.idx.msk $0xffff, v16;
	s20 =	sor.u32 s2, s16;
	s16 =	sor.u32 s31, s16  }
0x3cd: {  	[tilespmem:$0x1FAD0] =	vst v52;
	v52 =	vmov v33;
	v25 =	vor.u32 s3, v39;
	v39 =	vld [tilespmem:s16+$0x0]  }
0x3ce: {  	s15 =	smov.u32 s9;
	v23 =	vor.u32 s3, v41;
	[tilespmem:v32+s23+$0x0] =	vst.idx.msk $0xffff, v31;
	v32 =	vor.u32 s19, v41;
	v41 =	vmov v52;
	v52 =	vld [tilespmem:$0x1FB40]  }
0x3cf: {  	v17 =	vor.u32 s3, v35;
	v29 =	vor.u32 s3, v54;
	v35 =	vor.u32 s15, v54;
	v54 =	vld [tilespmem:$0x1FFC0]  }
0x3d0: {  	v11 =	vld [tilespmem:$0x1FB30]  }
0x3d1: {  	v20 =	vld [tilespmem:$0x1FED0]  }
0x3d2: {  	v8 =	vmov v46;
	v46 =	vor.u32 s3, v42;
	v42 =	vld [tilespmem:$0x1FEC0]  }
0x3d3: {  	v5 =	vor.u32 s3, v36;
	v9 =	vmovc v10;
	v10 =	vor.u32 s3, v28;
	v28 =	vor.u32 s3, v37;
	v36 =	vld [tilespmem:s11+$0x80];
	[tilespmem:v4+s23+$0x0] =	vst.idx.msk $0xffff, v13  }
0x3d4: {  	v4 =	vmov v28;
	v28 =	vld [tilespmem:s22+$0x0]  }
0x3d5: {  	[tilespmem:$0x1FAE0] =	vst v19;
	v59 =	vmov v11;
	v11 =	vld [tilespmem:$0x1FB90]  }
0x3d6: {  	[tilespmem:v52+s23+$0x0] =	vst.idx.msk $0xffff, v34;
	v34 =	vld [tilespmem:$0x1FBD0]  }
0x3d7: {  	v37 =	vor.u32 s3, v43;
	v43 =	vld [tilespmem:$0x1FEF0];
	[tilespmem:$0x1FB20] =	vst v9;
	v9 =	vmov v49  }
0x3d8: {  	v49 =	vld [tilespmem:$0x1FF40];
	[tilespmem:$0x1FB80] =	vst v9  }
0x3d9: {  	v18 =	vor.u32 s3, v40;
	v40 =	vor.u32 s30, v20;
	[tilespmem:$0x1FB90] =	vst v8;
	v31 =	vld [tilespmem:s26+$0x100]  }
0x3da: {  	v21 =	vor.u32 s3, v51;
	v12 =	vor.u32 s3, v30;
	[tilespmem:$0x1FB00] =	vst v59;
	v59 =	vld [tilespmem:$0x1FF80]  }
0x3db: {  	v30 =	vor.u32 s3, v58;
	[tilespmem:v35+s23+$0x0] =	vst.idx.msk $0xffff, v26;
	v1 =	vmovc v11;
	v52 =	vmovc v34;
	v34 =	vor.u32 s15, v58;
	v58 =	vor.u32 s19, v51;
	v51 =	vld [tilespmem:$0x1FB50]  }
0x3dc: {  	s29 =	sor.u32 s14, s29;
	s16 =	sor.u32 $0x5280, s10;
	v9 =	vmov v50;
	v50 =	vld [tilespmem:$0x1FF50];
	[tilespmem:$0x1FB30] =	vst v1  }
0x3dd: {  	s14 =	smov.u32 s8;
	s8 =	smov.u32 s4;
	s4 =	sor.u32 s13, s16;
	v26 =	vld [tilespmem:s29+$0x0];
	[tilespmem:v25+s23+$0x0] =	vst.idx.msk $0xffff, v36  }
0x3de: {  	v25 =	vld [tilespmem:s4+$0x0];
	s29 =	sor.u32 $0x7000, s0;
	[tilespmem:v40+s23+$0x0] =	vst.idx.msk $0xffff, v39  }
0x3df: {  	v19 =	vor.u32 s3, v38;
	v35 =	vld [tilespmem:s11+$0x100];
	s4 =	sor.u32 s31, s29;
	[tilespmem:v3+s23+$0x0] =	vst.idx.msk $0xffff, v28  }
0x3e0: {  	v33 =	vor.u32 s3, v53;
	v24 =	vor.u32 s3, v57;
	s22 =	sor.u32 s14, s16;
	v36 =	vor.u32 s30, v55;
	v28 =	vld [tilespmem:s4+$0x0];
	[tilespmem:v32+s23+$0x0] =	vst.idx.msk $0xffff, v31  }
0x3e1: {  	v22 =	vor.u32 s3, v45;
	v6 =	vor.u32 s3, v48;
	v27 =	vor.u32 s3, v55;
	v3 =	vmovc v29;
	v29 =	vld [tilespmem:s22+$0x0];
	[tilespmem:$0x1FB40] =	vst v52;
	v52 =	vmovc v46  }
0x3e2: {  	v38 =	vor.u32 s3, v20;
	v20 =	vor.u32 s3, v47;
	v13 =	vor.u32 s3, v54;
	v31 =	vld [tilespmem:s26+$0x180];
	[tilespmem:$0x1FBD0] =	vst v52  }
0x3e3: {  	v16 =	vor.u32 s3, v43;
	v8 =	vor.u32 s3, v49;
	v15 =	vor.u32 s3, v59;
	s4 =	sor.u32 $0x5300, s10;
	[tilespmem:v51+s23+$0x0] =	vst.idx.msk $0xffff, v26;
	v51 =	vld [tilespmem:$0x1FB60]  }
0x3e4: {  	v1 =	vor.u32 s3, v42;
	v11 =	vor.u32 s3, v50;
	v46 =	vor.u32 s3, v44;
	s3 =	sor.u32 s13, s4;
	v52 =	vld [tilespmem:$0x1FBE0];
	[tilespmem:v34+s23+$0x0] =	vst.idx.msk $0xffff, v25  }
0x3e5: {  	s16 =	sor.u32 s2, s29;
	s29 =	sor.u32 $0x7080, s0;
	v55 =	vld [tilespmem:s3+$0x0];
	[tilespmem:v36+s23+$0x0] =	vst.idx.msk $0xffff, v28;
	v26 =	vmov v37  }
0x3e6: {  	s3 =	sor.u32 s31, s29;
	[tilespmem:$0x1FBE0] =	vst v26;
	v25 =	vld [tilespmem:s20+$0x0]  }
0x3e7: {  	v28 =	vld [tilespmem:s3+$0x0];
	[tilespmem:v23+s23+$0x0] =	vst.idx.msk $0xffff, v35;
	v26 =	vor.u32 s15, v57  }
0x3e8: {  	[tilespmem:v58+s23+$0x0] =	vst.idx.msk $0xffff, v31;
	v57 =	vld [tilespmem:s11+$0x180]  }
0x3e9: {  	v31 =	vld [tilespmem:s26+$0x200];
	[tilespmem:v2+s23+$0x0] =	vst.idx.msk $0xffff, v29;
	v29 =	vor.u32 s30, v45  }
0x3ea: {  	s22 =	sor.u32 s14, s4;
	v35 =	vld [tilespmem:$0x1FE10]  }
0x3eb: {  	s4 =	sor.u32 $0x5380, s10;
	v2 =	vmov v30;
	v30 =	vld [tilespmem:s22+$0x0];
	[tilespmem:v51+s23+$0x0] =	vst.idx.msk $0xffff, v25  }
0x3ec: {  	s3 =	sor.u32 s13, s4;
	[tilespmem:v26+s23+$0x0] =	vst.idx.msk $0xffff, v55;
	v55 =	vld [tilespmem:s16+$0x0]  }
0x3ed: {  	[tilespmem:v21+s23+$0x0] =	vst.idx.msk $0xffff, v57;
	v57 =	vld [tilespmem:s3+$0x0]  }
0x3ee: {  	[tilespmem:v29+s23+$0x0] =	vst.idx.msk $0xffff, v28;
	v28 =	vld [tilespmem:$0x1FBA0];
	_ =	sdelay $0x3  }
0x3ef: {  	v58 =	vor.u32 s19, v35;
	_ =	sdelay $0x1  }
0x3f0: {  	s20 =	sor.u32 s2, s29;
	s29 =	sor.u32 $0x7100, s0  }
0x3f1: {  	s3 =	sor.u32 s31, s29;
	v26 =	vld [tilespmem:s11+$0x200]  }
0x3f2: {  	[tilespmem:v28+s23+$0x0] =	vst.idx.msk $0xffff, v30;
	v28 =	vld [tilespmem:s3+$0x0]  }
0x3f3: {  	[tilespmem:v58+s23+$0x0] =	vst.idx.msk $0xffff, v31;
	v58 =	vld [tilespmem:$0x1FB70];
	_ =	sdelay $0x3  }
0x3f4: {  	v32 =	vld [tilespmem:$0x1FE20]  }
0x3f5: {  	v25 =	vmov v38;
	v38 =	vld [tilespmem:$0x1FE90]  }
0x3f6: {  	v44 =	vmov v52;
	v52 =	vld [tilespmem:$0x1FBF0]  }
0x3f7: {  	v23 =	vld [tilespmem:$0x1FC00];
	s22 =	sor.u32 s14, s4  }
0x3f8: {  	v30 =	vmov v24;
	v24 =	vld [tilespmem:s22+$0x0];
	[tilespmem:v58+s23+$0x0] =	vst.idx.msk $0xffff, v55  }
0x3f9: {  	[tilespmem:$0x1FBF0] =	vst v25;
	v45 =	vld [tilespmem:s20+$0x0]  }
0x3fa: {  	v25 =	vor.u32 s15, v38;
	[tilespmem:v17+s23+$0x0] =	vst.idx.msk $0xffff, v26;
	v26 =	vld [tilespmem:$0x1FBB0];
	_ =	sdelay $0x1  }
0x3fb: {  	[tilespmem:$0x1FB50] =	vst v44;
	v44 =	vmov v52;
	v29 =	vor.u32 s30, v47  }
0x3fc: {  	[tilespmem:$0x1FB60] =	vst v44  }
0x3fd: {  	s4 =	sor.u32 $0x6000, s10;
	v31 =	vor.u32 s19, v32;
	[tilespmem:$0x1FBA0] =	vst v30;
	v30 =	vld [tilespmem:s26+$0x280]  }
0x3fe: {  	v40 =	vld [tilespmem:$0x1FEA0];
	v44 =	vmov v23;
	s3 =	sor.u32 s13, s4;
	[tilespmem:v25+s23+$0x0] =	vst.idx.msk $0xffff, v57  }
0x3ff: {  	s16 =	sor.u32 s2, s29;
	s29 =	sor.u32 $0x7180, s0;
	[tilespmem:$0x1FB70] =	vst v44;
	v17 =	vld [tilespmem:s3+$0x0]  }
0x400: {  	[tilespmem:v29+s23+$0x0] =	vst.idx.msk $0xffff, v28;
	s3 =	sor.u32 s31, s29;
	v25 =	vld [tilespmem:s11+$0x280]  }
0x401: {  	s1 =	sadd.s32 $0x2, s1;
	[tilespmem:v26+s23+$0x0] =	vst.idx.msk $0xffff, v24;
	v24 =	vld [tilespmem:s3+$0x0]  }
0x402: {  	v44 =	vmov v27;
	s22 =	sand.u32 $0x7, s1;
	[tilespmem:v31+s23+$0x0] =	vst.idx.msk $0xffff, v30;
	v30 =	vld [tilespmem:$0x1FE30]  }
0x403: {  	v47 =	vor.u32 s15, v40;
	[tilespmem:$0x1FC00] =	vst v44;
	s26 =	sor.u32 s14, s4;
	v44 =	vld [tilespmem:$0x1FBC0];
	s4 =	sshll.u32 s22, $0x4  }
0x404: {  	s4 =	sadd.s32 s17, s4  }
0x405: {  	v27 =	vmov v19;
	s4 =	sadd.s32 $0x10, s4;
	v26 =	vor.u32 s30, v43  }
0x406: {  	[tilespmem:$0x1FBB0] =	vst v27;
	s20 =	sor.u32 $0x300, s4;
	v19 =	vld [tilespmem:s26+$0x0]  }
0x407: {  	v27 =	vld [tilespmem:s20+$0x4000];
	s26 =	sor.u32 $0x6080, s10;
	[tilespmem:v61+s23+$0x0] =	vst.idx.msk $0xffff, v45;
	v28 =	vor.u32 s19, v30  }
0x408: {  	[tilespmem:v47+s23+$0x0] =	vst.idx.msk $0xffff, v17;
	s3 =	sor.u32 s13, s26;
	v17 =	vld [tilespmem:s16+$0x0]  }
0x409: {  	s20 =	sor.u32 $0x7200, s0;
	[tilespmem:v14+s23+$0x0] =	vst.idx.msk $0xffff, v25;
	v14 =	vld [tilespmem:s3+$0x0]  }
0x40a: {  	v43 =	vld [tilespmem:s25+$0x4000];
	s3 =	sor.u32 s31, s20;
	[tilespmem:v26+s23+$0x0] =	vst.idx.msk $0xffff, v24  }
0x40b: {  	[tilespmem:v44+s23+$0x0] =	vst.idx.msk $0xffff, v19;
	v19 =	vld [tilespmem:s3+$0x0]  }
0x40c: {  	v55 =	vor.u32 s15, v59;
	[tilespmem:v28+s23+$0x0] =	vst.idx.msk $0xffff, v27;
	v28 =	vld [tilespmem:$0x1FE40];
	_ =	sdelay $0x1  }
0x40d: {  	v39 =	vld [tilespmem:$0x1FE00];
	s22 =	sor.u32 s18, s17;
	s11 =	sor.u32 s2, s29;
	v45 =	vor.u32 s30, v54;
	s29 =	sor.u32 s14, s26;
	v24 =	vmov v18  }
0x40e: {  	s25 =	sor.u32 $0x380, s22;
	[tilespmem:$0x1FBC0] =	vst v24;
	v18 =	vld [tilespmem:s29+$0x0]  }
0x40f: {  	s26 =	sor.u32 $0x6100, s10;
	[tilespmem:v60+s23+$0x0] =	vst.idx.msk $0xffff, v17;
	v24 =	vld [tilespmem:s25+$0x4000]  }
0x410: {  	s3 =	sor.u32 s13, s26;
	[tilespmem:v55+s23+$0x0] =	vst.idx.msk $0xffff, v14;
	v14 =	vld [tilespmem:s11+$0x0];
	v25 =	vor.u32 s19, v28  }
0x411: {  	s12 =	sor.u32 $0x380, s12;
	[tilespmem:v12+s23+$0x0] =	vst.idx.msk $0xffff, v43;
	v12 =	vld [tilespmem:s3+$0x0]  }
0x412: {  	v57 =	vmov v63;
	v63 =	vmov v20;
	s16 =	sor.u32 s2, s20;
	s20 =	sor.u32 $0x7280, s0;
	v17 =	vor.u32 s15, v50;
	v20 =	vld [tilespmem:s12+$0x4000];
	[tilespmem:v45+s23+$0x0] =	vst.idx.msk $0xffff, v19  }
0x413: {  	s3 =	sor.u32 s31, s20;
	[tilespmem:v0+s23+$0x0] =	vst.idx.msk $0xffff, v18;
	v0 =	vld [tilespmem:$0x1FAD0]  }
0x414: {  	s22 =	sor.u32 $0x5000, s28;
	s29 =	sor.u32 s14, s26;
	v18 =	vld [tilespmem:s3+$0x0]  }
0x415: {  	v60 =	vmov v15;
	s12 =	sor.u32 s7, s22;
	v15 =	vld [tilespmem:s29+$0x0];
	[tilespmem:v25+s23+$0x0] =	vst.idx.msk $0xffff, v24  }
0x416: {  	[tilespmem:v56+s23+$0x0] =	vst.idx.msk $0xffff, v14;
	v21 =	vld [tilespmem:s12+$0x0]  }
0x417: {  	[tilespmem:v17+s23+$0x0] =	vst.idx.msk $0xffff, v12;
	v17 =	vld [tilespmem:s16+$0x0]  }
0x418: {  	v34 =	vld [tilespmem:$0x1FE60]  }
0x419: {  	v31 =	vld [tilespmem:$0x1FE50];
	s26 =	sor.u32 $0x6180, s10;
	s25 =	sor.u32 s8, s22;
	[tilespmem:v10+s23+$0x0] =	vst.idx.msk $0xffff, v20  }
0x41a: {  	s29 =	sor.u32 s14, s26;
	v24 =	vld [tilespmem:s25+$0x0];
	[tilespmem:v9+s23+$0x0] =	vst.idx.msk $0xffff, v15  }
0x41b: {  	v14 =	vld [tilespmem:s29+$0x0]  }
0x41c: {  	[tilespmem:v0+s23+$0x0] =	vst.idx.msk $0xffff, v17;
	v0 =	vld [tilespmem:$0x1FAE0]  }
0x41d: {  	v36 =	vld [tilespmem:$0x1FE70]  }
0x41e: {  	v37 =	vld [tilespmem:$0x1FE80];
	v52 =	vmov v22  }
0x41f: {  	v51 =	vld [tilespmem:$0x1FC10]  }
0x420: {  	v59 =	vld [tilespmem:$0x1FAB0];
	v19 =	vor.u32 s30, v53  }
0x421: {  	[tilespmem:$0x1FC10] =	vst v52;
	v47 =	vor.u32 s19, v31;
	v52 =	vmov v0;
	v0 =	vld [tilespmem:$0x1FAF0]  }
0x422: {  	v29 =	vld [tilespmem:$0x1FDF0];
	s4 =	sor.u32 s13, s26  }
0x423: {  	s5 =	sadd.s32 $0x2, s5;
	v61 =	vor.u32 s15, v49;
	v20 =	vld [tilespmem:s4+$0x0]  }
0x424: {  	p0 =	slt.u32 s5, $0x1E;
	v27 =	vld [tilespmem:$0x1FDE0];
	s11 =	sor.u32 s2, s20;
	s16 =	sor.u32 $0x7300, s0  }
.Ltmp1:
0x425: {  	s22 =	sor.u32 $0x5080, s28;
	v56 =	vld [tilespmem:$0x1FAC0];
	[tilespmem:v19+s23+$0x0] =	vst.idx.msk $0xffff, v18;
	s20 =	sor.u32 s31, s16;
	(pc) =	sbr.rel @p0 .LBB2_5-.Ltmp1, $4  }
0x426: {  	s26 =	sor.u32 s7, s22;
	v10 =	vld [tilespmem:s20+$0x0];
	[tilespmem:v47+s23+$0x0] =	vst.idx.msk $0xffff, v21  }
0x427: {  	s24 =	sadd.s32 $0x1, s24;
	s9 =	smov.u32 s19;
	s29 =	sor.u32 $0x6200, s10;
	v15 =	vld [tilespmem:s26+$0x0]  }
0x428: {  	v50 =	vmovc v11;
	v55 =	vmov v62;
	v62 =	vmov v16;
	v16 =	vor.u32 s19, v34;
	s25 =	sor.u32 s2, s16;
	s4 =	sor.u32 s8, s22;
	s12 =	sor.u32 s13, s29;
	[tilespmem:v61+s23+$0x0] =	vst.idx.msk $0xffff, v20;
	v11 =	vld [tilespmem:s11+$0x0]  }
0x429: {  	v58 =	vmovc v51;
	v49 =	vmovc v1;
	v12 =	vor.u32 s30, v42;
	v19 =	vmov v13;
	v13 =	vor.u32 s15, v48;
	s3 =	sor.u32 s14, s29;
	v9 =	vld [tilespmem:s12+$0x0];
	s12 =	sor.u32 $0x7380, s0;
	s0 =	smov.u32 s10;
	[tilespmem:v0+s23+$0x0] =	vst.idx.msk $0xffff, v24  }
0x42a: {  	_ =	sdelay $0x2  }
0x42b: {  	s1 =	sor.u32 $0x5100, s28  }
0x42c: {  	v17 =	vld [tilespmem:s4+$0x0];
	s20 =	sor.u32 s7, s1;
	[tilespmem:v16+s23+$0x0] =	vst.idx.msk $0xffff, v15  }
0x42d: {  	v16 =	vor.u32 s9, v36;
	v15 =	vld [tilespmem:s20+$0x0];
	_ =	sdelay $0x3  }
0x42e: {  	s22 =	sor.u32 $0x5180, s28;
	s1 =	sor.u32 s8, s1;
	[tilespmem:v7+s23+$0x0] =	vst.idx.msk $0xffff, v17  }
0x42f: {  	s24 =	sor.u32 s7, s22;
	v7 =	vld [tilespmem:s1+$0x0];
	[tilespmem:v16+s23+$0x0] =	vst.idx.msk $0xffff, v15  }
0x430: {  	v16 =	vor.u32 s9, v37;
	v15 =	vld [tilespmem:s24+$0x0];
	_ =	sdelay $0x3  }
0x431: {  	[tilespmem:v5+s23+$0x0] =	vst.idx.msk $0xffff, v7  }
0x432: {  	[tilespmem:v16+s23+$0x0] =	vst.idx.msk $0xffff, v15  }
0x433: {  	v21 =	vld [tilespmem:$0x1FF30];
	_ =	sdelay $0x2  }
0x434: {  	s26 =	sor.u32 $0x5200, s28;
	s1 =	sor.u32 s8, s22  }
0x435: {  	s29 =	sor.u32 s7, s26;
	v5 =	vld [tilespmem:s1+$0x0]  }
0x436: {  	v47 =	vld [tilespmem:s29+$0x0];
	v15 =	vor.u32 s9, v21;
	_ =	sdelay $0x3  }
0x437: {  	[tilespmem:v4+s23+$0x0] =	vst.idx.msk $0xffff, v5  }
0x438: {  	[tilespmem:v15+s23+$0x0] =	vst.idx.msk $0xffff, v47  }
0x439: {  	v23 =	vld [tilespmem:$0x1FF60];
	_ =	sdelay $0x2  }
0x43a: {  	s5 =	sor.u32 $0x5280, s28;
	s1 =	sor.u32 s8, s26  }
0x43b: {  	s10 =	sor.u32 s7, s5;
	v4 =	vld [tilespmem:s1+$0x0]  }
0x43c: {  	v48 =	vld [tilespmem:s10+$0x0];
	v51 =	vor.u32 s9, v23;
	_ =	sdelay $0x3  }
0x43d: {  	[tilespmem:v3+s23+$0x0] =	vst.idx.msk $0xffff, v4  }
0x43e: {  	[tilespmem:v51+s23+$0x0] =	vst.idx.msk $0xffff, v48  }
0x43f: {  	v25 =	vld [tilespmem:$0x1FFB0];
	_ =	sdelay $0x2  }
0x440: {  	s11 =	sor.u32 $0x5300, s28;
	s1 =	sor.u32 s8, s5  }
0x441: {  	s16 =	sor.u32 s7, s11;
	v3 =	vld [tilespmem:s1+$0x0]  }
0x442: {  	v53 =	vld [tilespmem:s16+$0x0];
	v54 =	vor.u32 s9, v25;
	_ =	sdelay $0x3  }
0x443: {  	[tilespmem:v2+s23+$0x0] =	vst.idx.msk $0xffff, v3  }
0x444: {  	[tilespmem:v54+s23+$0x0] =	vst.idx.msk $0xffff, v53  }
0x445: {  	s17 =	sor.u32 $0x5380, s28;
	v0 =	vld [tilespmem:$0x1FBA0]  }
0x446: {  	s18 =	sor.u32 s7, s17  }
0x447: {  	v18 =	vor.u32 s9, v38;
	s1 =	sor.u32 s8, s11;
	v61 =	vld [tilespmem:s18+$0x0]  }
0x448: {  	v2 =	vld [tilespmem:s1+$0x0];
	_ =	sdelay $0x3  }
0x449: {  	[tilespmem:v18+s23+$0x0] =	vst.idx.msk $0xffff, v61  }
0x44a: {  	[tilespmem:v0+s23+$0x0] =	vst.idx.msk $0xffff, v2  }
0x44b: {  	s19 =	sor.u32 $0x6000, s28;
	v1 =	vld [tilespmem:$0x1FBB0]  }
0x44c: {  	s20 =	sor.u32 s7, s19  }
0x44d: {  	v43 =	vor.u32 s9, v40;
	s1 =	sor.u32 s8, s17;
	v42 =	vld [tilespmem:s20+$0x0]  }
0x44e: {  	v0 =	vld [tilespmem:s1+$0x0];
	_ =	sdelay $0x3  }
0x44f: {  	[tilespmem:v43+s23+$0x0] =	vst.idx.msk $0xffff, v42  }
0x450: {  	[tilespmem:v1+s23+$0x0] =	vst.idx.msk $0xffff, v0  }
0x451: {  	v24 =	vld [tilespmem:$0x1FF80]  }
0x452: {  	v1 =	vld [tilespmem:$0x1FBC0];
	_ =	sdelay $0x1  }
0x453: {  	s22 =	sor.u32 $0x6080, s28;
	s1 =	sor.u32 s8, s19  }
0x454: {  	s24 =	sor.u32 s7, s22;
	v0 =	vld [tilespmem:s1+$0x0]  }
0x455: {  	v2 =	vld [tilespmem:s24+$0x0];
	v44 =	vor.u32 s9, v24;
	_ =	sdelay $0x3  }
0x456: {  	[tilespmem:v1+s23+$0x0] =	vst.idx.msk $0xffff, v0  }
0x457: {  	[tilespmem:v44+s23+$0x0] =	vst.idx.msk $0xffff, v2  }
0x458: {  	v42 =	vld [tilespmem:$0x1FF50];
	_ =	sdelay $0x2  }
0x459: {  	s26 =	sor.u32 $0x6100, s28;
	s1 =	sor.u32 s8, s22  }
0x45a: {  	s29 =	sor.u32 s7, s26;
	v0 =	vld [tilespmem:s1+$0x0]  }
0x45b: {  	v45 =	vld [tilespmem:s29+$0x0];
	v47 =	vor.u32 s9, v42;
	_ =	sdelay $0x3  }
0x45c: {  	[tilespmem:v60+s23+$0x0] =	vst.idx.msk $0xffff, v0  }
0x45d: {  	[tilespmem:v47+s23+$0x0] =	vst.idx.msk $0xffff, v45  }
0x45e: {  	v43 =	vld [tilespmem:$0x1FF40];
	_ =	sdelay $0x1  }
0x45f: {  	s1 =	sor.u32 s8, s26  }
0x460: {  	s5 =	sor.u32 $0x6180, s28;
	v0 =	vld [tilespmem:s1+$0x0]  }
0x461: {  	s10 =	sor.u32 s7, s5  }
0x462: {  	v1 =	vld [tilespmem:s10+$0x0];
	v48 =	vor.u32 s9, v43;
	_ =	sdelay $0x2  }
0x463: {  	s1 =	sor.u32 s8, s5;
	[tilespmem:v50+s23+$0x0] =	vst.idx.msk $0xffff, v0  }
0x464: {  	[tilespmem:v59+s23+$0x0] =	vst.idx.msk $0xffff, v14;
	v0 =	vld [tilespmem:s1+$0x0]  }
0x465: {  	[tilespmem:v48+s23+$0x0] =	vst.idx.msk $0xffff, v1  }
0x466: {  	v44 =	vld [tilespmem:$0x1FF20];
	_ =	sdelay $0x1  }
0x467: {  	s11 =	sor.u32 $0x6200, s28  }
0x468: {  	s16 =	sor.u32 s7, s11;
	[tilespmem:v8+s23+$0x0] =	vst.idx.msk $0xffff, v0  }
0x469: {  	v1 =	vld [tilespmem:s16+$0x0];
	[tilespmem:v13+s23+$0x0] =	vst.idx.msk $0xffff, v9  }
0x46a: {  	v8 =	vld [tilespmem:$0x1FFF0];
	v50 =	vor.u32 s9, v44;
	_ =	sdelay $0x2  }
0x46b: {  	s17 =	sor.u32 $0x6280, s0;
	v51 =	vld [tilespmem:s3+$0x0];
	s1 =	sor.u32 s8, s11  }
0x46c: {  	s18 =	sor.u32 s13, s17;
	s19 =	sor.u32 $0x6280, s28;
	v53 =	vld [tilespmem:s1+$0x0]  }
0x46d: {  	s20 =	sor.u32 s7, s19;
	v54 =	vld [tilespmem:s18+$0x0];
	v59 =	vor.u32 s15, v8;
	[tilespmem:v50+s23+$0x0] =	vst.idx.msk $0xffff, v1  }
0x46e: {  	v61 =	vor.u32 s9, v8;
	v60 =	vld [tilespmem:s20+$0x0];
	_ =	sdelay $0x1  }
0x46f: {  	[tilespmem:v56+s23+$0x0] =	vst.idx.msk $0xffff, v51  }
0x470: {  	[tilespmem:v6+s23+$0x0] =	vst.idx.msk $0xffff, v53  }
0x471: {  	[tilespmem:v59+s23+$0x0] =	vst.idx.msk $0xffff, v54  }
0x472: {  	v26 =	vld [tilespmem:$0x1FF90];
	[tilespmem:v61+s23+$0x0] =	vst.idx.msk $0xffff, v60  }
0x473: {  	v0 =	vld [tilespmem:$0x1FB40];
	_ =	sdelay $0x1  }
0x474: {  	s3 =	sor.u32 s14, s17  }
0x475: {  	v9 =	vld [tilespmem:s3+$0x0];
	_ =	sdelay $0x4  }
0x476: {  	[tilespmem:v0+s23+$0x0] =	vst.idx.msk $0xffff, v9  }
0x477: {  	s22 =	sor.u32 $0x6300, s0;
	v2 =	vld [tilespmem:$0x1FBD0]  }
0x478: {  	s24 =	sor.u32 s13, s22  }
0x479: {  	s26 =	sor.u32 $0x6300, s28;
	s1 =	sor.u32 s8, s19;
	v4 =	vld [tilespmem:s24+$0x0];
	v18 =	vor.u32 s15, v26  }
0x47a: {  	s29 =	sor.u32 s7, s26;
	v3 =	vld [tilespmem:s1+$0x0]  }
0x47b: {  	v45 =	vld [tilespmem:s29+$0x0];
	v47 =	vor.u32 s9, v26;
	_ =	sdelay $0x2  }
0x47c: {  	[tilespmem:v18+s23+$0x0] =	vst.idx.msk $0xffff, v4  }
0x47d: {  	[tilespmem:v2+s23+$0x0] =	vst.idx.msk $0xffff, v3  }
0x47e: {  	v14 =	vld [tilespmem:$0x1FED0];
	[tilespmem:v47+s23+$0x0] =	vst.idx.msk $0xffff, v45  }
0x47f: {  	v0 =	vld [tilespmem:$0x1FB50];
	_ =	sdelay $0x1  }
0x480: {  	s3 =	sor.u32 s14, s22  }
0x481: {  	v48 =	vld [tilespmem:s3+$0x0];
	_ =	sdelay $0x4  }
0x482: {  	[tilespmem:v0+s23+$0x0] =	vst.idx.msk $0xffff, v48  }
0x483: {  	s5 =	sor.u32 $0x6380, s0;
	v2 =	vld [tilespmem:$0x1FBE0]  }
0x484: {  	s10 =	sor.u32 s13, s5  }
0x485: {  	s11 =	sor.u32 $0x6380, s28;
	s1 =	sor.u32 s8, s26;
	v4 =	vld [tilespmem:s10+$0x0];
	v50 =	vor.u32 s15, v14  }
0x486: {  	s16 =	sor.u32 s7, s11;
	v3 =	vld [tilespmem:s1+$0x0]  }
0x487: {  	v51 =	vld [tilespmem:s16+$0x0];
	v53 =	vor.u32 s9, v14;
	_ =	sdelay $0x2  }
0x488: {  	[tilespmem:v50+s23+$0x0] =	vst.idx.msk $0xffff, v4  }
0x489: {  	[tilespmem:v2+s23+$0x0] =	vst.idx.msk $0xffff, v3  }
0x48a: {  	v47 =	vld [tilespmem:$0x1FFE0];
	[tilespmem:v53+s23+$0x0] =	vst.idx.msk $0xffff, v51  }
0x48b: {  	v0 =	vld [tilespmem:$0x1FB60];
	_ =	sdelay $0x1  }
0x48c: {  	s3 =	sor.u32 s14, s5  }
0x48d: {  	v54 =	vld [tilespmem:s3+$0x0];
	_ =	sdelay $0x4  }
0x48e: {  	[tilespmem:v0+s23+$0x0] =	vst.idx.msk $0xffff, v54  }
0x48f: {  	s17 =	sor.u32 $0x7000, s0;
	v2 =	vld [tilespmem:$0x1FBF0]  }
0x490: {  	s18 =	sor.u32 s13, s17  }
0x491: {  	s19 =	sor.u32 $0x7000, s28;
	s1 =	sor.u32 s8, s11;
	v4 =	vld [tilespmem:s18+$0x0];
	v56 =	vor.u32 s15, v47  }
0x492: {  	s20 =	sor.u32 s7, s19;
	v3 =	vld [tilespmem:s1+$0x0]  }
0x493: {  	v59 =	vld [tilespmem:s20+$0x0];
	v60 =	vor.u32 s9, v47;
	_ =	sdelay $0x2  }
0x494: {  	[tilespmem:v56+s23+$0x0] =	vst.idx.msk $0xffff, v4  }
0x495: {  	[tilespmem:v2+s23+$0x0] =	vst.idx.msk $0xffff, v3  }
0x496: {  	v48 =	vld [tilespmem:$0x1FF00];
	[tilespmem:v60+s23+$0x0] =	vst.idx.msk $0xffff, v59  }
0x497: {  	v0 =	vld [tilespmem:$0x1FB70];
	_ =	sdelay $0x1  }
0x498: {  	s3 =	sor.u32 s14, s17  }
0x499: {  	v61 =	vld [tilespmem:s3+$0x0];
	_ =	sdelay $0x4  }
0x49a: {  	[tilespmem:v0+s23+$0x0] =	vst.idx.msk $0xffff, v61  }
0x49b: {  	s22 =	sor.u32 $0x7080, s0;
	v2 =	vld [tilespmem:$0x1FC00]  }
0x49c: {  	s24 =	sor.u32 s13, s22  }
0x49d: {  	s26 =	sor.u32 $0x7080, s28;
	s1 =	sor.u32 s8, s19;
	v4 =	vld [tilespmem:s24+$0x0];
	v9 =	vor.u32 s15, v48  }
0x49e: {  	s29 =	sor.u32 s7, s26;
	v3 =	vld [tilespmem:s1+$0x0]  }
0x49f: {  	s3 =	sor.u32 s14, s22;
	v18 =	vld [tilespmem:s29+$0x0];
	v50 =	vor.u32 s9, v48  }
0x4a0: {  	v51 =	vld [tilespmem:s3+$0x0];
	_ =	sdelay $0x1  }
0x4a1: {  	[tilespmem:v9+s23+$0x0] =	vst.idx.msk $0xffff, v4  }
0x4a2: {  	[tilespmem:v2+s23+$0x0] =	vst.idx.msk $0xffff, v3  }
0x4a3: {  	v45 =	vld [tilespmem:$0x1FF10];
	[tilespmem:v50+s23+$0x0] =	vst.idx.msk $0xffff, v18  }
0x4a4: {  	[tilespmem:v58+s23+$0x0] =	vst.idx.msk $0xffff, v51  }
0x4a5: {  	v2 =	vld [tilespmem:$0x1FC10];
	_ =	sdelay $0x1  }
0x4a6: {  	s5 =	sor.u32 $0x7100, s0;
	s1 =	sor.u32 s8, s26  }
0x4a7: {  	s10 =	sor.u32 s13, s5;
	v3 =	vld [tilespmem:s1+$0x0]  }
0x4a8: {  	v4 =	vld [tilespmem:s10+$0x0];
	v53 =	vor.u32 s15, v45;
	_ =	sdelay $0x3  }
0x4a9: {  	[tilespmem:v2+s23+$0x0] =	vst.idx.msk $0xffff, v3  }
0x4aa: {  	[tilespmem:v53+s23+$0x0] =	vst.idx.msk $0xffff, v4  }
0x4ab: {  	s11 =	sor.u32 $0x7100, s28;
	v50 =	vld [tilespmem:$0x1FEF0]  }
0x4ac: {  	s16 =	sor.u32 s7, s11  }
0x4ad: {  	s3 =	sor.u32 s14, s5;
	v0 =	vld [tilespmem:s16+$0x0];
	v54 =	vor.u32 s9, v45  }
0x4ae: {  	s17 =	sor.u32 $0x7180, s0;
	s1 =	sor.u32 s8, s11;
	v56 =	vld [tilespmem:s3+$0x0]  }
0x4af: {  	s18 =	sor.u32 s13, s17;
	v3 =	vld [tilespmem:s1+$0x0]  }
0x4b0: {  	v4 =	vld [tilespmem:s18+$0x0];
	v58 =	vor.u32 s15, v50;
	_ =	sdelay $0x1  }
0x4b1: {  	[tilespmem:v54+s23+$0x0] =	vst.idx.msk $0xffff, v0  }
0x4b2: {  	[tilespmem:v57+s23+$0x0] =	vst.idx.msk $0xffff, v56  }
0x4b3: {  	[tilespmem:v63+s23+$0x0] =	vst.idx.msk $0xffff, v3  }
0x4b4: {  	[tilespmem:v58+s23+$0x0] =	vst.idx.msk $0xffff, v4  }
0x4b5: {  	s19 =	sor.u32 $0x7180, s28;
	v51 =	vld [tilespmem:$0x1FFC0]  }
0x4b6: {  	s20 =	sor.u32 s7, s19  }
0x4b7: {  	s3 =	sor.u32 s14, s17;
	v0 =	vld [tilespmem:s20+$0x0];
	v59 =	vor.u32 s9, v50  }
0x4b8: {  	s22 =	sor.u32 $0x7200, s0;
	s1 =	sor.u32 s8, s19;
	v2 =	vld [tilespmem:s3+$0x0]  }
0x4b9: {  	s24 =	sor.u32 s13, s22;
	v3 =	vld [tilespmem:s1+$0x0]  }
0x4ba: {  	v4 =	vld [tilespmem:s24+$0x0];
	v60 =	vor.u32 s15, v51;
	_ =	sdelay $0x1  }
0x4bb: {  	[tilespmem:v59+s23+$0x0] =	vst.idx.msk $0xffff, v0  }
0x4bc: {  	[tilespmem:v55+s23+$0x0] =	vst.idx.msk $0xffff, v2  }
0x4bd: {  	[tilespmem:v62+s23+$0x0] =	vst.idx.msk $0xffff, v3  }
0x4be: {  	s26 =	sor.u32 $0x7200, s28;
	[tilespmem:v60+s23+$0x0] =	vst.idx.msk $0xffff, v4  }
0x4bf: {  	s29 =	sor.u32 s7, s26;
	v53 =	vld [tilespmem:$0x1FFA0]  }
0x4c0: {  	s3 =	sor.u32 s14, s22;
	v0 =	vld [tilespmem:s29+$0x0];
	v61 =	vor.u32 s9, v51  }
0x4c1: {  	s1 =	sor.u32 s8, s26;
	v2 =	vld [tilespmem:s3+$0x0]  }
0x4c2: {  	s5 =	sor.u32 $0x7280, s0;
	v3 =	vld [tilespmem:s1+$0x0]  }
0x4c3: {  	s10 =	sor.u32 s13, s5  }
0x4c4: {  	v4 =	vld [tilespmem:s10+$0x0];
	v62 =	vor.u32 s15, v53  }
0x4c5: {  	[tilespmem:v61+s23+$0x0] =	vst.idx.msk $0xffff, v0  }
0x4c6: {  	[tilespmem:v52+s23+$0x0] =	vst.idx.msk $0xffff, v2  }
0x4c7: {  	[tilespmem:v19+s23+$0x0] =	vst.idx.msk $0xffff, v3  }
0x4c8: {  	[tilespmem:v12+s23+$0x0] =	vst.idx.msk $0xffff, v10  }
0x4c9: {  	[tilespmem:v62+s23+$0x0] =	vst.idx.msk $0xffff, v4  }
0x4ca: {  	v6 =	vld [tilespmem:$0x1FB10];
	_ =	sdelay $0x7  }
0x4cb: {  	s11 =	sor.u32 $0x7280, s28;
	v15 =	vld [tilespmem:$0x1FEE0];
	[tilespmem:v6+s23+$0x0] =	vst.idx.msk $0xffff, v11  }
0x4cc: {  	s16 =	sor.u32 s7, s11;
	v13 =	vld [tilespmem:$0x1FEC0]  }
0x4cd: {  	s3 =	sor.u32 s14, s5;
	v0 =	vld [tilespmem:s16+$0x0];
	v63 =	vor.u32 s9, v53  }
0x4ce: {  	s1 =	sor.u32 s8, s11;
	v2 =	vld [tilespmem:s3+$0x0]  }
0x4cf: {  	s17 =	sor.u32 s31, s12;
	s18 =	sor.u32 $0x7300, s0;
	v3 =	vld [tilespmem:s1+$0x0]  }
0x4d0: {  	s19 =	sor.u32 s13, s18;
	v9 =	vld [tilespmem:s17+$0x0];
	v10 =	vor.u32 s30, v15  }
0x4d1: {  	v11 =	vld [tilespmem:s19+$0x0];
	v18 =	vor.u32 s15, v13  }
0x4d2: {  	[tilespmem:v63+s23+$0x0] =	vst.idx.msk $0xffff, v0  }
0x4d3: {  	[tilespmem:v41+s23+$0x0] =	vst.idx.msk $0xffff, v2  }
0x4d4: {  	[tilespmem:v33+s23+$0x0] =	vst.idx.msk $0xffff, v3  }
0x4d5: {  	[tilespmem:v10+s23+$0x0] =	vst.idx.msk $0xffff, v9  }
0x4d6: {  	[tilespmem:v18+s23+$0x0] =	vst.idx.msk $0xffff, v11  }
0x4d7: {  	s20 =	sor.u32 $0x7300, s28;
	v6 =	vld [tilespmem:$0x1FB20]  }
0x4d8: {  	s22 =	sor.u32 s7, s20  }
0x4d9: {  	v1 =	vld [tilespmem:s22+$0x0];
	v52 =	vor.u32 s9, v13  }
0x4da: {  	v19 =	vld [tilespmem:s25+$0x0];
	_ =	sdelay $0x3  }
0x4db: {  	[tilespmem:v52+s23+$0x0] =	vst.idx.msk $0xffff, v1  }
0x4dc: {  	[tilespmem:v6+s23+$0x0] =	vst.idx.msk $0xffff, v19  }
0x4dd: {  	v2 =	vld [tilespmem:$0x1FB80]  }
0x4de: {  	s1 =	sor.u32 s8, s20  }
0x4df: {  	s4 =	sor.u32 s14, s18;
	v55 =	vld [tilespmem:s1+$0x0]  }
0x4e0: {  	v54 =	vld [tilespmem:s4+$0x0];
	_ =	sdelay $0x3  }
0x4e1: {  	[tilespmem:v49+s23+$0x0] =	vst.idx.msk $0xffff, v55  }
0x4e2: {  	[tilespmem:v2+s23+$0x0] =	vst.idx.msk $0xffff, v54  }
0x4e3: {  	s24 =	sor.u32 $0x7380, s0;
	v7 =	vld [tilespmem:$0x1FB00]  }
0x4e4: {  	s25 =	sor.u32 s13, s24  }
0x4e5: {  	v58 =	vor.u32 s15, v15;
	v57 =	vld [tilespmem:s25+$0x0]  }
0x4e6: {  	v56 =	vld [tilespmem:s6+$0x0];
	_ =	sdelay $0x3  }
0x4e7: {  	[tilespmem:v58+s23+$0x0] =	vst.idx.msk $0xffff, v57  }
0x4e8: {  	[tilespmem:v7+s23+$0x0] =	vst.idx.msk $0xffff, v56  }
0x4e9: {  	s26 =	sor.u32 $0x7380, s28;
	v0 =	vld [tilespmem:$0x1FB30]  }
0x4ea: {  	s28 =	sor.u32 s7, s26  }
0x4eb: {  	s2 =	sor.u32 s2, s12;
	v61 =	vor.u32 s9, v15;
	v60 =	vld [tilespmem:s28+$0x0]  }
0x4ec: {  	v59 =	vld [tilespmem:s2+$0x0];
	_ =	sdelay $0x3  }
0x4ed: {  	[tilespmem:v61+s23+$0x0] =	vst.idx.msk $0xffff, v60  }
0x4ee: {  	[tilespmem:v0+s23+$0x0] =	vst.idx.msk $0xffff, v59  }
0x4ef: {  	v0 =	vld [tilespmem:$0x1FB90];
	_ =	sdelay $0x1  }
0x4f0: {  	s0 =	sor.u32 s14, s24  }
0x4f1: {  	s1 =	sor.u32 s8, s26;
	v62 =	vld [tilespmem:s0+$0x0]  }
0x4f2: {  	v63 =	vld [tilespmem:s1+$0x0];
	_ =	sdelay $0x3  }
0x4f3: {  	[tilespmem:v0+s23+$0x0] =	vst.idx.msk $0xffff, v62  }
0x4f4: {  	s29 =	rddreg [dreg:$0xf];
	[tilespmem:v46+s23+$0x0] =	vst.idx.msk $0xffff, v63  }
0x4f5: {  	s31 =	rddreg [dreg:$0xe]  }
0x4f6: {  	s3 =	sadd.s32 $0x1, s31  }
0x4f7: {  	p0 =	sne.s32 s3, $0x1F  }
.Ltmp2:
0x4f8: {  	_ = 	snop;
	(pc) =	sbr.rel @p0 .LBB2_2-.Ltmp2, $4  }
0x4f9: {  	_ = 	snop  }
0x4fa: {  	s0 =	sshll.u32 s29, $0x9;
	s30 =	rddreg [dreg:$0x4];
	v12 =	vld [tilespmem:$0x1FEB0]  }
0x4fb: {  	s6 =	simm.s32 $0x0;
	v41 =	vld [tilespmem:$0x1FF70];
	s0 =	sadd.s32 s30, s0  }
0x4fc: {  	v46 =	vmov v8;
	v49 =	vld [tilespmem:$0x1FFD0];
	[hbm4b:s0+s6] =	stream.linear.scatter [tilespmem:s23], [sflag:$0x4], $0x4000, $0x38  }
0x4fd: {  	s0 =	simm.s32 $0x3  }
0x4fe: {  	_ =	swait.ge [sflag:s0], $0x4000  }
0x4ff: {  	[sflag:s0] =	ssyncset.done $0x0  }
0x500: {  	s1 =	simm.s32 $0x4;
	[sflag:s0] =	ssyncadd.s32 $0xFFFFC000  }
0x501: {  	_ =	swait.ge [sflag:s1], $0x4000  }
0x502: {  	s2 =	rddreg [dreg:$0xd]  }
0x503: {  	s31 =	rddreg [dreg:$0xc];
	s2 =	sadd.s32 $0x1, s2  }
0x504: {  	p0 =	sne.s32 s2, s31  }
.Ltmp3:
0x505: {  	_ = 	snop;
	(pc) =	sbr.rel @p0 .LBB2_1-.Ltmp3, $3  }
0x506: {  	_ =	sdelay $0x1  }
0x507: {  	[sflag:s1] =	ssyncset.done $0x0  }
0x508: {  	[sflag:s1] =	ssyncadd.s32 $0xFFFFC000  }
0x509: {  	_ =	sfence.sel $0x180000  }
0x50a: {  	[bflag:$0x0] =	sbarrier.arrive $0xFFFF  }
0x50b: {  	_ =	strace $0x90000047  }
0x50c: {  	s0 =	stileid.u32;
	[bflag:$0x2] =	sbarrier.arrive $0xFFFF  }
0x50d: {  	p0 =	sne.s32 s0, $0x0;
	s0 =	rddreg [dreg:$0x2]  }
0x50e: {  	s0 =	sadd.s32 @!p0 $0x100000, s0  }
0x50f: {  	[sflag:s0] =	ssyncadd.tile.s32 @!p0 $0x1;
	_ =	shalt  }
.Lfunc_end2:
_tile_overlayer_lowered:
.L_overlay_start_2:
0x510: {  	(tag) =	ssettag $0x2  }
0x511: {  	s0 =	rddreg [dreg:$0x0];
	s2 =	stileid.u32  }
0x512: {  	s1 =	rddreg [dreg:$0x1];
	p0 =	sne.s32 s2, $0x0  }
0x513: {  	s3 =	rddreg [dreg:$0x2];
	[bflag:$0x3] =	sbarrier.arrive $0xFFFF;
	s2 =	simm.s32 @!p0 $0x1C05  }
0x514: {  	[timem:s3], [sflag:s2] =	dma.local @!p0 [hbm:s0], s1  }
0x515: {  	s0 =	simm.s32 @!p0 $0x5  }
0x516: {  	_ =	swait.ge @!p0 [sflag:s0], s1  }
0x517: {  	s1 =	ssub.s32 @!p0 $0x0, s1;
	[sflag:s0] =	ssyncset.done @!p0 $0x0  }
0x518: {  	[sflag:s0] =	ssyncadd.s32 @!p0 s1  }
0x519: {  	[bflag:$0x3] =	sbarrier.arrive $0xFFFF  }
0x51a: {  	_ =	shalt  }

// kernel: kernel.7.cloned.1.call-start
scs
__scs_entry_jumppad:
0x0: {  	(pc) =	sbr.rel $0x88, $3  }
0x1: {  	(tag) =	ssettag $0x0;
	lr =	simm.s32 $0x1  }
0x2: {  	[smem:$0x3F9F] =	sst lr;
	_ =	strace $0xD0000000  }
0x3: {  	_ = 	snop  }
0x4: {  	_ = 	snop  }
0x5: {  	_ = 	snop  }
0x6: {  	_ = 	snop  }
0x7: {  	_ = 	snop  }
__scs_overlays_trampoline_lowered:
0x8: {  	[smem:$0x3FAE] =	sst s0  }
0x9: {  	[smem:$0x3FAF] =	sst s1  }
0xa: {  	[smem:$0x3FB0] =	sst s2  }
0xb: {  	[smem:$0x3FB1] =	sst s3  }
0xc: {  	[smem:$0x3FB2] =	sst s4  }
0xd: {  	[smem:$0x3FB3] =	sst s5  }
0xe: {  	[smem:$0x3FB4] =	sst s6  }
0xf: {  	[smem:$0x3FB5] =	sst s7  }
0x10: {  	[smem:$0x3FB6] =	sst s8  }
0x11: {  	[smem:$0x3FB7] =	sst s9;
	s0 =	simm.s32 @!p0 $0x0  }
0x12: {  	s1 =	sld [smem:$0x3F9D];
	s0 =	simm.s32 @p0 $0x1  }
0x13: {  	[smem:$0x3FB8] =	sst s0;
	s0 =	simm.s32 @!p1 $0x0  }
0x14: {  	s2 =	sld [smem:$0x3F9C];
	s0 =	simm.s32 @p1 $0x1  }
0x15: {  	[smem:$0x3FB9] =	sst s0;
	s0 =	simm.s32 @!p2 $0x0  }
0x16: {  	s3 =	sld [smem:$0x3FDB];
	s0 =	simm.s32 @p2 $0x1  }
0x17: {  	s4 =	simm.s32 $0x1BF5;
	[smem:$0x3FBB] =	sst s0  }
0x18: {  	s0 =	sld [smem:$0x3F9E];
	_ =	swait.ge [sflag:s4], $0x0  }
0x19: {  	s7 =	sld [smem:$0x3F9F]  }
0x1a: {  	s8 =	sadd.s32 $0xFFFFE003, lr  }
0x1b: {  	s9 =	sadd.s32 $0xFFFFFEF7, lr;
	s5 =	simm.s32 $0xFFFFFFFF;
	p2 =	slt.u32 s8, $0xFFFFF086  }
0x1c: {  	p1 =	slt.u32 s9, $0xF7A;
	s5 =	simm.s32 @!p2 $0x0  }
0x1d: {  	s5 =	simm.s32 @p1 $0x1;
	p0 =	seq.s32 s7, s2  }
0x1e: {  	s7 =	smul.u32 @!p0 $0xF7A, s2;
	p2 =	seq.s32 @!p0 s5, $0x0  }
0x1f: {  	s9 =	smul.u32 $0xF7A, s1;
	s8 =	simm.s32 @!p0 $0x1BF5;
	p2 =	por !p2, p0  }
0x20: {  	[sflag:s8] =	ssyncset.s32 @!p0 $0xFFFFF086;
	s6 =	sadd.s32 @!p0 s3, s7;
	s7 =	simm.s32 @!p0 $0x108  }
0x21: {  	s3 =	sadd.s32 s3, s9;
	s6 =	sadd.s32 @!p0 $0x88, s6;
	s7 =	simm.s32 @p2 $0x1082  }
0x22: {  	[simem:s7], [sflag:s8] =	dma.local @!p0 [hbm:s6], $0xF7A  }
0x23: {  	s9 =	sor.u32 $0xD0000000, s2;
	s6 =	simm.s32 $0x108;
	_ =	swait.ge @!p0 [sflag:s8], $0x0  }
0x24: {  	s3 =	sadd.s32 $0x88, s3;
	s6 =	simm.s32 @!p1 $0x1082;
	[sflag:s4] =	ssyncset.s32 $0xFFFFF086  }
0x25: {  	[simem:s6], [sflag:s4] =	dma.local [hbm:s3], $0xF7A  }
0x26: {  	[smem:$0x3F9F] =	sst s1;
	(tag) =	ssettag s2;
	_ =	strace s9  }
0x27: {  	s1 =	sld [smem:$0x3FAF]  }
0x28: {  	s2 =	sld [smem:$0x3FB0]  }
0x29: {  	s4 =	sld [smem:$0x3FB2]  }
0x2a: {  	p0 =	seq.s32 s5, $0x0;
	s5 =	sld [smem:$0x3FB3]  }
0x2b: {  	s6 =	sld [smem:$0x3FB4]  }
0x2c: {  	s7 =	sld [smem:$0x3FB5]  }
0x2d: {  	s3 =	simm.s32 $0x108;
	s8 =	sld [smem:$0x3FB6]  }
0x2e: {  	s3 =	simm.s32 @!p0 $0x1082;
	s9 =	sld [smem:$0x3FB7]  }
0x2f: {  	lr =	sadd.s32 s0, s3;
	s0 =	sld [smem:$0x3FAE]  }
0x30: {  	s3 =	sld [smem:$0x3FB1]  }
0x31: {  	[smem:$0x3FBA] =	sst s10  }
0x32: {  	s10 =	sld [smem:$0x3FB8];
	_ =	sdelay $0x3  }
0x33: {  	p0 =	seq.s32 s10, $0x1;
	s10 =	sld [smem:$0x3FBA];
	_ =	sdelay $0x3  }
0x34: {  	[smem:$0x3FBA] =	sst s10  }
0x35: {  	s10 =	sld [smem:$0x3FB9];
	_ =	sdelay $0x3  }
0x36: {  	p1 =	seq.s32 s10, $0x1;
	s10 =	sld [smem:$0x3FBA];
	_ =	sdelay $0x3  }
0x37: {  	[smem:$0x3FBA] =	sst s10  }
0x38: {  	s10 =	sld [smem:$0x3FBB]  }
0x39: {  	_ = 	snop;
	(pc) =	sbr.ind lr, $3  }
0x3a: {  	_ = 	snop  }
0x3b: {  	_ = 	snop  }
0x3c: {  	p2 =	seq.s32 s10, $0x1;
	s10 =	sld [smem:$0x3FBA]  }
0x3d: {  	_ =	shalt  }
0x3e: {  	_ =	shalt  }
0x3f: {  	_ =	shalt  }
0x40: {  	_ =	shalt  }
0x41: {  	_ =	shalt  }
0x42: {  	_ =	shalt  }
0x43: {  	_ =	shalt  }
0x44: {  	_ =	shalt  }
0x45: {  	_ =	shalt  }
0x46: {  	_ =	shalt  }
0x47: {  	_ =	shalt  }
0x48: {  	_ =	shalt  }
0x49: {  	_ =	shalt  }
0x4a: {  	_ =	shalt  }
0x4b: {  	_ =	shalt  }
0x4c: {  	_ =	shalt  }
0x4d: {  	_ =	shalt  }
0x4e: {  	_ =	shalt  }
0x4f: {  	_ =	shalt  }
0x50: {  	_ =	shalt  }
0x51: {  	_ =	shalt  }
0x52: {  	_ =	shalt  }
0x53: {  	_ =	shalt  }
0x54: {  	_ =	shalt  }
0x55: {  	_ =	shalt  }
0x56: {  	_ =	shalt  }
0x57: {  	_ =	shalt  }
0x58: {  	_ =	shalt  }
0x59: {  	_ =	shalt  }
0x5a: {  	_ =	shalt  }
0x5b: {  	_ =	shalt  }
0x5c: {  	_ =	shalt  }
0x5d: {  	_ =	shalt  }
0x5e: {  	_ =	shalt  }
0x5f: {  	_ =	shalt  }
0x60: {  	_ =	shalt  }
0x61: {  	_ =	shalt  }
0x62: {  	_ =	shalt  }
0x63: {  	_ =	shalt  }
0x64: {  	_ =	shalt  }
0x65: {  	_ =	shalt  }
0x66: {  	_ =	shalt  }
0x67: {  	_ =	shalt  }
0x68: {  	_ =	shalt  }
0x69: {  	_ =	shalt  }
0x6a: {  	_ =	shalt  }
0x6b: {  	_ =	shalt  }
0x6c: {  	_ =	shalt  }
0x6d: {  	_ =	shalt  }
0x6e: {  	_ =	shalt  }
0x6f: {  	_ =	shalt  }
0x70: {  	_ =	shalt  }
0x71: {  	_ =	shalt  }
0x72: {  	_ =	shalt  }
0x73: {  	_ =	shalt  }
0x74: {  	_ =	shalt  }
0x75: {  	_ =	shalt  }
0x76: {  	_ =	shalt  }
0x77: {  	_ =	shalt  }
0x78: {  	_ =	shalt  }
0x79: {  	_ =	shalt  }
0x7a: {  	_ =	shalt  }
0x7b: {  	_ =	shalt  }
0x7c: {  	_ =	shalt  }
0x7d: {  	_ =	shalt  }
0x7e: {  	_ =	shalt  }
0x7f: {  	_ =	shalt  }
0x80: {  	_ =	shalt  }
0x81: {  	_ =	shalt  }
0x82: {  	_ =	shalt  }
0x83: {  	_ =	shalt  }
0x84: {  	_ =	shalt  }
0x85: {  	_ =	shalt  }
0x86: {  	_ =	shalt  }
0x87: {  	_ =	shalt  }
.Lfunc_end0:
.L_simem_size_0:
called_computation.2_lowered:
.L_overlay_start_0:
0x88: {  	s2 =	sld [smem:$0x3FD9]  }
0x89: {  	s3 =	sld [smem:$0x3FFE];
	_ =	sdelay $0x1  }
0x8a: {  	s1 =	srdreg.scid  }
0x8b: {  	s0 =	sand.u32 $0x1, s1  }
0x8c: {  	s17 =	sshll.u32 s0, $0xA;
	s2 =	sadd.s32 s3, s2  }
0x8d: {  	s2 =	sadd.s32 s2, s17  }
0x8e: {  	[smem:$0x3FC6] =	sst s2  }
0x8f: {  	_ = 	snop  }
0x90: {  	s2 =	sld [smem:$0x3FD0];
	(tm) =	ssettm $0x1  }
0x91: {  	s18 =	sld [smem:$0x3FFB];
	_ =	sdelay $0x3  }
0x92: {  	_ =	strace s18  }
0x93: {  	s3 =	sld [smem:$0x3FFC];
	_ =	sdelay $0x3  }
0x94: {  	_ =	strace s3  }
0x95: {  	s3 =	sld [smem:$0x3FFD];
	_ =	sdelay $0x3  }
0x96: {  	_ =	strace s3  }
0x97: {  	_ =	strace $0x8FFFFFFF  }
0x98: {  	s19 =	sld [smem:$0x3FDB];
	_ =	sdelay $0x1  }
0x99: {  	s4 =	simm.s32 $_scs_section_size  }
0x9a: {  	s5 =	simm.s32 $_size__tile_overlayer_lowered;
	s6 =	simm.s32 $_tile_overlayer_lowered  }
0x9b: {  	s22 =	simm.s32 $0x1BFF;
	s21 =	sshll.u32 s6, $0x1;
	s3 =	sadd.s32 s4, s19  }
0x9c: {  	s7 =	simm.s32 $0x0;
	s20 =	sshll.u32 s5, $0x1;
	s5 =	sadd.s32 s21, s3  }
0x9d: {  	[timem:s7], [sflag:s22] =	dma.local [hbm:s5], s20  }
0x9e: {  	_ =	swait.ge [sflag:s22], s20  }
0x9f: {  	s4 =	ssub.s32 $0x0, s20;
	[sflag:s22] =	ssyncset.done $0x0  }
0xa0: {  	[sflag:s22] =	ssyncadd.s32 s4;
	_ =	sdelay $0x1  }
0xa1: {  	s23 =	simm.s32 $0x1B8B  }
0xa2: {  	_ =	swait.ge [sflag:s23], $0x1  }
0xa3: {  	[sflag:s23] =	ssyncset.done $0x0  }
0xa4: {  	s25 =	simm.s32 $0x1B8E;
	s24 =	sld [smem:$0x3FFE];
	[sflag:s23] =	ssyncadd.s32 $0xFFFFFFFF  }
0xa5: {  	s26 =	simm.s32 $execute0_lowered;
	[smem:$0x3FD2] =	sst s25  }
0xa6: {  	s5 =	sshll.u32 s26, $0x1;
	_ =	strace $0x80000049;
	[dreg:$0x1] =	wrdreg $0xFFFFFFFF  }
0xa7: {  	s28 =	simm.s32 $_size_execute0_lowered;
	s3 =	sadd.s32 s3, s5;
	[dreg:$0x0] =	wrdreg $0x0  }
0xa8: {  	s5 =	sshll.u32 s28, $0x1;
	[dreg:$0x2] =	wrdreg s3  }
0xa9: {  	[dreg:$0x3] =	wrdreg s5  }
0xaa: {  	[dreg:$0x4] =	wrdreg $0xC0  }
0xab: {  	_ =	task [dreg:s7], $0x5FFFF  }
0xac: {  	[dreg:$0x1] =	wrdreg $0xFFFFFFFF  }
0xad: {  	[dreg:$0x0] =	wrdreg $0x60  }
0xae: {  	[dreg:$0x2] =	wrdreg s24  }
0xaf: {  	[dreg:$0x3] =	wrdreg s2  }
0xb0: {  	[dreg:$0x4] =	wrdreg $0x9  }
0xb1: {  	_ =	task.clear_ibuf [dreg:s7], $0x5FFFF;
	_ =	strace $0x90000049  }
0xb2: {  	s29 =	simm.s32 $0x9;
	_ =	strace $0x8000004B  }
0xb3: {  	_ =	swait.ge [sflag:s29], $0x1  }
0xb4: {  	[sflag:s29] =	ssyncadd.s32 $0xFFFFFFFF  }
0xb5: {  	_ =	strace $0x9000004B  }
0xb6: {  	_ =	sfence  }
0xb7: {  	s30 =	sld [smem:$0x0];
	_ =	sdelay $0x2  }
0xb8: {  	s31 =	sshll.u32 s1, $0xD;
	s1 =	sshrl.u32 s1, $0x2  }
0xb9: {  	s3 =	sand.u32 $0x4000, s31;
	s1 =	sadd.s32 s1, s30  }
0xba: {  	s0 =	sor.u32 s3, s0;
	s1 =	sshll.u32 s1, $0x11  }
0xbb: {  	s0 =	sor.u32 s1, s0  }
0xbc: {  	s0 =	sadd.s32 $0x8F2B, s0  }
0xbd: {  	[sflag:s0] =	ssyncadd.remote.s32 $0x1  }
0xbe: {  	_ =	sfence.sel $0xFFFF  }
0xbf: {  	[dreg:$0x0] =	wrdreg $0xFFFFFFFF;
	(pc) =	sbr.abs _section_cstart, $3  }
0xc0: {  	[dreg:$0x1] =	wrdreg $0xFFFFFFFF  }
0xc1: {  	_ =	task.clear_ibuf [dreg:s7], $0x2FFFF;
	_ =	strace $0x9FFFFFFF  }
0xc2: {  	(tm) =	ssettm $0x7FFFFFFF  }
0xc3: {  	_ =	shalt  }
tec
execute0_lowered:
.L_overlay_start_1:
0x0: {  	(tag) =	ssettag $0x1  }
0x1: {  	s4 =	rddreg [dreg:$0x0]  }
0x2: {  	s5 =	rddreg [dreg:$0x1]  }
0x3: {  	s0 =	rddreg [dreg:$0x2];
	s3 =	srdreg.scid  }
0x4: {  	s1 =	stileid.u32;
	s2 =	simm.s32 $0x0;
	s14 =	simm.s32 $0x6400  }
0x5: {  	s15 =	simm.s32 $0x1;
	s16 =	simm.s32 $0x12C00;
	s17 =	simm.s32 $0x20  }
0x6: {  	s18 =	simm.s32 $0x80;
	s19 =	simm.s32 $0x2;
	s20 =	simm.s32 $0x3  }
0x7: {  	s21 =	simm.s32 $0xC80;
	s22 =	simm.s32 $0x4;
	s23 =	simm.s32 $0x5DC0  }
0x8: {  	s24 =	simm.s32 $0x0;
	s8 =	sand.u32 $0x1, s3;
	s11 =	smul.u32 $0xC800, s1  }
0x9: {  	s28 =	sshll.u32 s1, $0x1;
	[smem:$0x7FF] =	sst s2;
	s30 =	smul.u32 $0xC8000, s1  }
0xa: {  	s3 =	sadd.s32 $0xE00, s4;
	s10 =	sadd.s32 $0x3D1800, s4;
	s12 =	smul.u32 $0x6400, s8  }
0xb: {  	s6 =	sor.u32 s8, s28;
	s29 =	ssub.s32 $0x2, s8;
	s13 =	smul.u32 $0x64000, s8  }
0xc: {  	_ =	strace $0x8000004A;
	s7 =	smul.u32 $0x6400, s6;
	s9 =	sshrl.u32 s29, $0x1  }
0xd: {  	s6 =	smul.u32 $0x64000, s6;
	s31 =	sadd.s32 s30, s10;
	s9 =	ssub.s32 s29, s9  }
0xe: {  	s11 =	sadd.s32 s12, s11;
	s12 =	sadd.s32 s13, s31;
	s13 =	simm.s32 $0x640  }
0xf: {  	s7 =	sshrl.u32 s7, $0x3;
	s6 =	sadd.s32 s10, s6;
	s11 =	sshll.u32 s11, $0x4  }
0x10: {  	s4 =	sadd.s32 s5, s7;
	s5 =	smax.u32 s9, $0x1;
	s7 =	sadd.s32 $0x6400, s6  }
0x11: {  	s8 =	sadd.s32 $0x57800, s6;
	s9 =	sadd.s32 $0x5DC00, s6;
	s11 =	sadd.s32 s10, s11  }
0x12: {  	s10 =	sadd.s32 $0xC800, s12;
	s12 =	simm.s32 $0x5;
	s11 =	sadd.s32 $0x12C00, s11  }
.LBB2_1:
0x13: {  	[tilespmem:s2], [sflag:$0x5] =	stream.linear.gather [hbm4b:s4+s2], $0x6400, $0x38;
	[tilespmem:$0x1F400] =	vst v63  }
0x14: {  	_ =	swait.ge [sflag:s12], $0x6400  }
0x15: {  	[sflag:s12] =	ssyncset.done $0x0  }
0x16: {  	[sflag:s12] =	ssyncadd.s32 $0xFFFF9C00  }
0x17: {  	[tilespmem:s14], [sflag:$0x1] =	stream.indirect.gather [hbm4b:s3+s13], $0x20, s2, s13, $0xb8;
	[tilespmem:$0x1F400] =	vst v63  }
0x18: {  	_ =	swait.ge [sflag:s15], $0xC800  }
0x19: {  	[sflag:s15] =	ssyncset.done $0x0  }
0x1a: {  	[sflag:s15] =	ssyncadd.s32 $0xFFFF3800  }
0x1b: {  	[tilespmem:s16], [sflag:$0x2] =	stream.indirect.gather [hbm4b:s3+s13], $0x20, s13, s13, $0xb8;
	[tilespmem:$0x1F400] =	vst v63  }
0x1c: {  	_ = 	snop  }
0x1d: {  	[hbm4b:s6+s17] =	stream.strided.scatter [tilespmem:s14], [sflag:$0x3], $0xC800, s18, s17, $0x38;
	[tilespmem:$0x1F400] =	vst v63  }
0x1e: {  	_ =	swait.ge [sflag:s19], $0xC800  }
0x1f: {  	[sflag:s19] =	ssyncset.done $0x0  }
0x20: {  	[sflag:s19] =	ssyncadd.s32 $0xFFFF3800  }
0x21: {  	_ =	swait.ge [sflag:s20], $0xC800  }
0x22: {  	[sflag:s20] =	ssyncset.done $0x0  }
0x23: {  	[sflag:s20] =	ssyncadd.s32 $0xFFFF3800  }
0x24: {  	[tilespmem:s14], [sflag:$0x1] =	stream.indirect.gather [hbm4b:s3+s13], $0x20, s21, s13, $0xb8;
	[tilespmem:$0x1F400] =	vst v63  }
0x25: {  	_ = 	snop  }
0x26: {  	[hbm4b:s7+s17] =	stream.strided.scatter [tilespmem:s16], [sflag:$0x4], $0xC800, s18, s17, $0x38;
	[tilespmem:$0x1F400] =	vst v63  }
0x27: {  	_ =	swait.ge [sflag:s15], $0xC800  }
0x28: {  	[sflag:s15] =	ssyncset.done $0x0  }
0x29: {  	[sflag:s15] =	ssyncadd.s32 $0xFFFF3800  }
0x2a: {  	_ =	swait.ge [sflag:s22], $0xC800  }
0x2b: {  	[sflag:s22] =	ssyncset.done $0x0  }
0x2c: {  	s25 =	simm.s32 $0x12C0;
	[sflag:s22] =	ssyncadd.s32 $0xFFFF3800  }
0x2d: {  	[tilespmem:s16], [sflag:$0x2] =	stream.indirect.gather [hbm4b:s3+s13], $0x20, s25, s13, $0xb8;
	[tilespmem:$0x1F400] =	vst v63  }
0x2e: {  	s30 =	sadd.s32 $0x0, s10  }
0x2f: {  	[hbm4b:s30+s17] =	stream.strided.scatter [tilespmem:s14], [sflag:$0x3], $0xC800, s18, s17, $0x38;
	[tilespmem:$0x1F400] =	vst v63  }
0x30: {  	_ =	swait.ge [sflag:s19], $0xC800  }
0x31: {  	[sflag:s19] =	ssyncset.done $0x0  }
0x32: {  	[sflag:s19] =	ssyncadd.s32 $0xFFFF3800  }
0x33: {  	_ =	swait.ge [sflag:s20], $0xC800  }
0x34: {  	s31 =	simm.s32 $0x1900;
	s28 =	sadd.s32 $0x0, s11;
	[sflag:s20] =	ssyncset.done $0x0  }
0x35: {  	s26 =	simm.s32 $0x2580;
	s25 =	simm.s32 $0xC800;
	[sflag:s20] =	ssyncadd.s32 $0xFFFF3800  }
0x36: {  	[tilespmem:s14], [sflag:$0x1] =	stream.indirect.gather [hbm4b:s3+s13], $0x20, s31, s13, $0xb8;
	[tilespmem:$0x1F400] =	vst v63  }
.LBB2_2:
0x37: {  	[hbm4b:s28+s17] =	stream.strided.scatter [tilespmem:s16], [sflag:$0x4], $0xC800, s18, s17, $0x38;
	[tilespmem:$0x1F400] =	vst v63  }
0x38: {  	s28 =	smov.u32 s25  }
0x39: {  	p0 =	sne.s32 s25, $0x3E800;
	s25 =	sadd.s32 $0xC800, s25;
	_ =	swait.ge [sflag:s15], $0xC800  }
0x3a: {  	[sflag:s15] =	ssyncset.done $0x0  }
0x3b: {  	[sflag:s15] =	ssyncadd.s32 $0xFFFF3800  }
0x3c: {  	_ =	swait.ge [sflag:s22], $0xC800  }
0x3d: {  	[sflag:s22] =	ssyncset.done $0x0  }
0x3e: {  	s29 =	sadd.s32 $0xFFFFF9C0, s26;
	[sflag:s22] =	ssyncadd.s32 $0xFFFF3800  }
0x3f: {  	[tilespmem:s16], [sflag:$0x2] =	stream.indirect.gather [hbm4b:s3+s13], $0x20, s29, s13, $0xb8;
	[tilespmem:$0x1F400] =	vst v63  }
0x40: {  	s29 =	sadd.s32 s28, s10  }
0x41: {  	[hbm4b:s29+s17] =	stream.strided.scatter [tilespmem:s14], [sflag:$0x3], $0xC800, s18, s17, $0x38;
	[tilespmem:$0x1F400] =	vst v63  }
0x42: {  	_ =	swait.ge [sflag:s19], $0xC800  }
0x43: {  	[sflag:s19] =	ssyncset.done $0x0  }
0x44: {  	[sflag:s19] =	ssyncadd.s32 $0xFFFF3800  }
.Ltmp0:
0x45: {  	_ =	swait.ge [sflag:s20], $0xC800;
	(pc) =	sbr.rel @p0 .LBB2_2-.Ltmp0, $4  }
0x46: {  	[sflag:s20] =	ssyncset.done $0x0  }
0x47: {  	[sflag:s20] =	ssyncadd.s32 $0xFFFF3800  }
0x48: {  	[tilespmem:s14], [sflag:$0x1] =	stream.indirect.gather [hbm4b:s3+s13], $0x20, s26, s13, $0xb8;
	[tilespmem:$0x1F400] =	vst v63  }
0x49: {  	s28 =	sadd.s32 s28, s11;
	s26 =	sadd.s32 $0xC80, s26  }
0x4a: {  	[hbm4b:s28+s17] =	stream.strided.scatter [tilespmem:s16], [sflag:$0x4], $0xC800, s18, s17, $0x38;
	[tilespmem:$0x1F400] =	vst v63  }
0x4b: {  	_ =	swait.ge [sflag:s15], $0xC800  }
0x4c: {  	[sflag:s15] =	ssyncset.done $0x0  }
0x4d: {  	[sflag:s15] =	ssyncadd.s32 $0xFFFF3800  }
0x4e: {  	_ =	swait.ge [sflag:s22], $0xC800  }
0x4f: {  	[sflag:s22] =	ssyncset.done $0x0  }
0x50: {  	[sflag:s22] =	ssyncadd.s32 $0xFFFF3800  }
0x51: {  	[tilespmem:s16], [sflag:$0x2] =	stream.indirect.gather [hbm4b:s3+s13], $0x20, s23, s13, $0xb8;
	[tilespmem:$0x1F400] =	vst v63  }
0x52: {  	_ = 	snop  }
0x53: {  	[hbm4b:s8+s17] =	stream.strided.scatter [tilespmem:s14], [sflag:$0x3], $0xC800, s18, s17, $0x38;
	[tilespmem:$0x1F400] =	vst v63  }
0x54: {  	_ =	swait.ge [sflag:s19], $0xC800  }
0x55: {  	[sflag:s19] =	ssyncset.done $0x0  }
0x56: {  	s24 =	sadd.s32 $0x1, s24;
	[sflag:s19] =	ssyncadd.s32 $0xFFFF3800  }
0x57: {  	[hbm4b:s9+s17] =	stream.strided.scatter [tilespmem:s16], [sflag:$0x4], $0xC800, s18, s17, $0x38;
	[tilespmem:$0x1F400] =	vst v63  }
0x58: {  	p0 =	sne.s32 s24, s5;
	_ =	swait.ge [sflag:s20], $0xC800  }
.Ltmp1:
0x59: {  	[sflag:s20] =	ssyncset.done $0x0;
	(pc) =	sbr.rel @p0 .LBB2_1-.Ltmp1, $4  }
0x5a: {  	[sflag:s20] =	ssyncadd.s32 $0xFFFF3800  }
0x5b: {  	_ =	swait.ge [sflag:s22], $0xC800  }
0x5c: {  	[sflag:s22] =	ssyncset.done $0x0  }
0x5d: {  	[sflag:s22] =	ssyncadd.s32 $0xFFFF3800  }
0x5e: {  	_ =	sfence.sel $0x180000  }
0x5f: {  	[bflag:$0x0] =	sbarrier.arrive $0xFFFF  }
0x60: {  	p0 =	sne.s32 s1, $0x0;
	_ =	strace $0x9000004A  }
0x61: {  	s0 =	sadd.s32 @!p0 $0x100000, s0;
	[bflag:$0x2] =	sbarrier.arrive $0xFFFF  }
0x62: {  	[sflag:s0] =	ssyncadd.tile.s32 @!p0 $0x1;
	_ =	shalt  }
.Lfunc_end2:
_tile_overlayer_lowered:
.L_overlay_start_2:
0x63: {  	(tag) =	ssettag $0x2  }
0x64: {  	s0 =	rddreg [dreg:$0x0];
	s2 =	stileid.u32  }
0x65: {  	s1 =	rddreg [dreg:$0x1];
	p0 =	sne.s32 s2, $0x0  }
0x66: {  	s3 =	rddreg [dreg:$0x2];
	[bflag:$0x3] =	sbarrier.arrive $0xFFFF;
	s2 =	simm.s32 @!p0 $0x1C05  }
0x67: {  	[timem:s3], [sflag:s2] =	dma.local @!p0 [hbm:s0], s1  }
0x68: {  	s0 =	simm.s32 @!p0 $0x5  }
0x69: {  	_ =	swait.ge @!p0 [sflag:s0], s1  }
0x6a: {  	s1 =	ssub.s32 @!p0 $0x0, s1;
	[sflag:s0] =	ssyncset.done @!p0 $0x0  }
0x6b: {  	[sflag:s0] =	ssyncadd.s32 @!p0 s1  }
0x6c: {  	[bflag:$0x3] =	sbarrier.arrive $0xFFFF  }
0x6d: {  	_ =	shalt  }

// kernel: sparse-core-data-format-call.cloned.1.call-start
scs
called_computation_lowered:
.L_overlay_start_0:
0x0: {  	s2 =	sld [smem:$0x3FD9]  }
0x1: {  	s3 =	sld [smem:$0x3FFE];
	_ =	sdelay $0x1  }
0x2: {  	s1 =	srdreg.scid  }
0x3: {  	s0 =	sand.u32 $0x1, s1  }
0x4: {  	s18 =	sshll.u32 s0, $0xA;
	s2 =	sadd.s32 s3, s2  }
0x5: {  	s2 =	sadd.s32 s2, s18  }
0x6: {  	[smem:$0x3FC6] =	sst s2  }
0x7: {  	_ = 	snop  }
0x8: {  	s2 =	sld [smem:$0x3FD0];
	(tm) =	ssettm $0x1  }
0x9: {  	s19 =	sld [smem:$0x3FFB];
	_ =	sdelay $0x3  }
0xa: {  	_ =	strace s19  }
0xb: {  	s3 =	sld [smem:$0x3FFC];
	_ =	sdelay $0x3  }
0xc: {  	_ =	strace s3  }
0xd: {  	s3 =	sld [smem:$0x3FFD];
	_ =	sdelay $0x3  }
0xe: {  	_ =	strace s3  }
0xf: {  	_ =	strace $0x8FFFFFFF  }
0x10: {  	s20 =	sld [smem:$0x3FDB];
	_ =	sdelay $0x1  }
0x11: {  	s4 =	simm.s32 $_scs_section_size  }
0x12: {  	s5 =	simm.s32 $_size__tile_overlayer_lowered;
	s6 =	simm.s32 $_tile_overlayer_lowered  }
0x13: {  	s23 =	simm.s32 $0x1BFF;
	s22 =	sshll.u32 s6, $0x1;
	s3 =	sadd.s32 s4, s20  }
0x14: {  	s7 =	simm.s32 $0x0;
	s21 =	sshll.u32 s5, $0x1;
	s5 =	sadd.s32 s22, s3  }
0x15: {  	[timem:s7], [sflag:s23] =	dma.local [hbm:s5], s21  }
0x16: {  	_ =	swait.ge [sflag:s23], s21  }
0x17: {  	s4 =	ssub.s32 $0x0, s21;
	[sflag:s23] =	ssyncset.done $0x0  }
0x18: {  	[sflag:s23] =	ssyncadd.s32 s4;
	_ =	sdelay $0x1  }
0x19: {  	s24 =	simm.s32 $0x1B8B  }
0x1a: {  	_ =	swait.ge [sflag:s24], $0x1  }
0x1b: {  	[sflag:s24] =	ssyncset.done $0x0  }
0x1c: {  	s26 =	simm.s32 $0x1B8E;
	s25 =	sld [smem:$0x3FFE];
	[sflag:s24] =	ssyncadd.s32 $0xFFFFFFFF  }
0x1d: {  	s27 =	simm.s32 $execute0_lowered;
	[smem:$0x3FD2] =	sst s26  }
0x1e: {  	s5 =	sshll.u32 s27, $0x1;
	_ =	strace $0x8000004C;
	[dreg:$0x1] =	wrdreg $0xFFFFFFFF  }
0x1f: {  	s28 =	simm.s32 $_size_execute0_lowered;
	s3 =	sadd.s32 s3, s5;
	[dreg:$0x0] =	wrdreg $0x0  }
0x20: {  	s5 =	sshll.u32 s28, $0x1;
	[dreg:$0x2] =	wrdreg s3  }
0x21: {  	[dreg:$0x3] =	wrdreg s5  }
0x22: {  	[dreg:$0x4] =	wrdreg $0xC0  }
0x23: {  	_ =	task [dreg:s7], $0x5FFFF  }
0x24: {  	[dreg:$0x1] =	wrdreg $0xFFFFFFFF  }
0x25: {  	[dreg:$0x0] =	wrdreg $0x60  }
0x26: {  	[dreg:$0x2] =	wrdreg s25  }
0x27: {  	[dreg:$0x3] =	wrdreg s2  }
0x28: {  	[dreg:$0x4] =	wrdreg $0x9  }
0x29: {  	_ =	task.clear_ibuf [dreg:s7], $0x5FFFF;
	_ =	strace $0x9000004C  }
0x2a: {  	s29 =	simm.s32 $0x9;
	_ =	strace $0x8000004E  }
0x2b: {  	_ =	swait.ge [sflag:s29], $0x1  }
0x2c: {  	[sflag:s29] =	ssyncadd.s32 $0xFFFFFFFF  }
0x2d: {  	_ =	strace $0x9000004E  }
0x2e: {  	_ =	sfence  }
0x2f: {  	s30 =	sld [smem:$0x0];
	_ =	sdelay $0x2  }
0x30: {  	s31 =	sshll.u32 s1, $0xD;
	s1 =	sshrl.u32 s1, $0x2  }
0x31: {  	s3 =	sand.u32 $0x4000, s31;
	s1 =	sadd.s32 s1, s30  }
0x32: {  	s0 =	sor.u32 s3, s0;
	s1 =	sshll.u32 s1, $0x11  }
0x33: {  	s0 =	sor.u32 s1, s0  }
0x34: {  	s0 =	sadd.s32 $0x8F2B, s0  }
0x35: {  	[sflag:s0] =	ssyncadd.remote.s32 $0x1  }
0x36: {  	_ =	sfence.sel $0xFFFF  }
0x37: {  	[dreg:$0x0] =	wrdreg $0xFFFFFFFF;
	(pc) =	sbr.abs _section_cstart, $3  }
0x38: {  	[dreg:$0x1] =	wrdreg $0xFFFFFFFF  }
0x39: {  	_ =	task.clear_ibuf [dreg:s7], $0x2FFFF;
	_ =	strace $0x9FFFFFFF  }
0x3a: {  	(tm) =	ssettm $0x7FFFFFFF  }
0x3b: {  	_ =	shalt  }
tec
execute0_lowered:
.L_overlay_start_1:
0x0: {  	(tag) =	ssettag $0x1  }
0x1: {  	s0 =	srdreg.scid  }
0x2: {  	s1 =	sshll.u32 s0, $0x4  }
0x3: {  	s4 =	rddreg [dreg:$0x0];
	s0 =	stileid.u32;
	s1 =	sand.u32 $0x10, s1  }
0x4: {  	s2 =	rddreg [dreg:$0x1];
	s7 =	simm.s32 $0x1;
	s1 =	sor.u32 s0, s1  }
0x5: {  	s8 =	simm.s32 $0x2;
	s11 =	simm.s32 $0x0;
	s3 =	sshll.u32 s1, $0x7  }
0x6: {  	s10 =	simm.s32 $0x0;
	s4 =	sadd.s32 $0x3D1800, s4;
	s6 =	ssub.s32 $0xC8000, s3  }
.Ltmp0:
0x7: {  	s1 =	rddreg [dreg:$0x2];
	s5 =	sand.u32 $0xF80, s6;
	(pc) =	sbr.rel .LBB1_1-.Ltmp0, $4  }
0x8: {  	_ =	strace $0x8000004D;
	s9 =	smov.u32 s3;
	p0 =	sne.s32 s5, $0x0  }
0x9: {  	s6 =	sshrl.u32 s6, $0xC;
	s5 =	simm.s32 $0x1;
	s7 =	simm.s32 @!p0 $0x0  }
0xa: {  	[sflag:s5] =	ssyncpa.u1 $0x0;
	p0 =	por $0x0, $0x0;
	s6 =	sadd.s32 s7, s6  }
0xb: {  	[sflag:s8] =	ssyncpa.u1 $0x0;
	s8 =	simm.s32 $0x640000;
	s7 =	sadd.s32 $0x1, s6  }
.LBB1_4:
0xc: {  	s14 =	sshll.u32 s11, $0x3  }
0xd: {  	s30 =	sand.u32 $0x7F, s11;
	s15 =	sand.u32 $0xFFFFFC00, s14  }
0xe: {  	s11 =	sor.u32 s30, s15  }
0xf: {  	s15 =	smulhi.u32 $0x51EB851F, s11  }
0x10: {  	s14 =	smulhi.u32 $0x51EB851F, s14  }
0x11: {  	s15 =	sshrl.u32 s15, $0x12  }
0x12: {  	s14 =	sshrl.u32 s14, $0x12;
	s15 =	smul.u32 $0xC8000, s15  }
0x13: {  	s14 =	sand.u32 $0x1F, s14  }
0x14: {  	s14 =	smul.u32 $0x19000, s14;
	s11 =	ssub.s32 s11, s15  }
0x15: {  	s15 =	sand.u32 $0x7, s11  }
0x16: {  	s14 =	sadd.s32 s2, s14;
	s11 =	sshrl.u32 s11, $0x3;
	s15 =	sshll.u32 s15, $0x12  }
0x17: {  	[tilespmem:s13+$0x0 ss:$0x81] =	vst.msk $0xffff, v0;
	s11 =	sadd.s32 s11, s14;
	s31 =	sor.u32 $0x400, s15  }
0x18: {  	[hbm4b:s11+s31] =	stream.strided.scatter [tilespmem:s12], [sflag:$0x2], $0x1000, s8, s31, $0x20;
	[tilespmem:$0x4040] =	vst v63  }
.LBB1_5:
0x19: {  	s13 =	sadd.s32 $0x1000, s9  }
0x1a: {  	p2 =	sgt.s32 s13, $0xC7FFF  }
0x1b: {  	s13 =	smov.u32 @p2 s3;
	p2 =	sne.s32 s10, s7  }
.Ltmp1:
0x1c: {  	p1 =	slt.u32 s10, $0x2;
	(pc) =	sbr.rel @!p2 .LBB1_6-.Ltmp1, $4  }
0x1d: {  	s12 =	simm.s32 @!p1 $0x2  }
0x1e: {  	s14 =	sadd.s32 $0x1, s10;
	_ =	swait.ge @!p1 [sflag:s12], $0x1000  }
0x1f: {  	s11 =	smov.u32 s9;
	p0 =	por !p0, !p0;
	[sflag:s12] =	ssyncset.done @!p1 $0x0  }
0x20: {  	s10 =	smov.u32 s14;
	s9 =	smov.u32 s13;
	[sflag:s12] =	ssyncadd.s32 @!p1 $0xFFFFF000  }
.LBB1_1:
0x21: {  	p1 =	sge.u32 s10, s6  }
0x22: {  	s12 =	sand.u32 @!p1 $0x1FFFFFF, s9  }
0x23: {  	s13 =	smulhi.u32 @!p1 $0x147AE15, s12;
	_ =	sdelay $0x1  }
0x24: {  	s13 =	sshrl.u32 @!p1 s13, $0xC  }
0x25: {  	s13 =	smul.u32 @!p1 $0xC8000, s13;
	_ =	sdelay $0x1  }
0x26: {  	s31 =	sadd.s32 $0xFFFFFFFF, s10;
	s14 =	sxor.u32 @!p1 $0xFFFFFFFF, s10;
	s12 =	ssub.s32 @!p1 s12, s13  }
0x27: {  	s15 =	simm.s32 @!p1 $0x80;
	s14 =	sshll.u32 @!p1 s14, $0xC;
	s12 =	sshll.u32 @!p1 s12, $0x4  }
0x28: {  	s13 =	sand.u32 @!p1 $0x1000, s14;
	s14 =	simm.s32 @!p1 $0x20;
	s12 =	sadd.s32 @!p1 s4, s12  }
0x29: {  	[tilespmem:s13], [sflag:$0x1] =	stream.strided.gather @!p1 [hbm4b:s12+s14], $0x1000, s15, s14, $0x38;
	[tilespmem:$0x4040] =	vst v63  }
0x2a: {  	p1 =	sge.u32 s31, s6  }
.Ltmp2:
0x2b: {  	_ = 	snop;
	(pc) =	sbr.rel @p1 .LBB1_5-.Ltmp2, $1  }
0x2c: {  	_ =	sdelay $0x3  }
0x2d: {  	s12 =	simm.s32 $0x1  }
0x2e: {  	_ =	swait.ge [sflag:s5], $0x1000;
	s12 =	simm.s32 @!p0 $0x0  }
0x2f: {  	[sflag:s5] =	ssyncset.done $0x0;
	s13 =	sshll.u32 s12, $0xC  }
0x30: {  	[sflag:s5] =	ssyncadd.s32 $0xFFFFF000;
	s16 =	sor.u32 $0x10, s13  }
0x31: {  	s12 =	smul.u32 $0x4080, s12;
	v1 =	vld [tilespmem:s16+$0x0]  }
0x32: {  	s30 =	sand.u32 $0x1, s10;
	v0 =	vld [tilespmem:s16+$0xFFFFFFF0]  }
0x33: {  	s13 =	smul.u32 $0x4080, s30;
	s12 =	sshrl.u32 s12, $0x2  }
0x34: {  	s14 =	sor.u32 $0x2000, s12  }
0x35: {  	s31 =	sshrl.u32 s13, $0x2;
	s13 =	sadd.s32 $0x0, s14  }
0x36: {  	s15 =	simm.s32 $0x4;
	s16 =	sadd.s32 $0x20, s16;
	s12 =	sor.u32 $0x2000, s31;
	[tilespmem:s13+$0x810 ss:$0x81] =	vst.msk $0xffff, v1  }
.LBB1_3:
0x37: {  	v1 =	vld [tilespmem:s16+$0x0];
	p1 =	sne.s32 s15, $0x1FC;
	[tilespmem:s13+$0x0 ss:$0x81] =	vst.msk $0xffff, v0;
	s13 =	smov.u32 s15;
	s15 =	sadd.s32 $0x4, s15  }
.Ltmp3:
0x38: {  	v0 =	vld [tilespmem:s16+$0xFFFFFFF0];
	(pc) =	sbr.rel @p1 .LBB1_3-.Ltmp3, $4  }
0x39: {  	_ = 	snop  }
0x3a: {  	s13 =	sshra.s32 s13, $0x2  }
0x3b: {  	s13 =	sadd.s32 s13, s14  }
0x3c: {  	s16 =	sadd.s32 $0x20, s16;
	[tilespmem:s13+$0x810 ss:$0x81] =	vst.msk $0xffff, v1  }
.Ltmp4:
0x3d: {  	_ = 	snop;
	(pc) =	sbr.rel .LBB1_4-.Ltmp4, $1  }
0x3e: {  	_ =	sdelay $0x3  }
.LBB1_6:
0x3f: {  	_ =	sfence.sel $0x180000  }
0x40: {  	s2 =	simm.s32 $0x1;
	[bflag:$0x0] =	sbarrier.arrive $0xFFFF  }
0x41: {  	s31 =	simm.s32 $0x2;
	[sflag:s2] =	ssyncpa.u1 $0x1  }
0x42: {  	[sflag:s31] =	ssyncpa.u1 $0x1  }
0x43: {  	p0 =	sne.s32 s0, $0x0;
	_ =	strace $0x9000004D  }
0x44: {  	s0 =	sadd.s32 @!p0 $0x100000, s1;
	[bflag:$0x2] =	sbarrier.arrive $0xFFFF  }
0x45: {  	[sflag:s0] =	ssyncadd.tile.s32 @!p0 $0x1;
	_ =	shalt  }
.Lfunc_end1:
_tile_overlayer_lowered:
.L_overlay_start_2:
0x46: {  	(tag) =	ssettag $0x2  }
0x47: {  	s0 =	rddreg [dreg:$0x0];
	s2 =	stileid.u32  }
0x48: {  	s1 =	rddreg [dreg:$0x1];
	p0 =	sne.s32 s2, $0x0  }
0x49: {  	s3 =	rddreg [dreg:$0x2];
	[bflag:$0x3] =	sbarrier.arrive $0xFFFF;
	s2 =	simm.s32 @!p0 $0x1C01  }
0x4a: {  	[timem:s3], [sflag:s2] =	dma.local @!p0 [hbm:s0], s1  }
0x4b: {  	s0 =	simm.s32 @!p0 $0x1  }
0x4c: {  	_ =	swait.ge @!p0 [sflag:s0], s1  }
0x4d: {  	s1 =	ssub.s32 @!p0 $0x0, s1;
	[sflag:s0] =	ssyncset.done @!p0 $0x0  }
0x4e: {  	[sflag:s0] =	ssyncadd.s32 @!p0 s1  }
0x4f: {  	[bflag:$0x3] =	sbarrier.arrive $0xFFFF  }
0x50: {  	_ =	shalt  }

</sc_bundles>
